<compile_context>
chip_gen: v7x
topology: tpu7x:2x2x1
jax: 0.10.2.dev20260603
libtpu: 0.0.44.dev20260713+nightly
codegen_flags: <defaults>
</compile_context>

<pallas_src>
import functools

import jax
import jax.numpy as jnp
from jax import lax
from jax.experimental import pallas as pl
from jax.experimental.pallas import tpu as pltpu
from jax.experimental.pallas import tpu_sc as plsc

B, L, D = 16, 4096, 1024
NC, NS = 2, 16
SCW = 512
K = SCW // 128
G = (NC * NS) // K
DCW = 128
NV = DCW // 16
R = 64
PD = 4
MAXC = B * (L // (R * G))

TCW = D - SCW
TBLK = 2048


def _body(t_hbm, len_hbm, out_hbm, len_v, buf, accv, tmpv, shared,
          sb, sl0, srv, slast, sems):
    cid = lax.axis_index("c")
    sid = lax.axis_index("s")
    g = lax.rem(sid, G)
    dc = cid * (K // NC) + (sid - g) // G
    d0 = pl.multiple_of(dc * DCW, DCW)
    pltpu.sync_copy(len_hbm, len_v.at[pl.ds(0, B)])

    def build_batch(b, j):
        len_b = len_v[pl.ds(b, 16)][0]
        nchunks = (len_b + (R - 1)) // R
        nk = lax.max(0, (nchunks - g + (G - 1)) // G)

        def put(k, j2):
            c = g + k * G
            sb[j2] = b
            sl0[j2] = c * R
            srv[j2] = len_b - c * R
            slast[j2] = (k == nk - 1).astype(jnp.int32)
            return j2 + 1

        return lax.fori_loop(0, nk, put, j)

    t_total = lax.fori_loop(0, B, build_batch, 0)

    def zero_body(i, _):
        accv[i // NV, pl.ds(16 * lax.rem(i, NV), 16)] = jnp.zeros(
            (16,), jnp.float32)
        return 0

    lax.fori_loop(0, B * NV, zero_body, 0, unroll=4)

    def start(j, par):
        l0 = pl.multiple_of(sl0[j], R)
        pltpu.async_copy(
            t_hbm.at[sb[j], pl.ds(l0, R), pl.ds(d0, DCW)],
            buf.at[par], sems.at[par])

    def wait(j, par):
        l0 = pl.multiple_of(sl0[j], R)
        pltpu.make_async_copy(
            t_hbm.at[sb[j], pl.ds(l0, R), pl.ds(d0, DCW)],
            buf.at[par], sems.at[par]).wait()

    for i in range(PD - 1):
        @pl.when(i < t_total)
        def _():
            start(i, i)

    zero = jnp.zeros((16,), jnp.float32)

    def flat_body(j, acc):
        par = lax.rem(j, PD)
        wait(j, par)

        @pl.when(j + (PD - 1) < t_total)
        def _():
            start(j + (PD - 1), lax.rem(j + (PD - 1), PD))

        rows_valid = srv[j]

        def row_body(r, a):
            m = jnp.broadcast_to(
                (r < rows_valid).astype(jnp.float32), (16,))
            return tuple(
                a[x] + buf[par, r, pl.ds(16 * x, 16)] * m
                for x in range(NV))

        acc = lax.fori_loop(0, R, row_body, acc, unroll=4)
        b = sb[j]
        last = slast[j]

        @pl.when(last == 1)
        def _():
            for x in range(NV):
                accv[b, pl.ds(16 * x, 16)] = acc[x]

        keep = jnp.broadcast_to((last == 0).astype(jnp.float32), (16,))
        return tuple(a * keep for a in acc)

    lax.fori_loop(0, t_total, flat_body, (zero,) * NV)

    pltpu.sync_copy(accv, shared.at[sid])
    plsc.subcore_barrier()

    @pl.when(g == 0)
    def _():
        for j in range(1, G):
            pltpu.sync_copy(shared.at[sid + j], tmpv)

            def add_body(i, _):
                o = pl.ds(16 * lax.rem(i, NV), 16)
                r = i // NV
                accv[r, o] = accv[r, o] + tmpv[r, o]
                return 0

            lax.fori_loop(0, B * NV, add_body, 0, unroll=4)

        def div_body(b, _):
            len_b = len_v[pl.ds(b, 16)][0]
            denom = jnp.broadcast_to(len_b.astype(jnp.float32), (16,))
            for x in range(NV):
                accv[b, pl.ds(16 * x, 16)] = accv[b, pl.ds(16 * x, 16)] / denom
            return 0

        lax.fori_loop(0, B, div_body, 0)
        pltpu.sync_copy(accv, out_hbm.at[:, pl.ds(d0, DCW)])


def _sc_pooled(tensor, lengths):
    mesh = plsc.VectorSubcoreMesh(
        core_axis_name="c", subcore_axis_name="s",
        num_cores=NC, num_subcores=NS)
    f = pl.kernel(
        _body,
        out_type=jax.ShapeDtypeStruct((B, SCW), jnp.float32),
        mesh=mesh,
        scratch_types=[
            pltpu.VMEM((B + 16,), jnp.int32),
            pltpu.VMEM((PD, R, DCW), jnp.float32),
            pltpu.VMEM((B, DCW), jnp.float32),
            pltpu.VMEM((B, DCW), jnp.float32),
            pltpu.VMEM_SHARED((NS, B, DCW), jnp.float32),
            pltpu.SMEM((MAXC,), jnp.int32),
            pltpu.SMEM((MAXC,), jnp.int32),
            pltpu.SMEM((MAXC,), jnp.int32),
            pltpu.SMEM((MAXC,), jnp.int32),
            pltpu.SemaphoreType.DMA((PD,)),
        ],
    )
    return f(tensor, lengths)


def _tc_body(len_ref, x_ref, o_ref):
    j = pl.program_id(1)
    len_b = len_ref[pl.program_id(0)]

    @pl.when(j == 0)
    def _():
        o_ref[...] = jnp.zeros_like(o_ref)

    @pl.when(j * TBLK < len_b)
    def _():
        rows = len_b - j * TBLK
        m = (lax.broadcasted_iota(jnp.int32, (TBLK, 1), 0)
             < rows).astype(jnp.float32)
        o_ref[...] += jnp.sum(x_ref[0] * m, axis=0)[None, None, :]

    @pl.when(j == (L // TBLK) - 1)
    def _():
        o_ref[...] = o_ref[...] / len_b.astype(jnp.float32)


def _tc_pooled(tensor, lengths):
    grid_spec = pltpu.PrefetchScalarGridSpec(
        num_scalar_prefetch=1,
        grid=(B, L // TBLK),
        in_specs=[
            pl.BlockSpec(
                (1, TBLK, TCW),
                lambda b, j, lens: (
                    b,
                    jnp.minimum(j, (lens[b] + (TBLK - 1)) // TBLK - 1),
                    SCW // TCW),
            ),
        ],
        out_specs=pl.BlockSpec((1, 1, TCW), lambda b, j, lens: (b, 0, 0)),
    )
    out3 = pl.pallas_call(
        _tc_body,
        grid_spec=grid_spec,
        out_shape=jax.ShapeDtypeStruct((B, 1, TCW), jnp.float32),
        compiler_params=pltpu.CompilerParams(
            dimension_semantics=("arbitrary", "arbitrary")),
    )(lengths, tensor)
    return out3.reshape(B, TCW)


@jax.jit
def _pooled(tensor, lengths):
    sc_out = _sc_pooled(tensor, lengths)
    tc_out = _tc_pooled(tensor, lengths)
    return jnp.concatenate([sc_out, tc_out], axis=1)


def kernel(tensor, lengths):
    return _pooled(tensor, lengths.astype(jnp.int32))

# --- scband reference (transcript-rebuilt; emitter-appended) ---
"""Pipeline reference for scband-mean-stat-pool1-d-7816840479294 (READ-ONLY COPY).

The authoritative reference and input builder live on the scoring server;
editing this copy changes nothing except your own understanding.
"""

import jax, jax.numpy as jnp
import numpy as np


def setup_inputs(seed: int = 0) -> dict:
    key = jax.random.key(seed)
    k1, k2 = jax.random.split(key)
    tensor = jax.random.normal(k1, (16, 4096, 1024), dtype=jnp.float32)
    lengths = jax.random.randint(k2, (16,), 0, 4096)
    # lengths must be >= 1 so the masked mean is well-defined (torch mean over an
    # empty slice would produce NaN); clamp to 1.
    lengths = jnp.maximum(lengths, 1)
    return {"tensor": tensor, "lengths": lengths}


def reference(tensor, lengths):
    # MeanStatPool1D with dim_to_reduce=1: for each batch item i, take the mean
    # over the first lengths[i] positions along the sequence axis (axis=1).
    # Equivalent masked-mean formulation (faithful to per-row torch.mean over
    # tensor[i:i+1, :lengths[i], :]).
    B, L, D = tensor.shape
    pos = jnp.arange(L, dtype=lengths.dtype)
    mask = (pos[None, :] < lengths[:, None]).astype(tensor.dtype)  # [B, L]
    summed = jnp.sum(tensor * mask[:, :, None], axis=1)            # [B, D]
    denom = lengths.astype(tensor.dtype)[:, None]                  # [B, 1]
    return summed / denom

if __name__ == "__main__":
    import jax
    _d = setup_inputs()
    print(jax.jit(kernel)(*tuple(_d.values())))

</pallas_src>

<mosaic_0001>
#map = affine_map<(d0, d1) -> (0, 0, 0)>
#map1 = affine_map<(d0, d1) -> (0)>
#map2 = affine_map<(d0, d1) -> (0, 0)>
module attributes {stable_mosaic.version = 14 : i64} {
  func.func @_body(%arg0: i32, %arg1: i32, %arg2: memref<16x4096x1024xf32, #tpu.memory_space<hbm>>, %arg3: memref<16xi32, #tpu.memory_space<hbm>>, %arg4: memref<16x512xf32, #tpu.memory_space<hbm>>, %arg5: memref<32xi32, #tpu.memory_space<vmem>>, %arg6: memref<4x64x128xf32, #tpu.memory_space<vmem>>, %arg7: memref<16x128xf32, #tpu.memory_space<vmem>>, %arg8: memref<16x128xf32, #tpu.memory_space<vmem>>, %arg9: memref<16x16x128xf32, #tpu.memory_space<vmem_shared>>, %arg10: memref<128xi32, #tpu.memory_space<smem>>, %arg11: memref<128xi32, #tpu.memory_space<smem>>, %arg12: memref<128xi32, #tpu.memory_space<smem>>, %arg13: memref<128xi32, #tpu.memory_space<smem>>, %arg14: memref<4x!tpu.dma_semaphore, #tpu.memory_space<semaphore_mem>>) attributes {dimension_semantics = [#tpu.dimension_semantics<core_parallel>, #tpu.dimension_semantics<subcore_parallel>], iteration_bounds = array<i64: 2, 16>, scalar_prefetch = 0 : i64, scratch_operands = 10 : i64, tpu.core_type = #tpu.core_type<sc_vector_subcore>, window_params = [{transform_indices = #map}, {transform_indices = #map1}, {transform_indices = #map2}]} {
    %rem3A = arith.constant 8 : i32
    %rem3A_0 = arith.remsi %arg1, %rem3A : i32
    %mul3A = arith.constant 2 : i32
    %mul3A_1 = arith.muli %arg0, %mul3A : i32
    %sub3A = arith.subi %arg1, %rem3A_0 : i32
    %jit3A = arith.constant 8 : i32
    %div3A = arith.divsi %sub3A, %jit3A : i32
    %sign3A = arith.constant 0 : i32
    %sign3A_2 = arith.cmpi sgt, %sub3A, %sign3A : i32
    %sign3A_3 = arith.extui %sign3A_2 : i1 to i32
    %sign3A_4 = arith.constant 0 : i32
    %sign3A_5 = arith.cmpi slt, %sub3A, %sign3A_4 : i32
    %sign3A_6 = arith.extui %sign3A_5 : i1 to i32
    %sign3A_7 = arith.subi %sign3A_3, %sign3A_6 : i32
    %sign3A_8 = arith.constant 0 : i32
    %sign3A_9 = arith.cmpi sgt, %jit3A, %sign3A_8 : i32
    %sign3A_10 = arith.extui %sign3A_9 : i1 to i32
    %sign3A_11 = arith.constant 0 : i32
    %sign3A_12 = arith.cmpi slt, %jit3A, %sign3A_11 : i32
    %sign3A_13 = arith.extui %sign3A_12 : i1 to i32
    %sign3A_14 = arith.subi %sign3A_10, %sign3A_13 : i32
    %ne3A = arith.cmpi ne, %sign3A_7, %sign3A_14 : i32
    %rem3A_15 = arith.remsi %sub3A, %jit3A : i32
    %ne3A_16 = arith.constant 0 : i32
    %ne3A_17 = arith.cmpi ne, %rem3A_15, %ne3A_16 : i32
    %and3A = arith.andi %ne3A, %ne3A_17 : i1
    %sub3A_18 = arith.constant 1 : i32
    %sub3A_19 = arith.subi %div3A, %sub3A_18 : i32
    %select_n3A = arith.select %and3A, %sub3A_19, %div3A : i32
    %add3A = arith.addi %mul3A_1, %select_n3A : i32
    %mul3A_20 = arith.constant 128 : i32
    %mul3A_21 = arith.muli %add3A, %mul3A_20 : i32
    %multiple_of3A = tpu.assume_multiple %mul3A_21, 128 : i32
    "tpu.region"() ({
      %run_scoped3A = tpu.sem_alloc : memref<!tpu.dma_semaphore, #tpu.memory_space<semaphore_mem>>
      %dma_start3A = arith.constant 0 : i32
      %dma_start3A_62 = tpu.memref_slice %arg5[%dma_start3A] : memref<32xi32, #tpu.memory_space<vmem>> -> memref<16xi32, #tpu.memory_space<vmem>>
      %dma_start3A_63 = arith.constant 0 : i32
      %dma_start3A_64 = tpu.memref_slice %arg5[%dma_start3A_63] : memref<32xi32, #tpu.memory_space<vmem>> -> memref<16xi32, #tpu.memory_space<vmem>>
      tpu.enqueue_dma source(%arg3 : memref<16xi32, #tpu.memory_space<hbm>>) target(%dma_start3A_64 : memref<16xi32, #tpu.memory_space<vmem>>) target_semaphore(%run_scoped3A : memref<!tpu.dma_semaphore, #tpu.memory_space<semaphore_mem>>)
      %dma_wait3A = arith.constant 0 : i32
      %dma_wait3A_65 = tpu.memref_slice %arg5[%dma_wait3A] : memref<32xi32, #tpu.memory_space<vmem>> -> memref<16xi32, #tpu.memory_space<vmem>>
      %dma_wait3A_66 = arith.constant 0 : i32
      %dma_wait3A_67 = tpu.memref_slice %arg5[%dma_wait3A_66] : memref<32xi32, #tpu.memory_space<vmem>> -> memref<16xi32, #tpu.memory_space<vmem>>
      tpu.wait_dma2 semaphore(%run_scoped3A : memref<!tpu.dma_semaphore, #tpu.memory_space<semaphore_mem>>) src(%arg3 : memref<16xi32, #tpu.memory_space<hbm>>) dst(%dma_wait3A_67 : memref<16xi32, #tpu.memory_space<vmem>>)
      tpu.yield
    }) : () -> ()
    %scan3A = arith.constant 0 : i32
    %scan3A_22 = arith.constant 0 : i32
    %scan3A_23 = arith.constant 16 : i32
    %scan3A_24 = arith.addi %scan3A_22, %scan3A_23 : i32
    %scan3A_25 = arith.constant 1 : i32
    %scan3A_26 = scf.for %scan3A_62 = %scan3A_22 to %scan3A_24 step %scan3A_25 iter_args(%scan3A_63 = %scan3A) -> (i32)  : i32 {
      %get3A = arith.index_cast %scan3A_62 : i32 to index
      %get3A_64 = tpu.vector_load %arg5[%get3A] {strides = array<i32>} : memref<32xi32, #tpu.memory_space<vmem>>, vector<16xi32>,
      %get3A_65 = vector.shape_cast %get3A_64 : vector<16xi32> to vector<16xi32>
      %slice3A = vector.extract_strided_slice %get3A_65 {offsets = [0], sizes = [1], strides = [1]} : vector<16xi32> to vector<1xi32>
      %squeeze3A = vector.extract %slice3A[0] : i32 from vector<1xi32>
      %add3A_66 = arith.constant 63 : i32
      %add3A_67 = arith.addi %squeeze3A, %add3A_66 : i32
      %jit3A_68 = arith.constant 64 : i32
      %div3A_69 = arith.divsi %add3A_67, %jit3A_68 : i32
      %sign3A_70 = arith.constant 0 : i32
      %sign3A_71 = arith.cmpi sgt, %add3A_67, %sign3A_70 : i32
      %sign3A_72 = arith.extui %sign3A_71 : i1 to i32
      %sign3A_73 = arith.constant 0 : i32
      %sign3A_74 = arith.cmpi slt, %add3A_67, %sign3A_73 : i32
      %sign3A_75 = arith.extui %sign3A_74 : i1 to i32
      %sign3A_76 = arith.subi %sign3A_72, %sign3A_75 : i32
      %sign3A_77 = arith.constant 0 : i32
      %sign3A_78 = arith.cmpi sgt, %jit3A_68, %sign3A_77 : i32
      %sign3A_79 = arith.extui %sign3A_78 : i1 to i32
      %sign3A_80 = arith.constant 0 : i32
      %sign3A_81 = arith.cmpi slt, %jit3A_68, %sign3A_80 : i32
      %sign3A_82 = arith.extui %sign3A_81 : i1 to i32
      %sign3A_83 = arith.subi %sign3A_79, %sign3A_82 : i32
      %ne3A_84 = arith.cmpi ne, %sign3A_76, %sign3A_83 : i32
      %rem3A_85 = arith.remsi %add3A_67, %jit3A_68 : i32
      %ne3A_86 = arith.constant 0 : i32
      %ne3A_87 = arith.cmpi ne, %rem3A_85, %ne3A_86 : i32
      %and3A_88 = arith.andi %ne3A_84, %ne3A_87 : i1
      %sub3A_89 = arith.constant 1 : i32
      %sub3A_90 = arith.subi %div3A_69, %sub3A_89 : i32
      %select_n3A_91 = arith.select %and3A_88, %sub3A_90, %div3A_69 : i32
      %sub3A_92 = arith.subi %select_n3A_91, %rem3A_0 : i32
      %add3A_93 = arith.constant 7 : i32
      %add3A_94 = arith.addi %sub3A_92, %add3A_93 : i32
      %jit3A_95 = arith.constant 8 : i32
      %div3A_96 = arith.divsi %add3A_94, %jit3A_95 : i32
      %sign3A_97 = arith.constant 0 : i32
      %sign3A_98 = arith.cmpi sgt, %add3A_94, %sign3A_97 : i32
      %sign3A_99 = arith.extui %sign3A_98 : i1 to i32
      %sign3A_100 = arith.constant 0 : i32
      %sign3A_101 = arith.cmpi slt, %add3A_94, %sign3A_100 : i32
      %sign3A_102 = arith.extui %sign3A_101 : i1 to i32
      %sign3A_103 = arith.subi %sign3A_99, %sign3A_102 : i32
      %sign3A_104 = arith.constant 0 : i32
      %sign3A_105 = arith.cmpi sgt, %jit3A_95, %sign3A_104 : i32
      %sign3A_106 = arith.extui %sign3A_105 : i1 to i32
      %sign3A_107 = arith.constant 0 : i32
      %sign3A_108 = arith.cmpi slt, %jit3A_95, %sign3A_107 : i32
      %sign3A_109 = arith.extui %sign3A_108 : i1 to i32
      %sign3A_110 = arith.subi %sign3A_106, %sign3A_109 : i32
      %ne3A_111 = arith.cmpi ne, %sign3A_103, %sign3A_110 : i32
      %rem3A_112 = arith.remsi %add3A_94, %jit3A_95 : i32
      %ne3A_113 = arith.constant 0 : i32
      %ne3A_114 = arith.cmpi ne, %rem3A_112, %ne3A_113 : i32
      %and3A_115 = arith.andi %ne3A_111, %ne3A_114 : i1
      %sub3A_116 = arith.constant 1 : i32
      %sub3A_117 = arith.subi %div3A_96, %sub3A_116 : i32
      %select_n3A_118 = arith.select %and3A_115, %sub3A_117, %div3A_96 : i32
      %max3A = arith.constant 0 : i32
      %max3A_119 = arith.maxsi %max3A, %select_n3A_118 : i32
      %while3A_120 = arith.constant 0 : i32
      %while3A_121 = arith.subi %max3A_119, %while3A_120 : i32
      %while3A_122 = arith.addi %while3A_120, %while3A_121 : i32
      %while3A_123 = arith.constant 1 : i32
      %while3A_124 = arith.divsi %while3A_121, %while3A_123 : i32
      %while3A_125 = arith.muli %while3A_124, %while3A_123 : i32
      %while3A_126 = arith.addi %while3A_120, %while3A_125 : i32
      %while3A_127 = arith.constant 1 : i32
      %while3A_128 = scf.for %while3A_131 = %while3A_120 to %while3A_126 step %while3A_127 iter_args(%while3A_132 = %scan3A_63) -> (i32)  : i32 {
        %mul3A_133 = arith.constant 8 : i32
        %mul3A_134 = arith.muli %while3A_131, %mul3A_133 : i32
        %add3A_135 = arith.addi %rem3A_0, %mul3A_134 : i32
        %swap3A = arith.index_cast %while3A_132 : i32 to index
        %swap3A_136 = memref.load %arg10[%swap3A] : memref<128xi32, #tpu.memory_space<smem>>
        memref.store %scan3A_62, %arg10[%swap3A] : memref<128xi32, #tpu.memory_space<smem>>
        %mul3A_137 = arith.constant 64 : i32
        %mul3A_138 = arith.muli %add3A_135, %mul3A_137 : i32
        %swap3A_139 = arith.index_cast %while3A_132 : i32 to index
        %swap3A_140 = memref.load %arg11[%swap3A_139] : memref<128xi32, #tpu.memory_space<smem>>
        memref.store %mul3A_138, %arg11[%swap3A_139] : memref<128xi32, #tpu.memory_space<smem>>
        %mul3A_141 = arith.constant 64 : i32
        %mul3A_142 = arith.muli %add3A_135, %mul3A_141 : i32
        %sub3A_143 = arith.subi %squeeze3A, %mul3A_142 : i32
        %swap3A_144 = arith.index_cast %while3A_132 : i32 to index
        %swap3A_145 = memref.load %arg12[%swap3A_144] : memref<128xi32, #tpu.memory_space<smem>>
        memref.store %sub3A_143, %arg12[%swap3A_144] : memref<128xi32, #tpu.memory_space<smem>>
        %sub3A_146 = arith.constant 1 : i32
        %sub3A_147 = arith.subi %max3A_119, %sub3A_146 : i32
        %eq3A_148 = arith.cmpi eq, %while3A_131, %sub3A_147 : i32
        %convert_element_type3A_149 = arith.extui %eq3A_148 : i1 to i32
        %swap3A_150 = arith.index_cast %while3A_132 : i32 to index
        %swap3A_151 = memref.load %arg13[%swap3A_150] : memref<128xi32, #tpu.memory_space<smem>>
        memref.store %convert_element_type3A_149, %arg13[%swap3A_150] : memref<128xi32, #tpu.memory_space<smem>>
        %add3A_152 = arith.constant 1 : i32
        %add3A_153 = arith.addi %while3A_132, %add3A_152 : i32
        scf.yield %add3A_153 : i32
      }
      %while3A_129 = arith.constant 1 : i32
      %while3A_130 = scf.for %while3A_131 = %while3A_126 to %while3A_122 step %while3A_129 iter_args(%while3A_132 = %while3A_128) -> (i32)  : i32 {
        %mul3A_133 = arith.constant 8 : i32
        %mul3A_134 = arith.muli %while3A_131, %mul3A_133 : i32
        %add3A_135 = arith.addi %rem3A_0, %mul3A_134 : i32
        %swap3A = arith.index_cast %while3A_132 : i32 to index
        %swap3A_136 = memref.load %arg10[%swap3A] : memref<128xi32, #tpu.memory_space<smem>>
        memref.store %scan3A_62, %arg10[%swap3A] : memref<128xi32, #tpu.memory_space<smem>>
        %mul3A_137 = arith.constant 64 : i32
        %mul3A_138 = arith.muli %add3A_135, %mul3A_137 : i32
        %swap3A_139 = arith.index_cast %while3A_132 : i32 to index
        %swap3A_140 = memref.load %arg11[%swap3A_139] : memref<128xi32, #tpu.memory_space<smem>>
        memref.store %mul3A_138, %arg11[%swap3A_139] : memref<128xi32, #tpu.memory_space<smem>>
        %mul3A_141 = arith.constant 64 : i32
        %mul3A_142 = arith.muli %add3A_135, %mul3A_141 : i32
        %sub3A_143 = arith.subi %squeeze3A, %mul3A_142 : i32
        %swap3A_144 = arith.index_cast %while3A_132 : i32 to index
        %swap3A_145 = memref.load %arg12[%swap3A_144] : memref<128xi32, #tpu.memory_space<smem>>
        memref.store %sub3A_143, %arg12[%swap3A_144] : memref<128xi32, #tpu.memory_space<smem>>
        %sub3A_146 = arith.constant 1 : i32
        %sub3A_147 = arith.subi %max3A_119, %sub3A_146 : i32
        %eq3A_148 = arith.cmpi eq, %while3A_131, %sub3A_147 : i32
        %convert_element_type3A_149 = arith.extui %eq3A_148 : i1 to i32
        %swap3A_150 = arith.index_cast %while3A_132 : i32 to index
        %swap3A_151 = memref.load %arg13[%swap3A_150] : memref<128xi32, #tpu.memory_space<smem>>
        memref.store %convert_element_type3A_149, %arg13[%swap3A_150] : memref<128xi32, #tpu.memory_space<smem>>
        %add3A_152 = arith.constant 1 : i32
        %add3A_153 = arith.addi %while3A_132, %add3A_152 : i32
        scf.yield %add3A_153 : i32
      }
      scf.yield %while3A_130 : i32
    }
    %scan3A_27 = arith.constant 16 : i32
    %scan3A_28 = arith.constant 0 : i32
    %scan3A_29 = arith.constant 0 : i32
    %scan3A_30 = arith.constant 128 : i32
    %scan3A_31 = arith.addi %scan3A_29, %scan3A_30 : i32
    %scan3A_32 = arith.constant 4 : i32
    %scan3A_33 = scf.for %scan3A_62 = %scan3A_29 to %scan3A_31 step %scan3A_32 iter_args(%scan3A_63 = %scan3A_28) -> (i32)  : i32 {
      %broadcast_in_dim3A_64 = arith.constant 0.000000e+00 : f32
      %broadcast_in_dim3A_65 = vector.broadcast %broadcast_in_dim3A_64 : f32 to vector<16xf32>
      %jit3A_66 = arith.constant 8 : i32
      %div3A_67 = arith.divsi %scan3A_62, %jit3A_66 : i32
      %sign3A_68 = arith.constant 0 : i32
      %sign3A_69 = arith.cmpi sgt, %scan3A_62, %sign3A_68 : i32
      %sign3A_70 = arith.extui %sign3A_69 : i1 to i32
      %sign3A_71 = arith.constant 0 : i32
      %sign3A_72 = arith.cmpi slt, %scan3A_62, %sign3A_71 : i32
      %sign3A_73 = arith.extui %sign3A_72 : i1 to i32
      %sign3A_74 = arith.subi %sign3A_70, %sign3A_73 : i32
      %sign3A_75 = arith.constant 0 : i32
      %sign3A_76 = arith.cmpi sgt, %jit3A_66, %sign3A_75 : i32
      %sign3A_77 = arith.extui %sign3A_76 : i1 to i32
      %sign3A_78 = arith.constant 0 : i32
      %sign3A_79 = arith.cmpi slt, %jit3A_66, %sign3A_78 : i32
      %sign3A_80 = arith.extui %sign3A_79 : i1 to i32
      %sign3A_81 = arith.subi %sign3A_77, %sign3A_80 : i32
      %ne3A_82 = arith.cmpi ne, %sign3A_74, %sign3A_81 : i32
      %rem3A_83 = arith.remsi %scan3A_62, %jit3A_66 : i32
      %ne3A_84 = arith.constant 0 : i32
      %ne3A_85 = arith.cmpi ne, %rem3A_83, %ne3A_84 : i32
      %and3A_86 = arith.andi %ne3A_82, %ne3A_85 : i1
      %sub3A_87 = arith.constant 1 : i32
      %sub3A_88 = arith.subi %div3A_67, %sub3A_87 : i32
      %select_n3A_89 = arith.select %and3A_86, %sub3A_88, %div3A_67 : i32
      %rem3A_90 = arith.constant 8 : i32
      %rem3A_91 = arith.remsi %scan3A_62, %rem3A_90 : i32
      %mul3A_92 = arith.constant 16 : i32
      %mul3A_93 = arith.muli %mul3A_92, %rem3A_91 : i32
      %swap3A = arith.index_cast %select_n3A_89 : i32 to index
      %swap3A_94 = arith.index_cast %mul3A_93 : i32 to index
      %swap3A_95 = tpu.vector_load %arg7[%swap3A, %swap3A_94] {strides = array<i32>} : memref<16x128xf32, #tpu.memory_space<vmem>>, vector<1x16xf32>,
      %swap3A_96 = vector.shape_cast %swap3A_95 : vector<1x16xf32> to vector<16xf32>
      %swap3A_97 = vector.shape_cast %broadcast_in_dim3A_65 : vector<16xf32> to vector<1x16xf32>
      tpu.vector_store %arg7[%swap3A, %swap3A_94], %swap3A_97 {strides = array<i32>} : memref<16x128xf32, #tpu.memory_space<vmem>>, vector<1x16xf32>,
      %scan3A_98 = arith.constant 0 : i32
      %scan3A_99 = arith.constant 1 : i32
      %scan3A_100 = arith.addi %scan3A_62, %scan3A_99 : i32
      %broadcast_in_dim3A_101 = arith.constant 0.000000e+00 : f32
      %broadcast_in_dim3A_102 = vector.broadcast %broadcast_in_dim3A_101 : f32 to vector<16xf32>
      %jit3A_103 = arith.constant 8 : i32
      %div3A_104 = arith.divsi %scan3A_100, %jit3A_103 : i32
      %sign3A_105 = arith.constant 0 : i32
      %sign3A_106 = arith.cmpi sgt, %scan3A_100, %sign3A_105 : i32
      %sign3A_107 = arith.extui %sign3A_106 : i1 to i32
      %sign3A_108 = arith.constant 0 : i32
      %sign3A_109 = arith.cmpi slt, %scan3A_100, %sign3A_108 : i32
      %sign3A_110 = arith.extui %sign3A_109 : i1 to i32
      %sign3A_111 = arith.subi %sign3A_107, %sign3A_110 : i32
      %sign3A_112 = arith.constant 0 : i32
      %sign3A_113 = arith.cmpi sgt, %jit3A_103, %sign3A_112 : i32
      %sign3A_114 = arith.extui %sign3A_113 : i1 to i32
      %sign3A_115 = arith.constant 0 : i32
      %sign3A_116 = arith.cmpi slt, %jit3A_103, %sign3A_115 : i32
      %sign3A_117 = arith.extui %sign3A_116 : i1 to i32
      %sign3A_118 = arith.subi %sign3A_114, %sign3A_117 : i32
      %ne3A_119 = arith.cmpi ne, %sign3A_111, %sign3A_118 : i32
      %rem3A_120 = arith.remsi %scan3A_100, %jit3A_103 : i32
      %ne3A_121 = arith.constant 0 : i32
      %ne3A_122 = arith.cmpi ne, %rem3A_120, %ne3A_121 : i32
      %and3A_123 = arith.andi %ne3A_119, %ne3A_122 : i1
      %sub3A_124 = arith.constant 1 : i32
      %sub3A_125 = arith.subi %div3A_104, %sub3A_124 : i32
      %select_n3A_126 = arith.select %and3A_123, %sub3A_125, %div3A_104 : i32
      %rem3A_127 = arith.constant 8 : i32
      %rem3A_128 = arith.remsi %scan3A_100, %rem3A_127 : i32
      %mul3A_129 = arith.constant 16 : i32
      %mul3A_130 = arith.muli %mul3A_129, %rem3A_128 : i32
      %swap3A_131 = arith.index_cast %select_n3A_126 : i32 to index
      %swap3A_132 = arith.index_cast %mul3A_130 : i32 to index
      %swap3A_133 = tpu.vector_load %arg7[%swap3A_131, %swap3A_132] {strides = array<i32>} : memref<16x128xf32, #tpu.memory_space<vmem>>, vector<1x16xf32>,
      %swap3A_134 = vector.shape_cast %swap3A_133 : vector<1x16xf32> to vector<16xf32>
      %swap3A_135 = vector.shape_cast %broadcast_in_dim3A_102 : vector<16xf32> to vector<1x16xf32>
      tpu.vector_store %arg7[%swap3A_131, %swap3A_132], %swap3A_135 {strides = array<i32>} : memref<16x128xf32, #tpu.memory_space<vmem>>, vector<1x16xf32>,
      %scan3A_136 = arith.constant 0 : i32
      %scan3A_137 = arith.constant 2 : i32
      %scan3A_138 = arith.addi %scan3A_62, %scan3A_137 : i32
      %broadcast_in_dim3A_139 = arith.constant 0.000000e+00 : f32
      %broadcast_in_dim3A_140 = vector.broadcast %broadcast_in_dim3A_139 : f32 to vector<16xf32>
      %jit3A_141 = arith.constant 8 : i32
      %div3A_142 = arith.divsi %scan3A_138, %jit3A_141 : i32
      %sign3A_143 = arith.constant 0 : i32
      %sign3A_144 = arith.cmpi sgt, %scan3A_138, %sign3A_143 : i32
      %sign3A_145 = arith.extui %sign3A_144 : i1 to i32
      %sign3A_146 = arith.constant 0 : i32
      %sign3A_147 = arith.cmpi slt, %scan3A_138, %sign3A_146 : i32
      %sign3A_148 = arith.extui %sign3A_147 : i1 to i32
      %sign3A_149 = arith.subi %sign3A_145, %sign3A_148 : i32
      %sign3A_150 = arith.constant 0 : i32
      %sign3A_151 = arith.cmpi sgt, %jit3A_141, %sign3A_150 : i32
      %sign3A_152 = arith.extui %sign3A_151 : i1 to i32
      %sign3A_153 = arith.constant 0 : i32
      %sign3A_154 = arith.cmpi slt, %jit3A_141, %sign3A_153 : i32
      %sign3A_155 = arith.extui %sign3A_154 : i1 to i32
      %sign3A_156 = arith.subi %sign3A_152, %sign3A_155 : i32
      %ne3A_157 = arith.cmpi ne, %sign3A_149, %sign3A_156 : i32
      %rem3A_158 = arith.remsi %scan3A_138, %jit3A_141 : i32
      %ne3A_159 = arith.constant 0 : i32
      %ne3A_160 = arith.cmpi ne, %rem3A_158, %ne3A_159 : i32
      %and3A_161 = arith.andi %ne3A_157, %ne3A_160 : i1
      %sub3A_162 = arith.constant 1 : i32
      %sub3A_163 = arith.subi %div3A_142, %sub3A_162 : i32
      %select_n3A_164 = arith.select %and3A_161, %sub3A_163, %div3A_142 : i32
      %rem3A_165 = arith.constant 8 : i32
      %rem3A_166 = arith.remsi %scan3A_138, %rem3A_165 : i32
      %mul3A_167 = arith.constant 16 : i32
      %mul3A_168 = arith.muli %mul3A_167, %rem3A_166 : i32
      %swap3A_169 = arith.index_cast %select_n3A_164 : i32 to index
      %swap3A_170 = arith.index_cast %mul3A_168 : i32 to index
      %swap3A_171 = tpu.vector_load %arg7[%swap3A_169, %swap3A_170] {strides = array<i32>} : memref<16x128xf32, #tpu.memory_space<vmem>>, vector<1x16xf32>,
      %swap3A_172 = vector.shape_cast %swap3A_171 : vector<1x16xf32> to vector<16xf32>
      %swap3A_173 = vector.shape_cast %broadcast_in_dim3A_140 : vector<16xf32> to vector<1x16xf32>
      tpu.vector_store %arg7[%swap3A_169, %swap3A_170], %swap3A_173 {strides = array<i32>} : memref<16x128xf32, #tpu.memory_space<vmem>>, vector<1x16xf32>,
      %scan3A_174 = arith.constant 0 : i32
      %scan3A_175 = arith.constant 3 : i32
      %scan3A_176 = arith.addi %scan3A_62, %scan3A_175 : i32
      %broadcast_in_dim3A_177 = arith.constant 0.000000e+00 : f32
      %broadcast_in_dim3A_178 = vector.broadcast %broadcast_in_dim3A_177 : f32 to vector<16xf32>
      %jit3A_179 = arith.constant 8 : i32
      %div3A_180 = arith.divsi %scan3A_176, %jit3A_179 : i32
      %sign3A_181 = arith.constant 0 : i32
      %sign3A_182 = arith.cmpi sgt, %scan3A_176, %sign3A_181 : i32
      %sign3A_183 = arith.extui %sign3A_182 : i1 to i32
      %sign3A_184 = arith.constant 0 : i32
      %sign3A_185 = arith.cmpi slt, %scan3A_176, %sign3A_184 : i32
      %sign3A_186 = arith.extui %sign3A_185 : i1 to i32
      %sign3A_187 = arith.subi %sign3A_183, %sign3A_186 : i32
      %sign3A_188 = arith.constant 0 : i32
      %sign3A_189 = arith.cmpi sgt, %jit3A_179, %sign3A_188 : i32
      %sign3A_190 = arith.extui %sign3A_189 : i1 to i32
      %sign3A_191 = arith.constant 0 : i32
      %sign3A_192 = arith.cmpi slt, %jit3A_179, %sign3A_191 : i32
      %sign3A_193 = arith.extui %sign3A_192 : i1 to i32
      %sign3A_194 = arith.subi %sign3A_190, %sign3A_193 : i32
      %ne3A_195 = arith.cmpi ne, %sign3A_187, %sign3A_194 : i32
      %rem3A_196 = arith.remsi %scan3A_176, %jit3A_179 : i32
      %ne3A_197 = arith.constant 0 : i32
      %ne3A_198 = arith.cmpi ne, %rem3A_196, %ne3A_197 : i32
      %and3A_199 = arith.andi %ne3A_195, %ne3A_198 : i1
      %sub3A_200 = arith.constant 1 : i32
      %sub3A_201 = arith.subi %div3A_180, %sub3A_200 : i32
      %select_n3A_202 = arith.select %and3A_199, %sub3A_201, %div3A_180 : i32
      %rem3A_203 = arith.constant 8 : i32
      %rem3A_204 = arith.remsi %scan3A_176, %rem3A_203 : i32
      %mul3A_205 = arith.constant 16 : i32
      %mul3A_206 = arith.muli %mul3A_205, %rem3A_204 : i32
      %swap3A_207 = arith.index_cast %select_n3A_202 : i32 to index
      %swap3A_208 = arith.index_cast %mul3A_206 : i32 to index
      %swap3A_209 = tpu.vector_load %arg7[%swap3A_207, %swap3A_208] {strides = array<i32>} : memref<16x128xf32, #tpu.memory_space<vmem>>, vector<1x16xf32>,
      %swap3A_210 = vector.shape_cast %swap3A_209 : vector<1x16xf32> to vector<16xf32>
      %swap3A_211 = vector.shape_cast %broadcast_in_dim3A_178 : vector<16xf32> to vector<1x16xf32>
      tpu.vector_store %arg7[%swap3A_207, %swap3A_208], %swap3A_211 {strides = array<i32>} : memref<16x128xf32, #tpu.memory_space<vmem>>, vector<1x16xf32>,
      %scan3A_212 = arith.constant 0 : i32
      scf.yield %scan3A_212 : i32
    }
    %scan3A_34 = arith.constant 128 : i32
    %gt3A = arith.constant 0 : i32
    %gt3A_35 = arith.cmpi sgt, %scan3A_26, %gt3A : i32
    %convert_element_type3A = arith.extui %gt3A_35 : i1 to i32
    %cond3A = arith.constant 0 : i32
    %cond3A_36 = arith.cmpi ne, %convert_element_type3A, %cond3A : i32
    scf.if %cond3A_36 {
      %get3A = arith.constant 0 : i32
      %get3A_62 = arith.index_cast %get3A : i32 to index
      %get3A_63 = memref.load %arg11[%get3A_62] : memref<128xi32, #tpu.memory_space<smem>>
      %multiple_of3A_64 = tpu.assume_multiple %get3A_63, 64 : i32
      %get3A_65 = arith.constant 0 : i32
      %get3A_66 = arith.index_cast %get3A_65 : i32 to index
      %get3A_67 = memref.load %arg10[%get3A_66] : memref<128xi32, #tpu.memory_space<smem>>
      %dma_start3A = arith.constant 0 : i32
      %dma_start3A_68 = arith.constant 0 : i32
      %dma_start3A_69 = arith.constant 0 : i32
      %dma_start3A_70 = arith.constant 0 : i32
      %dma_start3A_71 = tpu.memref_slice %arg6[%dma_start3A, %dma_start3A_69, %dma_start3A_70] : memref<4x64x128xf32, #tpu.memory_space<vmem>> -> memref<1x64x128xf32, #tpu.memory_space<vmem>>
      %dma_start3A_72 = tpu.memref_squeeze %dma_start3A_71 : memref<1x64x128xf32, #tpu.memory_space<vmem>> -> memref<64x128xf32, #tpu.memory_space<vmem>>
      %dma_start3A_73 = tpu.memref_slice %arg2[%get3A_67, %multiple_of3A_64, %multiple_of3A] : memref<16x4096x1024xf32, #tpu.memory_space<hbm>> -> memref<1x64x128xf32, #tpu.memory_space<hbm>>
      %dma_start3A_74 = tpu.memref_squeeze %dma_start3A_73 : memref<1x64x128xf32, #tpu.memory_space<hbm>> -> memref<64x128xf32, #tpu.memory_space<hbm>>
      %dma_start3A_75 = tpu.memref_slice %arg14[%dma_start3A_68] : memref<4x!tpu.dma_semaphore, #tpu.memory_space<semaphore_mem>> -> memref<1x!tpu.dma_semaphore, #tpu.memory_space<semaphore_mem>>
      %dma_start3A_76 = tpu.memref_squeeze %dma_start3A_75 : memref<1x!tpu.dma_semaphore, #tpu.memory_space<semaphore_mem>> -> memref<!tpu.dma_semaphore, #tpu.memory_space<semaphore_mem>>
      %dma_start3A_77 = arith.constant 0 : i32
      %dma_start3A_78 = arith.constant 0 : i32
      %dma_start3A_79 = tpu.memref_slice %arg6[%dma_start3A, %dma_start3A_77, %dma_start3A_78] : memref<4x64x128xf32, #tpu.memory_space<vmem>> -> memref<1x64x128xf32, #tpu.memory_space<vmem>>
      %dma_start3A_80 = tpu.memref_squeeze %dma_start3A_79 : memref<1x64x128xf32, #tpu.memory_space<vmem>> -> memref<64x128xf32, #tpu.memory_space<vmem>>
      %dma_start3A_81 = tpu.memref_slice %arg2[%get3A_67, %multiple_of3A_64, %multiple_of3A] : memref<16x4096x1024xf32, #tpu.memory_space<hbm>> -> memref<1x64x128xf32, #tpu.memory_space<hbm>>
      %dma_start3A_82 = tpu.memref_squeeze %dma_start3A_81 : memref<1x64x128xf32, #tpu.memory_space<hbm>> -> memref<64x128xf32, #tpu.memory_space<hbm>>
      tpu.enqueue_dma source(%dma_start3A_82 : memref<64x128xf32, #tpu.memory_space<hbm>>) target(%dma_start3A_80 : memref<64x128xf32, #tpu.memory_space<vmem>>) target_semaphore(%dma_start3A_76 : memref<!tpu.dma_semaphore, #tpu.memory_space<semaphore_mem>>)
    } else {
    }
    %gt3A_37 = arith.constant 1 : i32
    %gt3A_38 = arith.cmpi sgt, %scan3A_26, %gt3A_37 : i32
    %convert_element_type3A_39 = arith.extui %gt3A_38 : i1 to i32
    %cond3A_40 = arith.constant 0 : i32
    %cond3A_41 = arith.cmpi ne, %convert_element_type3A_39, %cond3A_40 : i32
    scf.if %cond3A_41 {
      %get3A = arith.constant 1 : i32
      %get3A_62 = arith.index_cast %get3A : i32 to index
      %get3A_63 = memref.load %arg11[%get3A_62] : memref<128xi32, #tpu.memory_space<smem>>
      %multiple_of3A_64 = tpu.assume_multiple %get3A_63, 64 : i32
      %get3A_65 = arith.constant 1 : i32
      %get3A_66 = arith.index_cast %get3A_65 : i32 to index
      %get3A_67 = memref.load %arg10[%get3A_66] : memref<128xi32, #tpu.memory_space<smem>>
      %dma_start3A = arith.constant 1 : i32
      %dma_start3A_68 = arith.constant 1 : i32
      %dma_start3A_69 = arith.constant 0 : i32
      %dma_start3A_70 = arith.constant 0 : i32
      %dma_start3A_71 = tpu.memref_slice %arg6[%dma_start3A, %dma_start3A_69, %dma_start3A_70] : memref<4x64x128xf32, #tpu.memory_space<vmem>> -> memref<1x64x128xf32, #tpu.memory_space<vmem>>
      %dma_start3A_72 = tpu.memref_squeeze %dma_start3A_71 : memref<1x64x128xf32, #tpu.memory_space<vmem>> -> memref<64x128xf32, #tpu.memory_space<vmem>>
      %dma_start3A_73 = tpu.memref_slice %arg2[%get3A_67, %multiple_of3A_64, %multiple_of3A] : memref<16x4096x1024xf32, #tpu.memory_space<hbm>> -> memref<1x64x128xf32, #tpu.memory_space<hbm>>
      %dma_start3A_74 = tpu.memref_squeeze %dma_start3A_73 : memref<1x64x128xf32, #tpu.memory_space<hbm>> -> memref<64x128xf32, #tpu.memory_space<hbm>>
      %dma_start3A_75 = tpu.memref_slice %arg14[%dma_start3A_68] : memref<4x!tpu.dma_semaphore, #tpu.memory_space<semaphore_mem>> -> memref<1x!tpu.dma_semaphore, #tpu.memory_space<semaphore_mem>>
      %dma_start3A_76 = tpu.memref_squeeze %dma_start3A_75 : memref<1x!tpu.dma_semaphore, #tpu.memory_space<semaphore_mem>> -> memref<!tpu.dma_semaphore, #tpu.memory_space<semaphore_mem>>
      %dma_start3A_77 = arith.constant 0 : i32
      %dma_start3A_78 = arith.constant 0 : i32
      %dma_start3A_79 = tpu.memref_slice %arg6[%dma_start3A, %dma_start3A_77, %dma_start3A_78] : memref<4x64x128xf32, #tpu.memory_space<vmem>> -> memref<1x64x128xf32, #tpu.memory_space<vmem>>
      %dma_start3A_80 = tpu.memref_squeeze %dma_start3A_79 : memref<1x64x128xf32, #tpu.memory_space<vmem>> -> memref<64x128xf32, #tpu.memory_space<vmem>>
      %dma_start3A_81 = tpu.memref_slice %arg2[%get3A_67, %multiple_of3A_64, %multiple_of3A] : memref<16x4096x1024xf32, #tpu.memory_space<hbm>> -> memref<1x64x128xf32, #tpu.memory_space<hbm>>
      %dma_start3A_82 = tpu.memref_squeeze %dma_start3A_81 : memref<1x64x128xf32, #tpu.memory_space<hbm>> -> memref<64x128xf32, #tpu.memory_space<hbm>>
      tpu.enqueue_dma source(%dma_start3A_82 : memref<64x128xf32, #tpu.memory_space<hbm>>) target(%dma_start3A_80 : memref<64x128xf32, #tpu.memory_space<vmem>>) target_semaphore(%dma_start3A_76 : memref<!tpu.dma_semaphore, #tpu.memory_space<semaphore_mem>>)
    } else {
    }
    %gt3A_42 = arith.constant 2 : i32
    %gt3A_43 = arith.cmpi sgt, %scan3A_26, %gt3A_42 : i32
    %convert_element_type3A_44 = arith.extui %gt3A_43 : i1 to i32
    %cond3A_45 = arith.constant 0 : i32
    %cond3A_46 = arith.cmpi ne, %convert_element_type3A_44, %cond3A_45 : i32
    scf.if %cond3A_46 {
      %get3A = arith.constant 2 : i32
      %get3A_62 = arith.index_cast %get3A : i32 to index
      %get3A_63 = memref.load %arg11[%get3A_62] : memref<128xi32, #tpu.memory_space<smem>>
      %multiple_of3A_64 = tpu.assume_multiple %get3A_63, 64 : i32
      %get3A_65 = arith.constant 2 : i32
      %get3A_66 = arith.index_cast %get3A_65 : i32 to index
      %get3A_67 = memref.load %arg10[%get3A_66] : memref<128xi32, #tpu.memory_space<smem>>
      %dma_start3A = arith.constant 2 : i32
      %dma_start3A_68 = arith.constant 2 : i32
      %dma_start3A_69 = arith.constant 0 : i32
      %dma_start3A_70 = arith.constant 0 : i32
      %dma_start3A_71 = tpu.memref_slice %arg6[%dma_start3A, %dma_start3A_69, %dma_start3A_70] : memref<4x64x128xf32, #tpu.memory_space<vmem>> -> memref<1x64x128xf32, #tpu.memory_space<vmem>>
      %dma_start3A_72 = tpu.memref_squeeze %dma_start3A_71 : memref<1x64x128xf32, #tpu.memory_space<vmem>> -> memref<64x128xf32, #tpu.memory_space<vmem>>
      %dma_start3A_73 = tpu.memref_slice %arg2[%get3A_67, %multiple_of3A_64, %multiple_of3A] : memref<16x4096x1024xf32, #tpu.memory_space<hbm>> -> memref<1x64x128xf32, #tpu.memory_space<hbm>>
      %dma_start3A_74 = tpu.memref_squeeze %dma_start3A_73 : memref<1x64x128xf32, #tpu.memory_space<hbm>> -> memref<64x128xf32, #tpu.memory_space<hbm>>
      %dma_start3A_75 = tpu.memref_slice %arg14[%dma_start3A_68] : memref<4x!tpu.dma_semaphore, #tpu.memory_space<semaphore_mem>> -> memref<1x!tpu.dma_semaphore, #tpu.memory_space<semaphore_mem>>
      %dma_start3A_76 = tpu.memref_squeeze %dma_start3A_75 : memref<1x!tpu.dma_semaphore, #tpu.memory_space<semaphore_mem>> -> memref<!tpu.dma_semaphore, #tpu.memory_space<semaphore_mem>>
      %dma_start3A_77 = arith.constant 0 : i32
      %dma_start3A_78 = arith.constant 0 : i32
      %dma_start3A_79 = tpu.memref_slice %arg6[%dma_start3A, %dma_start3A_77, %dma_start3A_78] : memref<4x64x128xf32, #tpu.memory_space<vmem>> -> memref<1x64x128xf32, #tpu.memory_space<vmem>>
      %dma_start3A_80 = tpu.memref_squeeze %dma_start3A_79 : memref<1x64x128xf32, #tpu.memory_space<vmem>> -> memref<64x128xf32, #tpu.memory_space<vmem>>
      %dma_start3A_81 = tpu.memref_slice %arg2[%get3A_67, %multiple_of3A_64, %multiple_of3A] : memref<16x4096x1024xf32, #tpu.memory_space<hbm>> -> memref<1x64x128xf32, #tpu.memory_space<hbm>>
      %dma_start3A_82 = tpu.memref_squeeze %dma_start3A_81 : memref<1x64x128xf32, #tpu.memory_space<hbm>> -> memref<64x128xf32, #tpu.memory_space<hbm>>
      tpu.enqueue_dma source(%dma_start3A_82 : memref<64x128xf32, #tpu.memory_space<hbm>>) target(%dma_start3A_80 : memref<64x128xf32, #tpu.memory_space<vmem>>) target_semaphore(%dma_start3A_76 : memref<!tpu.dma_semaphore, #tpu.memory_space<semaphore_mem>>)
    } else {
    }
    %broadcast_in_dim3A = arith.constant 0.000000e+00 : f32
    %broadcast_in_dim3A_47 = vector.broadcast %broadcast_in_dim3A : f32 to vector<16xf32>
    %while3A = arith.constant 0 : i32
    %while3A_48 = arith.subi %scan3A_26, %while3A : i32
    %while3A_49 = arith.addi %while3A, %while3A_48 : i32
    %while3A_50 = arith.constant 1 : i32
    %while3A_51 = arith.divsi %while3A_48, %while3A_50 : i32
    %while3A_52 = arith.muli %while3A_51, %while3A_50 : i32
    %while3A_53 = arith.addi %while3A, %while3A_52 : i32
    %while3A_54 = arith.constant 1 : i32
    %while3A_55:8 = scf.for %while3A_62 = %while3A to %while3A_53 step %while3A_54 iter_args(%while3A_63 = %broadcast_in_dim3A_47, %while3A_64 = %broadcast_in_dim3A_47, %while3A_65 = %broadcast_in_dim3A_47, %while3A_66 = %broadcast_in_dim3A_47, %while3A_67 = %broadcast_in_dim3A_47, %while3A_68 = %broadcast_in_dim3A_47, %while3A_69 = %broadcast_in_dim3A_47, %while3A_70 = %broadcast_in_dim3A_47) -> (vector<16xf32>, vector<16xf32>, vector<16xf32>, vector<16xf32>, vector<16xf32>, vector<16xf32>, vector<16xf32>, vector<16xf32>)  : i32 {
      %rem3A_71 = arith.constant 4 : i32
      %rem3A_72 = arith.remsi %while3A_62, %rem3A_71 : i32
      %get3A = arith.index_cast %while3A_62 : i32 to index
      %get3A_73 = memref.load %arg11[%get3A] : memref<128xi32, #tpu.memory_space<smem>>
      %multiple_of3A_74 = tpu.assume_multiple %get3A_73, 64 : i32
      %get3A_75 = arith.index_cast %while3A_62 : i32 to index
      %get3A_76 = memref.load %arg10[%get3A_75] : memref<128xi32, #tpu.memory_space<smem>>
      %dma_wait3A = arith.constant 0 : i32
      %dma_wait3A_77 = arith.constant 0 : i32
      %dma_wait3A_78 = tpu.memref_slice %arg6[%rem3A_72, %dma_wait3A, %dma_wait3A_77] : memref<4x64x128xf32, #tpu.memory_space<vmem>> -> memref<1x64x128xf32, #tpu.memory_space<vmem>>
      %dma_wait3A_79 = tpu.memref_squeeze %dma_wait3A_78 : memref<1x64x128xf32, #tpu.memory_space<vmem>> -> memref<64x128xf32, #tpu.memory_space<vmem>>
      %dma_wait3A_80 = tpu.memref_slice %arg2[%get3A_76, %multiple_of3A_74, %multiple_of3A] : memref<16x4096x1024xf32, #tpu.memory_space<hbm>> -> memref<1x64x128xf32, #tpu.memory_space<hbm>>
      %dma_wait3A_81 = tpu.memref_squeeze %dma_wait3A_80 : memref<1x64x128xf32, #tpu.memory_space<hbm>> -> memref<64x128xf32, #tpu.memory_space<hbm>>
      %dma_wait3A_82 = tpu.memref_slice %arg14[%rem3A_72] : memref<4x!tpu.dma_semaphore, #tpu.memory_space<semaphore_mem>> -> memref<1x!tpu.dma_semaphore, #tpu.memory_space<semaphore_mem>>
      %dma_wait3A_83 = tpu.memref_squeeze %dma_wait3A_82 : memref<1x!tpu.dma_semaphore, #tpu.memory_space<semaphore_mem>> -> memref<!tpu.dma_semaphore, #tpu.memory_space<semaphore_mem>>
      %dma_wait3A_84 = arith.constant 0 : i32
      %dma_wait3A_85 = arith.constant 0 : i32
      %dma_wait3A_86 = tpu.memref_slice %arg6[%rem3A_72, %dma_wait3A_84, %dma_wait3A_85] : memref<4x64x128xf32, #tpu.memory_space<vmem>> -> memref<1x64x128xf32, #tpu.memory_space<vmem>>
      %dma_wait3A_87 = tpu.memref_squeeze %dma_wait3A_86 : memref<1x64x128xf32, #tpu.memory_space<vmem>> -> memref<64x128xf32, #tpu.memory_space<vmem>>
      %dma_wait3A_88 = tpu.memref_slice %arg2[%get3A_76, %multiple_of3A_74, %multiple_of3A] : memref<16x4096x1024xf32, #tpu.memory_space<hbm>> -> memref<1x64x128xf32, #tpu.memory_space<hbm>>
      %dma_wait3A_89 = tpu.memref_squeeze %dma_wait3A_88 : memref<1x64x128xf32, #tpu.memory_space<hbm>> -> memref<64x128xf32, #tpu.memory_space<hbm>>
      tpu.wait_dma2 semaphore(%dma_wait3A_83 : memref<!tpu.dma_semaphore, #tpu.memory_space<semaphore_mem>>) src(%dma_wait3A_89 : memref<64x128xf32, #tpu.memory_space<hbm>>) dst(%dma_wait3A_87 : memref<64x128xf32, #tpu.memory_space<vmem>>)
      %add3A_90 = arith.constant 3 : i32
      %add3A_91 = arith.addi %while3A_62, %add3A_90 : i32
      %lt3A = arith.cmpi slt, %add3A_91, %scan3A_26 : i32
      %convert_element_type3A_92 = arith.extui %lt3A : i1 to i32
      %cond3A_93 = arith.constant 0 : i32
      %cond3A_94 = arith.cmpi ne, %convert_element_type3A_92, %cond3A_93 : i32
      scf.if %cond3A_94 {
        %add3A_125 = arith.constant 3 : i32
        %add3A_126 = arith.addi %while3A_62, %add3A_125 : i32
        %add3A_127 = arith.constant 3 : i32
        %add3A_128 = arith.addi %while3A_62, %add3A_127 : i32
        %rem3A_129 = arith.constant 4 : i32
        %rem3A_130 = arith.remsi %add3A_128, %rem3A_129 : i32
        %get3A_131 = arith.index_cast %add3A_126 : i32 to index
        %get3A_132 = memref.load %arg11[%get3A_131] : memref<128xi32, #tpu.memory_space<smem>>
        %multiple_of3A_133 = tpu.assume_multiple %get3A_132, 64 : i32
        %get3A_134 = arith.index_cast %add3A_126 : i32 to index
        %get3A_135 = memref.load %arg10[%get3A_134] : memref<128xi32, #tpu.memory_space<smem>>
        %dma_start3A = arith.constant 0 : i32
        %dma_start3A_136 = arith.constant 0 : i32
        %dma_start3A_137 = tpu.memref_slice %arg6[%rem3A_130, %dma_start3A, %dma_start3A_136] : memref<4x64x128xf32, #tpu.memory_space<vmem>> -> memref<1x64x128xf32, #tpu.memory_space<vmem>>
        %dma_start3A_138 = tpu.memref_squeeze %dma_start3A_137 : memref<1x64x128xf32, #tpu.memory_space<vmem>> -> memref<64x128xf32, #tpu.memory_space<vmem>>
        %dma_start3A_139 = tpu.memref_slice %arg2[%get3A_135, %multiple_of3A_133, %multiple_of3A] : memref<16x4096x1024xf32, #tpu.memory_space<hbm>> -> memref<1x64x128xf32, #tpu.memory_space<hbm>>
        %dma_start3A_140 = tpu.memref_squeeze %dma_start3A_139 : memref<1x64x128xf32, #tpu.memory_space<hbm>> -> memref<64x128xf32, #tpu.memory_space<hbm>>
        %dma_start3A_141 = tpu.memref_slice %arg14[%rem3A_130] : memref<4x!tpu.dma_semaphore, #tpu.memory_space<semaphore_mem>> -> memref<1x!tpu.dma_semaphore, #tpu.memory_space<semaphore_mem>>
        %dma_start3A_142 = tpu.memref_squeeze %dma_start3A_141 : memref<1x!tpu.dma_semaphore, #tpu.memory_space<semaphore_mem>> -> memref<!tpu.dma_semaphore, #tpu.memory_space<semaphore_mem>>
        %dma_start3A_143 = arith.constant 0 : i32
        %dma_start3A_144 = arith.constant 0 : i32
        %dma_start3A_145 = tpu.memref_slice %arg6[%rem3A_130, %dma_start3A_143, %dma_start3A_144] : memref<4x64x128xf32, #tpu.memory_space<vmem>> -> memref<1x64x128xf32, #tpu.memory_space<vmem>>
        %dma_start3A_146 = tpu.memref_squeeze %dma_start3A_145 : memref<1x64x128xf32, #tpu.memory_space<vmem>> -> memref<64x128xf32, #tpu.memory_space<vmem>>
        %dma_start3A_147 = tpu.memref_slice %arg2[%get3A_135, %multiple_of3A_133, %multiple_of3A] : memref<16x4096x1024xf32, #tpu.memory_space<hbm>> -> memref<1x64x128xf32, #tpu.memory_space<hbm>>
        %dma_start3A_148 = tpu.memref_squeeze %dma_start3A_147 : memref<1x64x128xf32, #tpu.memory_space<hbm>> -> memref<64x128xf32, #tpu.memory_space<hbm>>
        tpu.enqueue_dma source(%dma_start3A_148 : memref<64x128xf32, #tpu.memory_space<hbm>>) target(%dma_start3A_146 : memref<64x128xf32, #tpu.memory_space<vmem>>) target_semaphore(%dma_start3A_142 : memref<!tpu.dma_semaphore, #tpu.memory_space<semaphore_mem>>)
      } else {
      }
      %get3A_95 = arith.index_cast %while3A_62 : i32 to index
      %get3A_96 = memref.load %arg12[%get3A_95] : memref<128xi32, #tpu.memory_space<smem>>
      %scan3A_97 = arith.constant 0 : i32
      %scan3A_98 = arith.constant 64 : i32
      %scan3A_99 = arith.addi %scan3A_97, %scan3A_98 : i32
      %scan3A_100 = arith.constant 4 : i32
      %scan3A_101:8 = scf.for %scan3A_125 = %scan3A_97 to %scan3A_99 step %scan3A_100 iter_args(%scan3A_126 = %while3A_63, %scan3A_127 = %while3A_64, %scan3A_128 = %while3A_65, %scan3A_129 = %while3A_66, %scan3A_130 = %while3A_67, %scan3A_131 = %while3A_68, %scan3A_132 = %while3A_69, %scan3A_133 = %while3A_70) -> (vector<16xf32>, vector<16xf32>, vector<16xf32>, vector<16xf32>, vector<16xf32>, vector<16xf32>, vector<16xf32>, vector<16xf32>)  : i32 {
        %lt3A_134 = arith.cmpi slt, %scan3A_125, %get3A_96 : i32
        %convert_element_type3A_135 = arith.extui %lt3A_134 : i1 to i32
        %convert_element_type3A_136 = arith.sitofp %convert_element_type3A_135 : i32 to f32
        %broadcast_in_dim3A_137 = vector.broadcast %convert_element_type3A_136 : f32 to vector<16xf32>
        %get3A_138 = arith.index_cast %rem3A_72 : i32 to index
        %get3A_139 = arith.index_cast %scan3A_125 : i32 to index
        %get3A_140 = arith.constant 0 : index
        %get3A_141 = tpu.vector_load %arg6[%get3A_138, %get3A_139, %get3A_140] {strides = array<i32>} : memref<4x64x128xf32, #tpu.memory_space<vmem>>, vector<1x1x16xf32>,
        %get3A_142 = vector.shape_cast %get3A_141 : vector<1x1x16xf32> to vector<16xf32>
        %mul3A_143 = arith.mulf %get3A_142, %broadcast_in_dim3A_137 : vector<16xf32>
        %add3A_144 = arith.addf %scan3A_126, %mul3A_143 : vector<16xf32>
        %get3A_145 = arith.index_cast %rem3A_72 : i32 to index
        %get3A_146 = arith.index_cast %scan3A_125 : i32 to index
        %get3A_147 = arith.constant 16 : index
        %get3A_148 = tpu.vector_load %arg6[%get3A_145, %get3A_146, %get3A_147] {strides = array<i32>} : memref<4x64x128xf32, #tpu.memory_space<vmem>>, vector<1x1x16xf32>,
        %get3A_149 = vector.shape_cast %get3A_148 : vector<1x1x16xf32> to vector<16xf32>
        %mul3A_150 = arith.mulf %get3A_149, %broadcast_in_dim3A_137 : vector<16xf32>
        %add3A_151 = arith.addf %scan3A_127, %mul3A_150 : vector<16xf32>
        %get3A_152 = arith.index_cast %rem3A_72 : i32 to index
        %get3A_153 = arith.index_cast %scan3A_125 : i32 to index
        %get3A_154 = arith.constant 32 : index
        %get3A_155 = tpu.vector_load %arg6[%get3A_152, %get3A_153, %get3A_154] {strides = array<i32>} : memref<4x64x128xf32, #tpu.memory_space<vmem>>, vector<1x1x16xf32>,
        %get3A_156 = vector.shape_cast %get3A_155 : vector<1x1x16xf32> to vector<16xf32>
        %mul3A_157 = arith.mulf %get3A_156, %broadcast_in_dim3A_137 : vector<16xf32>
        %add3A_158 = arith.addf %scan3A_128, %mul3A_157 : vector<16xf32>
        %get3A_159 = arith.index_cast %rem3A_72 : i32 to index
        %get3A_160 = arith.index_cast %scan3A_125 : i32 to index
        %get3A_161 = arith.constant 48 : index
        %get3A_162 = tpu.vector_load %arg6[%get3A_159, %get3A_160, %get3A_161] {strides = array<i32>} : memref<4x64x128xf32, #tpu.memory_space<vmem>>, vector<1x1x16xf32>,
        %get3A_163 = vector.shape_cast %get3A_162 : vector<1x1x16xf32> to vector<16xf32>
        %mul3A_164 = arith.mulf %get3A_163, %broadcast_in_dim3A_137 : vector<16xf32>
        %add3A_165 = arith.addf %scan3A_129, %mul3A_164 : vector<16xf32>
        %get3A_166 = arith.index_cast %rem3A_72 : i32 to index
        %get3A_167 = arith.index_cast %scan3A_125 : i32 to index
        %get3A_168 = arith.constant 64 : index
        %get3A_169 = tpu.vector_load %arg6[%get3A_166, %get3A_167, %get3A_168] {strides = array<i32>} : memref<4x64x128xf32, #tpu.memory_space<vmem>>, vector<1x1x16xf32>,
        %get3A_170 = vector.shape_cast %get3A_169 : vector<1x1x16xf32> to vector<16xf32>
        %mul3A_171 = arith.mulf %get3A_170, %broadcast_in_dim3A_137 : vector<16xf32>
        %add3A_172 = arith.addf %scan3A_130, %mul3A_171 : vector<16xf32>
        %get3A_173 = arith.index_cast %rem3A_72 : i32 to index
        %get3A_174 = arith.index_cast %scan3A_125 : i32 to index
        %get3A_175 = arith.constant 80 : index
        %get3A_176 = tpu.vector_load %arg6[%get3A_173, %get3A_174, %get3A_175] {strides = array<i32>} : memref<4x64x128xf32, #tpu.memory_space<vmem>>, vector<1x1x16xf32>,
        %get3A_177 = vector.shape_cast %get3A_176 : vector<1x1x16xf32> to vector<16xf32>
        %mul3A_178 = arith.mulf %get3A_177, %broadcast_in_dim3A_137 : vector<16xf32>
        %add3A_179 = arith.addf %scan3A_131, %mul3A_178 : vector<16xf32>
        %get3A_180 = arith.index_cast %rem3A_72 : i32 to index
        %get3A_181 = arith.index_cast %scan3A_125 : i32 to index
        %get3A_182 = arith.constant 96 : index
        %get3A_183 = tpu.vector_load %arg6[%get3A_180, %get3A_181, %get3A_182] {strides = array<i32>} : memref<4x64x128xf32, #tpu.memory_space<vmem>>, vector<1x1x16xf32>,
        %get3A_184 = vector.shape_cast %get3A_183 : vector<1x1x16xf32> to vector<16xf32>
        %mul3A_185 = arith.mulf %get3A_184, %broadcast_in_dim3A_137 : vector<16xf32>
        %add3A_186 = arith.addf %scan3A_132, %mul3A_185 : vector<16xf32>
        %get3A_187 = arith.index_cast %rem3A_72 : i32 to index
        %get3A_188 = arith.index_cast %scan3A_125 : i32 to index
        %get3A_189 = arith.constant 112 : index
        %get3A_190 = tpu.vector_load %arg6[%get3A_187, %get3A_188, %get3A_189] {strides = array<i32>} : memref<4x64x128xf32, #tpu.memory_space<vmem>>, vector<1x1x16xf32>,
        %get3A_191 = vector.shape_cast %get3A_190 : vector<1x1x16xf32> to vector<16xf32>
        %mul3A_192 = arith.mulf %get3A_191, %broadcast_in_dim3A_137 : vector<16xf32>
        %add3A_193 = arith.addf %scan3A_133, %mul3A_192 : vector<16xf32>
        %scan3A_194 = arith.constant 1 : i32
        %scan3A_195 = arith.addi %scan3A_125, %scan3A_194 : i32
        %lt3A_196 = arith.cmpi slt, %scan3A_195, %get3A_96 : i32
        %convert_element_type3A_197 = arith.extui %lt3A_196 : i1 to i32
        %convert_element_type3A_198 = arith.sitofp %convert_element_type3A_197 : i32 to f32
        %broadcast_in_dim3A_199 = vector.broadcast %convert_element_type3A_198 : f32 to vector<16xf32>
        %get3A_200 = arith.index_cast %rem3A_72 : i32 to index
        %get3A_201 = arith.index_cast %scan3A_195 : i32 to index
        %get3A_202 = arith.constant 0 : index
        %get3A_203 = tpu.vector_load %arg6[%get3A_200, %get3A_201, %get3A_202] {strides = array<i32>} : memref<4x64x128xf32, #tpu.memory_space<vmem>>, vector<1x1x16xf32>,
        %get3A_204 = vector.shape_cast %get3A_203 : vector<1x1x16xf32> to vector<16xf32>
        %mul3A_205 = arith.mulf %get3A_204, %broadcast_in_dim3A_199 : vector<16xf32>
        %add3A_206 = arith.addf %add3A_144, %mul3A_205 : vector<16xf32>
        %get3A_207 = arith.index_cast %rem3A_72 : i32 to index
        %get3A_208 = arith.index_cast %scan3A_195 : i32 to index
        %get3A_209 = arith.constant 16 : index
        %get3A_210 = tpu.vector_load %arg6[%get3A_207, %get3A_208, %get3A_209] {strides = array<i32>} : memref<4x64x128xf32, #tpu.memory_space<vmem>>, vector<1x1x16xf32>,
        %get3A_211 = vector.shape_cast %get3A_210 : vector<1x1x16xf32> to vector<16xf32>
        %mul3A_212 = arith.mulf %get3A_211, %broadcast_in_dim3A_199 : vector<16xf32>
        %add3A_213 = arith.addf %add3A_151, %mul3A_212 : vector<16xf32>
        %get3A_214 = arith.index_cast %rem3A_72 : i32 to index
        %get3A_215 = arith.index_cast %scan3A_195 : i32 to index
        %get3A_216 = arith.constant 32 : index
        %get3A_217 = tpu.vector_load %arg6[%get3A_214, %get3A_215, %get3A_216] {strides = array<i32>} : memref<4x64x128xf32, #tpu.memory_space<vmem>>, vector<1x1x16xf32>,
        %get3A_218 = vector.shape_cast %get3A_217 : vector<1x1x16xf32> to vector<16xf32>
        %mul3A_219 = arith.mulf %get3A_218, %broadcast_in_dim3A_199 : vector<16xf32>
        %add3A_220 = arith.addf %add3A_158, %mul3A_219 : vector<16xf32>
        %get3A_221 = arith.index_cast %rem3A_72 : i32 to index
        %get3A_222 = arith.index_cast %scan3A_195 : i32 to index
        %get3A_223 = arith.constant 48 : index
        %get3A_224 = tpu.vector_load %arg6[%get3A_221, %get3A_222, %get3A_223] {strides = array<i32>} : memref<4x64x128xf32, #tpu.memory_space<vmem>>, vector<1x1x16xf32>,
        %get3A_225 = vector.shape_cast %get3A_224 : vector<1x1x16xf32> to vector<16xf32>
        %mul3A_226 = arith.mulf %get3A_225, %broadcast_in_dim3A_199 : vector<16xf32>
        %add3A_227 = arith.addf %add3A_165, %mul3A_226 : vector<16xf32>
        %get3A_228 = arith.index_cast %rem3A_72 : i32 to index
        %get3A_229 = arith.index_cast %scan3A_195 : i32 to index
        %get3A_230 = arith.constant 64 : index
        %get3A_231 = tpu.vector_load %arg6[%get3A_228, %get3A_229, %get3A_230] {strides = array<i32>} : memref<4x64x128xf32, #tpu.memory_space<vmem>>, vector<1x1x16xf32>,
        %get3A_232 = vector.shape_cast %get3A_231 : vector<1x1x16xf32> to vector<16xf32>
        %mul3A_233 = arith.mulf %get3A_232, %broadcast_in_dim3A_199 : vector<16xf32>
        %add3A_234 = arith.addf %add3A_172, %mul3A_233 : vector<16xf32>
        %get3A_235 = arith.index_cast %rem3A_72 : i32 to index
        %get3A_236 = arith.index_cast %scan3A_195 : i32 to index
        %get3A_237 = arith.constant 80 : index
        %get3A_238 = tpu.vector_load %arg6[%get3A_235, %get3A_236, %get3A_237] {strides = array<i32>} : memref<4x64x128xf32, #tpu.memory_space<vmem>>, vector<1x1x16xf32>,
        %get3A_239 = vector.shape_cast %get3A_238 : vector<1x1x16xf32> to vector<16xf32>
        %mul3A_240 = arith.mulf %get3A_239, %broadcast_in_dim3A_199 : vector<16xf32>
        %add3A_241 = arith.addf %add3A_179, %mul3A_240 : vector<16xf32>
        %get3A_242 = arith.index_cast %rem3A_72 : i32 to index
        %get3A_243 = arith.index_cast %scan3A_195 : i32 to index
        %get3A_244 = arith.constant 96 : index
        %get3A_245 = tpu.vector_load %arg6[%get3A_242, %get3A_243, %get3A_244] {strides = array<i32>} : memref<4x64x128xf32, #tpu.memory_space<vmem>>, vector<1x1x16xf32>,
        %get3A_246 = vector.shape_cast %get3A_245 : vector<1x1x16xf32> to vector<16xf32>
        %mul3A_247 = arith.mulf %get3A_246, %broadcast_in_dim3A_199 : vector<16xf32>
        %add3A_248 = arith.addf %add3A_186, %mul3A_247 : vector<16xf32>
        %get3A_249 = arith.index_cast %rem3A_72 : i32 to index
        %get3A_250 = arith.index_cast %scan3A_195 : i32 to index
        %get3A_251 = arith.constant 112 : index
        %get3A_252 = tpu.vector_load %arg6[%get3A_249, %get3A_250, %get3A_251] {strides = array<i32>} : memref<4x64x128xf32, #tpu.memory_space<vmem>>, vector<1x1x16xf32>,
        %get3A_253 = vector.shape_cast %get3A_252 : vector<1x1x16xf32> to vector<16xf32>
        %mul3A_254 = arith.mulf %get3A_253, %broadcast_in_dim3A_199 : vector<16xf32>
        %add3A_255 = arith.addf %add3A_193, %mul3A_254 : vector<16xf32>
        %scan3A_256 = arith.constant 2 : i32
        %scan3A_257 = arith.addi %scan3A_125, %scan3A_256 : i32
        %lt3A_258 = arith.cmpi slt, %scan3A_257, %get3A_96 : i32
        %convert_element_type3A_259 = arith.extui %lt3A_258 : i1 to i32
        %convert_element_type3A_260 = arith.sitofp %convert_element_type3A_259 : i32 to f32
        %broadcast_in_dim3A_261 = vector.broadcast %convert_element_type3A_260 : f32 to vector<16xf32>
        %get3A_262 = arith.index_cast %rem3A_72 : i32 to index
        %get3A_263 = arith.index_cast %scan3A_257 : i32 to index
        %get3A_264 = arith.constant 0 : index
        %get3A_265 = tpu.vector_load %arg6[%get3A_262, %get3A_263, %get3A_264] {strides = array<i32>} : memref<4x64x128xf32, #tpu.memory_space<vmem>>, vector<1x1x16xf32>,
        %get3A_266 = vector.shape_cast %get3A_265 : vector<1x1x16xf32> to vector<16xf32>
        %mul3A_267 = arith.mulf %get3A_266, %broadcast_in_dim3A_261 : vector<16xf32>
        %add3A_268 = arith.addf %add3A_206, %mul3A_267 : vector<16xf32>
        %get3A_269 = arith.index_cast %rem3A_72 : i32 to index
        %get3A_270 = arith.index_cast %scan3A_257 : i32 to index
        %get3A_271 = arith.constant 16 : index
        %get3A_272 = tpu.vector_load %arg6[%get3A_269, %get3A_270, %get3A_271] {strides = array<i32>} : memref<4x64x128xf32, #tpu.memory_space<vmem>>, vector<1x1x16xf32>,
        %get3A_273 = vector.shape_cast %get3A_272 : vector<1x1x16xf32> to vector<16xf32>
        %mul3A_274 = arith.mulf %get3A_273, %broadcast_in_dim3A_261 : vector<16xf32>
        %add3A_275 = arith.addf %add3A_213, %mul3A_274 : vector<16xf32>
        %get3A_276 = arith.index_cast %rem3A_72 : i32 to index
        %get3A_277 = arith.index_cast %scan3A_257 : i32 to index
        %get3A_278 = arith.constant 32 : index
        %get3A_279 = tpu.vector_load %arg6[%get3A_276, %get3A_277, %get3A_278] {strides = array<i32>} : memref<4x64x128xf32, #tpu.memory_space<vmem>>, vector<1x1x16xf32>,
        %get3A_280 = vector.shape_cast %get3A_279 : vector<1x1x16xf32> to vector<16xf32>
        %mul3A_281 = arith.mulf %get3A_280, %broadcast_in_dim3A_261 : vector<16xf32>
        %add3A_282 = arith.addf %add3A_220, %mul3A_281 : vector<16xf32>
        %get3A_283 = arith.index_cast %rem3A_72 : i32 to index
        %get3A_284 = arith.index_cast %scan3A_257 : i32 to index
        %get3A_285 = arith.constant 48 : index
        %get3A_286 = tpu.vector_load %arg6[%get3A_283, %get3A_284, %get3A_285] {strides = array<i32>} : memref<4x64x128xf32, #tpu.memory_space<vmem>>, vector<1x1x16xf32>,
        %get3A_287 = vector.shape_cast %get3A_286 : vector<1x1x16xf32> to vector<16xf32>
        %mul3A_288 = arith.mulf %get3A_287, %broadcast_in_dim3A_261 : vector<16xf32>
        %add3A_289 = arith.addf %add3A_227, %mul3A_288 : vector<16xf32>
        %get3A_290 = arith.index_cast %rem3A_72 : i32 to index
        %get3A_291 = arith.index_cast %scan3A_257 : i32 to index
        %get3A_292 = arith.constant 64 : index
        %get3A_293 = tpu.vector_load %arg6[%get3A_290, %get3A_291, %get3A_292] {strides = array<i32>} : memref<4x64x128xf32, #tpu.memory_space<vmem>>, vector<1x1x16xf32>,
        %get3A_294 = vector.shape_cast %get3A_293 : vector<1x1x16xf32> to vector<16xf32>
        %mul3A_295 = arith.mulf %get3A_294, %broadcast_in_dim3A_261 : vector<16xf32>
        %add3A_296 = arith.addf %add3A_234, %mul3A_295 : vector<16xf32>
        %get3A_297 = arith.index_cast %rem3A_72 : i32 to index
        %get3A_298 = arith.index_cast %scan3A_257 : i32 to index
        %get3A_299 = arith.constant 80 : index
        %get3A_300 = tpu.vector_load %arg6[%get3A_297, %get3A_298, %get3A_299] {strides = array<i32>} : memref<4x64x128xf32, #tpu.memory_space<vmem>>, vector<1x1x16xf32>,
        %get3A_301 = vector.shape_cast %get3A_300 : vector<1x1x16xf32> to vector<16xf32>
        %mul3A_302 = arith.mulf %get3A_301, %broadcast_in_dim3A_261 : vector<16xf32>
        %add3A_303 = arith.addf %add3A_241, %mul3A_302 : vector<16xf32>
        %get3A_304 = arith.index_cast %rem3A_72 : i32 to index
        %get3A_305 = arith.index_cast %scan3A_257 : i32 to index
        %get3A_306 = arith.constant 96 : index
        %get3A_307 = tpu.vector_load %arg6[%get3A_304, %get3A_305, %get3A_306] {strides = array<i32>} : memref<4x64x128xf32, #tpu.memory_space<vmem>>, vector<1x1x16xf32>,
        %get3A_308 = vector.shape_cast %get3A_307 : vector<1x1x16xf32> to vector<16xf32>
        %mul3A_309 = arith.mulf %get3A_308, %broadcast_in_dim3A_261 : vector<16xf32>
        %add3A_310 = arith.addf %add3A_248, %mul3A_309 : vector<16xf32>
        %get3A_311 = arith.index_cast %rem3A_72 : i32 to index
        %get3A_312 = arith.index_cast %scan3A_257 : i32 to index
        %get3A_313 = arith.constant 112 : index
        %get3A_314 = tpu.vector_load %arg6[%get3A_311, %get3A_312, %get3A_313] {strides = array<i32>} : memref<4x64x128xf32, #tpu.memory_space<vmem>>, vector<1x1x16xf32>,
        %get3A_315 = vector.shape_cast %get3A_314 : vector<1x1x16xf32> to vector<16xf32>
        %mul3A_316 = arith.mulf %get3A_315, %broadcast_in_dim3A_261 : vector<16xf32>
        %add3A_317 = arith.addf %add3A_255, %mul3A_316 : vector<16xf32>
        %scan3A_318 = arith.constant 3 : i32
        %scan3A_319 = arith.addi %scan3A_125, %scan3A_318 : i32
        %lt3A_320 = arith.cmpi slt, %scan3A_319, %get3A_96 : i32
        %convert_element_type3A_321 = arith.extui %lt3A_320 : i1 to i32
        %convert_element_type3A_322 = arith.sitofp %convert_element_type3A_321 : i32 to f32
        %broadcast_in_dim3A_323 = vector.broadcast %convert_element_type3A_322 : f32 to vector<16xf32>
        %get3A_324 = arith.index_cast %rem3A_72 : i32 to index
        %get3A_325 = arith.index_cast %scan3A_319 : i32 to index
        %get3A_326 = arith.constant 0 : index
        %get3A_327 = tpu.vector_load %arg6[%get3A_324, %get3A_325, %get3A_326] {strides = array<i32>} : memref<4x64x128xf32, #tpu.memory_space<vmem>>, vector<1x1x16xf32>,
        %get3A_328 = vector.shape_cast %get3A_327 : vector<1x1x16xf32> to vector<16xf32>
        %mul3A_329 = arith.mulf %get3A_328, %broadcast_in_dim3A_323 : vector<16xf32>
        %add3A_330 = arith.addf %add3A_268, %mul3A_329 : vector<16xf32>
        %get3A_331 = arith.index_cast %rem3A_72 : i32 to index
        %get3A_332 = arith.index_cast %scan3A_319 : i32 to index
        %get3A_333 = arith.constant 16 : index
        %get3A_334 = tpu.vector_load %arg6[%get3A_331, %get3A_332, %get3A_333] {strides = array<i32>} : memref<4x64x128xf32, #tpu.memory_space<vmem>>, vector<1x1x16xf32>,
        %get3A_335 = vector.shape_cast %get3A_334 : vector<1x1x16xf32> to vector<16xf32>
        %mul3A_336 = arith.mulf %get3A_335, %broadcast_in_dim3A_323 : vector<16xf32>
        %add3A_337 = arith.addf %add3A_275, %mul3A_336 : vector<16xf32>
        %get3A_338 = arith.index_cast %rem3A_72 : i32 to index
        %get3A_339 = arith.index_cast %scan3A_319 : i32 to index
        %get3A_340 = arith.constant 32 : index
        %get3A_341 = tpu.vector_load %arg6[%get3A_338, %get3A_339, %get3A_340] {strides = array<i32>} : memref<4x64x128xf32, #tpu.memory_space<vmem>>, vector<1x1x16xf32>,
        %get3A_342 = vector.shape_cast %get3A_341 : vector<1x1x16xf32> to vector<16xf32>
        %mul3A_343 = arith.mulf %get3A_342, %broadcast_in_dim3A_323 : vector<16xf32>
        %add3A_344 = arith.addf %add3A_282, %mul3A_343 : vector<16xf32>
        %get3A_345 = arith.index_cast %rem3A_72 : i32 to index
        %get3A_346 = arith.index_cast %scan3A_319 : i32 to index
        %get3A_347 = arith.constant 48 : index
        %get3A_348 = tpu.vector_load %arg6[%get3A_345, %get3A_346, %get3A_347] {strides = array<i32>} : memref<4x64x128xf32, #tpu.memory_space<vmem>>, vector<1x1x16xf32>,
        %get3A_349 = vector.shape_cast %get3A_348 : vector<1x1x16xf32> to vector<16xf32>
        %mul3A_350 = arith.mulf %get3A_349, %broadcast_in_dim3A_323 : vector<16xf32>
        %add3A_351 = arith.addf %add3A_289, %mul3A_350 : vector<16xf32>
        %get3A_352 = arith.index_cast %rem3A_72 : i32 to index
        %get3A_353 = arith.index_cast %scan3A_319 : i32 to index
        %get3A_354 = arith.constant 64 : index
        %get3A_355 = tpu.vector_load %arg6[%get3A_352, %get3A_353, %get3A_354] {strides = array<i32>} : memref<4x64x128xf32, #tpu.memory_space<vmem>>, vector<1x1x16xf32>,
        %get3A_356 = vector.shape_cast %get3A_355 : vector<1x1x16xf32> to vector<16xf32>
        %mul3A_357 = arith.mulf %get3A_356, %broadcast_in_dim3A_323 : vector<16xf32>
        %add3A_358 = arith.addf %add3A_296, %mul3A_357 : vector<16xf32>
        %get3A_359 = arith.index_cast %rem3A_72 : i32 to index
        %get3A_360 = arith.index_cast %scan3A_319 : i32 to index
        %get3A_361 = arith.constant 80 : index
        %get3A_362 = tpu.vector_load %arg6[%get3A_359, %get3A_360, %get3A_361] {strides = array<i32>} : memref<4x64x128xf32, #tpu.memory_space<vmem>>, vector<1x1x16xf32>,
        %get3A_363 = vector.shape_cast %get3A_362 : vector<1x1x16xf32> to vector<16xf32>
        %mul3A_364 = arith.mulf %get3A_363, %broadcast_in_dim3A_323 : vector<16xf32>
        %add3A_365 = arith.addf %add3A_303, %mul3A_364 : vector<16xf32>
        %get3A_366 = arith.index_cast %rem3A_72 : i32 to index
        %get3A_367 = arith.index_cast %scan3A_319 : i32 to index
        %get3A_368 = arith.constant 96 : index
        %get3A_369 = tpu.vector_load %arg6[%get3A_366, %get3A_367, %get3A_368] {strides = array<i32>} : memref<4x64x128xf32, #tpu.memory_space<vmem>>, vector<1x1x16xf32>,
        %get3A_370 = vector.shape_cast %get3A_369 : vector<1x1x16xf32> to vector<16xf32>
        %mul3A_371 = arith.mulf %get3A_370, %broadcast_in_dim3A_323 : vector<16xf32>
        %add3A_372 = arith.addf %add3A_310, %mul3A_371 : vector<16xf32>
        %get3A_373 = arith.index_cast %rem3A_72 : i32 to index
        %get3A_374 = arith.index_cast %scan3A_319 : i32 to index
        %get3A_375 = arith.constant 112 : index
        %get3A_376 = tpu.vector_load %arg6[%get3A_373, %get3A_374, %get3A_375] {strides = array<i32>} : memref<4x64x128xf32, #tpu.memory_space<vmem>>, vector<1x1x16xf32>,
        %get3A_377 = vector.shape_cast %get3A_376 : vector<1x1x16xf32> to vector<16xf32>
        %mul3A_378 = arith.mulf %get3A_377, %broadcast_in_dim3A_323 : vector<16xf32>
        %add3A_379 = arith.addf %add3A_317, %mul3A_378 : vector<16xf32>
        scf.yield %add3A_330, %add3A_337, %add3A_344, %add3A_351, %add3A_358, %add3A_365, %add3A_372, %add3A_379 : vector<16xf32>, vector<16xf32>, vector<16xf32>, vector<16xf32>, vector<16xf32>, vector<16xf32>, vector<16xf32>, vector<16xf32>
      }
      %scan3A_102 = arith.constant 64 : i32
      %get3A_103 = arith.index_cast %while3A_62 : i32 to index
      %get3A_104 = memref.load %arg10[%get3A_103] : memref<128xi32, #tpu.memory_space<smem>>
      %get3A_105 = arith.index_cast %while3A_62 : i32 to index
      %get3A_106 = memref.load %arg13[%get3A_105] : memref<128xi32, #tpu.memory_space<smem>>
      %eq3A_107 = arith.constant 1 : i32
      %eq3A_108 = arith.cmpi eq, %get3A_106, %eq3A_107 : i32
      %convert_element_type3A_109 = arith.extui %eq3A_108 : i1 to i32
      %cond3A_110 = arith.constant 0 : i32
      %cond3A_111 = arith.cmpi ne, %convert_element_type3A_109, %cond3A_110 : i32
      scf.if %cond3A_111 {
        %swap3A = arith.index_cast %get3A_104 : i32 to index
        %swap3A_125 = arith.constant 0 : index
        %swap3A_126 = tpu.vector_load %arg7[%swap3A, %swap3A_125] {strides = array<i32>} : memref<16x128xf32, #tpu.memory_space<vmem>>, vector<1x16xf32>,
        %swap3A_127 = vector.shape_cast %swap3A_126 : vector<1x16xf32> to vector<16xf32>
        %swap3A_128 = vector.shape_cast %scan3A_101#0 : vector<16xf32> to vector<1x16xf32>
        tpu.vector_store %arg7[%swap3A, %swap3A_125], %swap3A_128 {strides = array<i32>} : memref<16x128xf32, #tpu.memory_space<vmem>>, vector<1x16xf32>,
        %swap3A_129 = arith.index_cast %get3A_104 : i32 to index
        %swap3A_130 = arith.constant 16 : index
        %swap3A_131 = tpu.vector_load %arg7[%swap3A_129, %swap3A_130] {strides = array<i32>} : memref<16x128xf32, #tpu.memory_space<vmem>>, vector<1x16xf32>,
        %swap3A_132 = vector.shape_cast %swap3A_131 : vector<1x16xf32> to vector<16xf32>
        %swap3A_133 = vector.shape_cast %scan3A_101#1 : vector<16xf32> to vector<1x16xf32>
        tpu.vector_store %arg7[%swap3A_129, %swap3A_130], %swap3A_133 {strides = array<i32>} : memref<16x128xf32, #tpu.memory_space<vmem>>, vector<1x16xf32>,
        %swap3A_134 = arith.index_cast %get3A_104 : i32 to index
        %swap3A_135 = arith.constant 32 : index
        %swap3A_136 = tpu.vector_load %arg7[%swap3A_134, %swap3A_135] {strides = array<i32>} : memref<16x128xf32, #tpu.memory_space<vmem>>, vector<1x16xf32>,
        %swap3A_137 = vector.shape_cast %swap3A_136 : vector<1x16xf32> to vector<16xf32>
        %swap3A_138 = vector.shape_cast %scan3A_101#2 : vector<16xf32> to vector<1x16xf32>
        tpu.vector_store %arg7[%swap3A_134, %swap3A_135], %swap3A_138 {strides = array<i32>} : memref<16x128xf32, #tpu.memory_space<vmem>>, vector<1x16xf32>,
        %swap3A_139 = arith.index_cast %get3A_104 : i32 to index
        %swap3A_140 = arith.constant 48 : index
        %swap3A_141 = tpu.vector_load %arg7[%swap3A_139, %swap3A_140] {strides = array<i32>} : memref<16x128xf32, #tpu.memory_space<vmem>>, vector<1x16xf32>,
        %swap3A_142 = vector.shape_cast %swap3A_141 : vector<1x16xf32> to vector<16xf32>
        %swap3A_143 = vector.shape_cast %scan3A_101#3 : vector<16xf32> to vector<1x16xf32>
        tpu.vector_store %arg7[%swap3A_139, %swap3A_140], %swap3A_143 {strides = array<i32>} : memref<16x128xf32, #tpu.memory_space<vmem>>, vector<1x16xf32>,
        %swap3A_144 = arith.index_cast %get3A_104 : i32 to index
        %swap3A_145 = arith.constant 64 : index
        %swap3A_146 = tpu.vector_load %arg7[%swap3A_144, %swap3A_145] {strides = array<i32>} : memref<16x128xf32, #tpu.memory_space<vmem>>, vector<1x16xf32>,
        %swap3A_147 = vector.shape_cast %swap3A_146 : vector<1x16xf32> to vector<16xf32>
        %swap3A_148 = vector.shape_cast %scan3A_101#4 : vector<16xf32> to vector<1x16xf32>
        tpu.vector_store %arg7[%swap3A_144, %swap3A_145], %swap3A_148 {strides = array<i32>} : memref<16x128xf32, #tpu.memory_space<vmem>>, vector<1x16xf32>,
        %swap3A_149 = arith.index_cast %get3A_104 : i32 to index
        %swap3A_150 = arith.constant 80 : index
        %swap3A_151 = tpu.vector_load %arg7[%swap3A_149, %swap3A_150] {strides = array<i32>} : memref<16x128xf32, #tpu.memory_space<vmem>>, vector<1x16xf32>,
        %swap3A_152 = vector.shape_cast %swap3A_151 : vector<1x16xf32> to vector<16xf32>
        %swap3A_153 = vector.shape_cast %scan3A_101#5 : vector<16xf32> to vector<1x16xf32>
        tpu.vector_store %arg7[%swap3A_149, %swap3A_150], %swap3A_153 {strides = array<i32>} : memref<16x128xf32, #tpu.memory_space<vmem>>, vector<1x16xf32>,
        %swap3A_154 = arith.index_cast %get3A_104 : i32 to index
        %swap3A_155 = arith.constant 96 : index
        %swap3A_156 = tpu.vector_load %arg7[%swap3A_154, %swap3A_155] {strides = array<i32>} : memref<16x128xf32, #tpu.memory_space<vmem>>, vector<1x16xf32>,
        %swap3A_157 = vector.shape_cast %swap3A_156 : vector<1x16xf32> to vector<16xf32>
        %swap3A_158 = vector.shape_cast %scan3A_101#6 : vector<16xf32> to vector<1x16xf32>
        tpu.vector_store %arg7[%swap3A_154, %swap3A_155], %swap3A_158 {strides = array<i32>} : memref<16x128xf32, #tpu.memory_space<vmem>>, vector<1x16xf32>,
        %swap3A_159 = arith.index_cast %get3A_104 : i32 to index
        %swap3A_160 = arith.constant 112 : index
        %swap3A_161 = tpu.vector_load %arg7[%swap3A_159, %swap3A_160] {strides = array<i32>} : memref<16x128xf32, #tpu.memory_space<vmem>>, vector<1x16xf32>,
        %swap3A_162 = vector.shape_cast %swap3A_161 : vector<1x16xf32> to vector<16xf32>
        %swap3A_163 = vector.shape_cast %scan3A_101#7 : vector<16xf32> to vector<1x16xf32>
        tpu.vector_store %arg7[%swap3A_159, %swap3A_160], %swap3A_163 {strides = array<i32>} : memref<16x128xf32, #tpu.memory_space<vmem>>, vector<1x16xf32>,
      } else {
      }
      %eq3A_112 = arith.constant 0 : i32
      %eq3A_113 = arith.cmpi eq, %get3A_106, %eq3A_112 : i32
      %convert_element_type3A_114 = arith.extui %eq3A_113 : i1 to i32
      %convert_element_type3A_115 = arith.sitofp %convert_element_type3A_114 : i32 to f32
      %broadcast_in_dim3A_116 = vector.broadcast %convert_element_type3A_115 : f32 to vector<16xf32>
      %mul3A_117 = arith.mulf %scan3A_101#0, %broadcast_in_dim3A_116 : vector<16xf32>
      %mul3A_118 = arith.mulf %scan3A_101#1, %broadcast_in_dim3A_116 : vector<16xf32>
      %mul3A_119 = arith.mulf %scan3A_101#2, %broadcast_in_dim3A_116 : vector<16xf32>
      %mul3A_120 = arith.mulf %scan3A_101#3, %broadcast_in_dim3A_116 : vector<16xf32>
      %mul3A_121 = arith.mulf %scan3A_101#4, %broadcast_in_dim3A_116 : vector<16xf32>
      %mul3A_122 = arith.mulf %scan3A_101#5, %broadcast_in_dim3A_116 : vector<16xf32>
      %mul3A_123 = arith.mulf %scan3A_101#6, %broadcast_in_dim3A_116 : vector<16xf32>
      %mul3A_124 = arith.mulf %scan3A_101#7, %broadcast_in_dim3A_116 : vector<16xf32>
      scf.yield %mul3A_117, %mul3A_118, %mul3A_119, %mul3A_120, %mul3A_121, %mul3A_122, %mul3A_123, %mul3A_124 : vector<16xf32>, vector<16xf32>, vector<16xf32>, vector<16xf32>, vector<16xf32>, vector<16xf32>, vector<16xf32>, vector<16xf32>
    }
    %while3A_56 = arith.constant 1 : i32
    %while3A_57:8 = scf.for %while3A_62 = %while3A_53 to %while3A_49 step %while3A_56 iter_args(%while3A_63 = %while3A_55#0, %while3A_64 = %while3A_55#1, %while3A_65 = %while3A_55#2, %while3A_66 = %while3A_55#3, %while3A_67 = %while3A_55#4, %while3A_68 = %while3A_55#5, %while3A_69 = %while3A_55#6, %while3A_70 = %while3A_55#7) -> (vector<16xf32>, vector<16xf32>, vector<16xf32>, vector<16xf32>, vector<16xf32>, vector<16xf32>, vector<16xf32>, vector<16xf32>)  : i32 {
      %rem3A_71 = arith.constant 4 : i32
      %rem3A_72 = arith.remsi %while3A_62, %rem3A_71 : i32
      %get3A = arith.index_cast %while3A_62 : i32 to index
      %get3A_73 = memref.load %arg11[%get3A] : memref<128xi32, #tpu.memory_space<smem>>
      %multiple_of3A_74 = tpu.assume_multiple %get3A_73, 64 : i32
      %get3A_75 = arith.index_cast %while3A_62 : i32 to index
      %get3A_76 = memref.load %arg10[%get3A_75] : memref<128xi32, #tpu.memory_space<smem>>
      %dma_wait3A = arith.constant 0 : i32
      %dma_wait3A_77 = arith.constant 0 : i32
      %dma_wait3A_78 = tpu.memref_slice %arg6[%rem3A_72, %dma_wait3A, %dma_wait3A_77] : memref<4x64x128xf32, #tpu.memory_space<vmem>> -> memref<1x64x128xf32, #tpu.memory_space<vmem>>
      %dma_wait3A_79 = tpu.memref_squeeze %dma_wait3A_78 : memref<1x64x128xf32, #tpu.memory_space<vmem>> -> memref<64x128xf32, #tpu.memory_space<vmem>>
      %dma_wait3A_80 = tpu.memref_slice %arg2[%get3A_76, %multiple_of3A_74, %multiple_of3A] : memref<16x4096x1024xf32, #tpu.memory_space<hbm>> -> memref<1x64x128xf32, #tpu.memory_space<hbm>>
      %dma_wait3A_81 = tpu.memref_squeeze %dma_wait3A_80 : memref<1x64x128xf32, #tpu.memory_space<hbm>> -> memref<64x128xf32, #tpu.memory_space<hbm>>
      %dma_wait3A_82 = tpu.memref_slice %arg14[%rem3A_72] : memref<4x!tpu.dma_semaphore, #tpu.memory_space<semaphore_mem>> -> memref<1x!tpu.dma_semaphore, #tpu.memory_space<semaphore_mem>>
      %dma_wait3A_83 = tpu.memref_squeeze %dma_wait3A_82 : memref<1x!tpu.dma_semaphore, #tpu.memory_space<semaphore_mem>> -> memref<!tpu.dma_semaphore, #tpu.memory_space<semaphore_mem>>
      %dma_wait3A_84 = arith.constant 0 : i32
      %dma_wait3A_85 = arith.constant 0 : i32
      %dma_wait3A_86 = tpu.memref_slice %arg6[%rem3A_72, %dma_wait3A_84, %dma_wait3A_85] : memref<4x64x128xf32, #tpu.memory_space<vmem>> -> memref<1x64x128xf32, #tpu.memory_space<vmem>>
      %dma_wait3A_87 = tpu.memref_squeeze %dma_wait3A_86 : memref<1x64x128xf32, #tpu.memory_space<vmem>> -> memref<64x128xf32, #tpu.memory_space<vmem>>
      %dma_wait3A_88 = tpu.memref_slice %arg2[%get3A_76, %multiple_of3A_74, %multiple_of3A] : memref<16x4096x1024xf32, #tpu.memory_space<hbm>> -> memref<1x64x128xf32, #tpu.memory_space<hbm>>
      %dma_wait3A_89 = tpu.memref_squeeze %dma_wait3A_88 : memref<1x64x128xf32, #tpu.memory_space<hbm>> -> memref<64x128xf32, #tpu.memory_space<hbm>>
      tpu.wait_dma2 semaphore(%dma_wait3A_83 : memref<!tpu.dma_semaphore, #tpu.memory_space<semaphore_mem>>) src(%dma_wait3A_89 : memref<64x128xf32, #tpu.memory_space<hbm>>) dst(%dma_wait3A_87 : memref<64x128xf32, #tpu.memory_space<vmem>>)
      %add3A_90 = arith.constant 3 : i32
      %add3A_91 = arith.addi %while3A_62, %add3A_90 : i32
      %lt3A = arith.cmpi slt, %add3A_91, %scan3A_26 : i32
      %convert_element_type3A_92 = arith.extui %lt3A : i1 to i32
      %cond3A_93 = arith.constant 0 : i32
      %cond3A_94 = arith.cmpi ne, %convert_element_type3A_92, %cond3A_93 : i32
      scf.if %cond3A_94 {
        %add3A_125 = arith.constant 3 : i32
        %add3A_126 = arith.addi %while3A_62, %add3A_125 : i32
        %add3A_127 = arith.constant 3 : i32
        %add3A_128 = arith.addi %while3A_62, %add3A_127 : i32
        %rem3A_129 = arith.constant 4 : i32
        %rem3A_130 = arith.remsi %add3A_128, %rem3A_129 : i32
        %get3A_131 = arith.index_cast %add3A_126 : i32 to index
        %get3A_132 = memref.load %arg11[%get3A_131] : memref<128xi32, #tpu.memory_space<smem>>
        %multiple_of3A_133 = tpu.assume_multiple %get3A_132, 64 : i32
        %get3A_134 = arith.index_cast %add3A_126 : i32 to index
        %get3A_135 = memref.load %arg10[%get3A_134] : memref<128xi32, #tpu.memory_space<smem>>
        %dma_start3A = arith.constant 0 : i32
        %dma_start3A_136 = arith.constant 0 : i32
        %dma_start3A_137 = tpu.memref_slice %arg6[%rem3A_130, %dma_start3A, %dma_start3A_136] : memref<4x64x128xf32, #tpu.memory_space<vmem>> -> memref<1x64x128xf32, #tpu.memory_space<vmem>>
        %dma_start3A_138 = tpu.memref_squeeze %dma_start3A_137 : memref<1x64x128xf32, #tpu.memory_space<vmem>> -> memref<64x128xf32, #tpu.memory_space<vmem>>
        %dma_start3A_139 = tpu.memref_slice %arg2[%get3A_135, %multiple_of3A_133, %multiple_of3A] : memref<16x4096x1024xf32, #tpu.memory_space<hbm>> -> memref<1x64x128xf32, #tpu.memory_space<hbm>>
        %dma_start3A_140 = tpu.memref_squeeze %dma_start3A_139 : memref<1x64x128xf32, #tpu.memory_space<hbm>> -> memref<64x128xf32, #tpu.memory_space<hbm>>
        %dma_start3A_141 = tpu.memref_slice %arg14[%rem3A_130] : memref<4x!tpu.dma_semaphore, #tpu.memory_space<semaphore_mem>> -> memref<1x!tpu.dma_semaphore, #tpu.memory_space<semaphore_mem>>
        %dma_start3A_142 = tpu.memref_squeeze %dma_start3A_141 : memref<1x!tpu.dma_semaphore, #tpu.memory_space<semaphore_mem>> -> memref<!tpu.dma_semaphore, #tpu.memory_space<semaphore_mem>>
        %dma_start3A_143 = arith.constant 0 : i32
        %dma_start3A_144 = arith.constant 0 : i32
        %dma_start3A_145 = tpu.memref_slice %arg6[%rem3A_130, %dma_start3A_143, %dma_start3A_144] : memref<4x64x128xf32, #tpu.memory_space<vmem>> -> memref<1x64x128xf32, #tpu.memory_space<vmem>>
        %dma_start3A_146 = tpu.memref_squeeze %dma_start3A_145 : memref<1x64x128xf32, #tpu.memory_space<vmem>> -> memref<64x128xf32, #tpu.memory_space<vmem>>
        %dma_start3A_147 = tpu.memref_slice %arg2[%get3A_135, %multiple_of3A_133, %multiple_of3A] : memref<16x4096x1024xf32, #tpu.memory_space<hbm>> -> memref<1x64x128xf32, #tpu.memory_space<hbm>>
        %dma_start3A_148 = tpu.memref_squeeze %dma_start3A_147 : memref<1x64x128xf32, #tpu.memory_space<hbm>> -> memref<64x128xf32, #tpu.memory_space<hbm>>
        tpu.enqueue_dma source(%dma_start3A_148 : memref<64x128xf32, #tpu.memory_space<hbm>>) target(%dma_start3A_146 : memref<64x128xf32, #tpu.memory_space<vmem>>) target_semaphore(%dma_start3A_142 : memref<!tpu.dma_semaphore, #tpu.memory_space<semaphore_mem>>)
      } else {
      }
      %get3A_95 = arith.index_cast %while3A_62 : i32 to index
      %get3A_96 = memref.load %arg12[%get3A_95] : memref<128xi32, #tpu.memory_space<smem>>
      %scan3A_97 = arith.constant 0 : i32
      %scan3A_98 = arith.constant 64 : i32
      %scan3A_99 = arith.addi %scan3A_97, %scan3A_98 : i32
      %scan3A_100 = arith.constant 4 : i32
      %scan3A_101:8 = scf.for %scan3A_125 = %scan3A_97 to %scan3A_99 step %scan3A_100 iter_args(%scan3A_126 = %while3A_63, %scan3A_127 = %while3A_64, %scan3A_128 = %while3A_65, %scan3A_129 = %while3A_66, %scan3A_130 = %while3A_67, %scan3A_131 = %while3A_68, %scan3A_132 = %while3A_69, %scan3A_133 = %while3A_70) -> (vector<16xf32>, vector<16xf32>, vector<16xf32>, vector<16xf32>, vector<16xf32>, vector<16xf32>, vector<16xf32>, vector<16xf32>)  : i32 {
        %lt3A_134 = arith.cmpi slt, %scan3A_125, %get3A_96 : i32
        %convert_element_type3A_135 = arith.extui %lt3A_134 : i1 to i32
        %convert_element_type3A_136 = arith.sitofp %convert_element_type3A_135 : i32 to f32
        %broadcast_in_dim3A_137 = vector.broadcast %convert_element_type3A_136 : f32 to vector<16xf32>
        %get3A_138 = arith.index_cast %rem3A_72 : i32 to index
        %get3A_139 = arith.index_cast %scan3A_125 : i32 to index
        %get3A_140 = arith.constant 0 : index
        %get3A_141 = tpu.vector_load %arg6[%get3A_138, %get3A_139, %get3A_140] {strides = array<i32>} : memref<4x64x128xf32, #tpu.memory_space<vmem>>, vector<1x1x16xf32>,
        %get3A_142 = vector.shape_cast %get3A_141 : vector<1x1x16xf32> to vector<16xf32>
        %mul3A_143 = arith.mulf %get3A_142, %broadcast_in_dim3A_137 : vector<16xf32>
        %add3A_144 = arith.addf %scan3A_126, %mul3A_143 : vector<16xf32>
        %get3A_145 = arith.index_cast %rem3A_72 : i32 to index
        %get3A_146 = arith.index_cast %scan3A_125 : i32 to index
        %get3A_147 = arith.constant 16 : index
        %get3A_148 = tpu.vector_load %arg6[%get3A_145, %get3A_146, %get3A_147] {strides = array<i32>} : memref<4x64x128xf32, #tpu.memory_space<vmem>>, vector<1x1x16xf32>,
        %get3A_149 = vector.shape_cast %get3A_148 : vector<1x1x16xf32> to vector<16xf32>
        %mul3A_150 = arith.mulf %get3A_149, %broadcast_in_dim3A_137 : vector<16xf32>
        %add3A_151 = arith.addf %scan3A_127, %mul3A_150 : vector<16xf32>
        %get3A_152 = arith.index_cast %rem3A_72 : i32 to index
        %get3A_153 = arith.index_cast %scan3A_125 : i32 to index
        %get3A_154 = arith.constant 32 : index
        %get3A_155 = tpu.vector_load %arg6[%get3A_152, %get3A_153, %get3A_154] {strides = array<i32>} : memref<4x64x128xf32, #tpu.memory_space<vmem>>, vector<1x1x16xf32>,
        %get3A_156 = vector.shape_cast %get3A_155 : vector<1x1x16xf32> to vector<16xf32>
        %mul3A_157 = arith.mulf %get3A_156, %broadcast_in_dim3A_137 : vector<16xf32>
        %add3A_158 = arith.addf %scan3A_128, %mul3A_157 : vector<16xf32>
        %get3A_159 = arith.index_cast %rem3A_72 : i32 to index
        %get3A_160 = arith.index_cast %scan3A_125 : i32 to index
        %get3A_161 = arith.constant 48 : index
        %get3A_162 = tpu.vector_load %arg6[%get3A_159, %get3A_160, %get3A_161] {strides = array<i32>} : memref<4x64x128xf32, #tpu.memory_space<vmem>>, vector<1x1x16xf32>,
        %get3A_163 = vector.shape_cast %get3A_162 : vector<1x1x16xf32> to vector<16xf32>
        %mul3A_164 = arith.mulf %get3A_163, %broadcast_in_dim3A_137 : vector<16xf32>
        %add3A_165 = arith.addf %scan3A_129, %mul3A_164 : vector<16xf32>
        %get3A_166 = arith.index_cast %rem3A_72 : i32 to index
        %get3A_167 = arith.index_cast %scan3A_125 : i32 to index
        %get3A_168 = arith.constant 64 : index
        %get3A_169 = tpu.vector_load %arg6[%get3A_166, %get3A_167, %get3A_168] {strides = array<i32>} : memref<4x64x128xf32, #tpu.memory_space<vmem>>, vector<1x1x16xf32>,
        %get3A_170 = vector.shape_cast %get3A_169 : vector<1x1x16xf32> to vector<16xf32>
        %mul3A_171 = arith.mulf %get3A_170, %broadcast_in_dim3A_137 : vector<16xf32>
        %add3A_172 = arith.addf %scan3A_130, %mul3A_171 : vector<16xf32>
        %get3A_173 = arith.index_cast %rem3A_72 : i32 to index
        %get3A_174 = arith.index_cast %scan3A_125 : i32 to index
        %get3A_175 = arith.constant 80 : index
        %get3A_176 = tpu.vector_load %arg6[%get3A_173, %get3A_174, %get3A_175] {strides = array<i32>} : memref<4x64x128xf32, #tpu.memory_space<vmem>>, vector<1x1x16xf32>,
        %get3A_177 = vector.shape_cast %get3A_176 : vector<1x1x16xf32> to vector<16xf32>
        %mul3A_178 = arith.mulf %get3A_177, %broadcast_in_dim3A_137 : vector<16xf32>
        %add3A_179 = arith.addf %scan3A_131, %mul3A_178 : vector<16xf32>
        %get3A_180 = arith.index_cast %rem3A_72 : i32 to index
        %get3A_181 = arith.index_cast %scan3A_125 : i32 to index
        %get3A_182 = arith.constant 96 : index
        %get3A_183 = tpu.vector_load %arg6[%get3A_180, %get3A_181, %get3A_182] {strides = array<i32>} : memref<4x64x128xf32, #tpu.memory_space<vmem>>, vector<1x1x16xf32>,
        %get3A_184 = vector.shape_cast %get3A_183 : vector<1x1x16xf32> to vector<16xf32>
        %mul3A_185 = arith.mulf %get3A_184, %broadcast_in_dim3A_137 : vector<16xf32>
        %add3A_186 = arith.addf %scan3A_132, %mul3A_185 : vector<16xf32>
        %get3A_187 = arith.index_cast %rem3A_72 : i32 to index
        %get3A_188 = arith.index_cast %scan3A_125 : i32 to index
        %get3A_189 = arith.constant 112 : index
        %get3A_190 = tpu.vector_load %arg6[%get3A_187, %get3A_188, %get3A_189] {strides = array<i32>} : memref<4x64x128xf32, #tpu.memory_space<vmem>>, vector<1x1x16xf32>,
        %get3A_191 = vector.shape_cast %get3A_190 : vector<1x1x16xf32> to vector<16xf32>
        %mul3A_192 = arith.mulf %get3A_191, %broadcast_in_dim3A_137 : vector<16xf32>
        %add3A_193 = arith.addf %scan3A_133, %mul3A_192 : vector<16xf32>
        %scan3A_194 = arith.constant 1 : i32
        %scan3A_195 = arith.addi %scan3A_125, %scan3A_194 : i32
        %lt3A_196 = arith.cmpi slt, %scan3A_195, %get3A_96 : i32
        %convert_element_type3A_197 = arith.extui %lt3A_196 : i1 to i32
        %convert_element_type3A_198 = arith.sitofp %convert_element_type3A_197 : i32 to f32
        %broadcast_in_dim3A_199 = vector.broadcast %convert_element_type3A_198 : f32 to vector<16xf32>
        %get3A_200 = arith.index_cast %rem3A_72 : i32 to index
        %get3A_201 = arith.index_cast %scan3A_195 : i32 to index
        %get3A_202 = arith.constant 0 : index
        %get3A_203 = tpu.vector_load %arg6[%get3A_200, %get3A_201, %get3A_202] {strides = array<i32>} : memref<4x64x128xf32, #tpu.memory_space<vmem>>, vector<1x1x16xf32>,
        %get3A_204 = vector.shape_cast %get3A_203 : vector<1x1x16xf32> to vector<16xf32>
        %mul3A_205 = arith.mulf %get3A_204, %broadcast_in_dim3A_199 : vector<16xf32>
        %add3A_206 = arith.addf %add3A_144, %mul3A_205 : vector<16xf32>
        %get3A_207 = arith.index_cast %rem3A_72 : i32 to index
        %get3A_208 = arith.index_cast %scan3A_195 : i32 to index
        %get3A_209 = arith.constant 16 : index
        %get3A_210 = tpu.vector_load %arg6[%get3A_207, %get3A_208, %get3A_209] {strides = array<i32>} : memref<4x64x128xf32, #tpu.memory_space<vmem>>, vector<1x1x16xf32>,
        %get3A_211 = vector.shape_cast %get3A_210 : vector<1x1x16xf32> to vector<16xf32>
        %mul3A_212 = arith.mulf %get3A_211, %broadcast_in_dim3A_199 : vector<16xf32>
        %add3A_213 = arith.addf %add3A_151, %mul3A_212 : vector<16xf32>
        %get3A_214 = arith.index_cast %rem3A_72 : i32 to index
        %get3A_215 = arith.index_cast %scan3A_195 : i32 to index
        %get3A_216 = arith.constant 32 : index
        %get3A_217 = tpu.vector_load %arg6[%get3A_214, %get3A_215, %get3A_216] {strides = array<i32>} : memref<4x64x128xf32, #tpu.memory_space<vmem>>, vector<1x1x16xf32>,
        %get3A_218 = vector.shape_cast %get3A_217 : vector<1x1x16xf32> to vector<16xf32>
        %mul3A_219 = arith.mulf %get3A_218, %broadcast_in_dim3A_199 : vector<16xf32>
        %add3A_220 = arith.addf %add3A_158, %mul3A_219 : vector<16xf32>
        %get3A_221 = arith.index_cast %rem3A_72 : i32 to index
        %get3A_222 = arith.index_cast %scan3A_195 : i32 to index
        %get3A_223 = arith.constant 48 : index
        %get3A_224 = tpu.vector_load %arg6[%get3A_221, %get3A_222, %get3A_223] {strides = array<i32>} : memref<4x64x128xf32, #tpu.memory_space<vmem>>, vector<1x1x16xf32>,
        %get3A_225 = vector.shape_cast %get3A_224 : vector<1x1x16xf32> to vector<16xf32>
        %mul3A_226 = arith.mulf %get3A_225, %broadcast_in_dim3A_199 : vector<16xf32>
        %add3A_227 = arith.addf %add3A_165, %mul3A_226 : vector<16xf32>
        %get3A_228 = arith.index_cast %rem3A_72 : i32 to index
        %get3A_229 = arith.index_cast %scan3A_195 : i32 to index
        %get3A_230 = arith.constant 64 : index
        %get3A_231 = tpu.vector_load %arg6[%get3A_228, %get3A_229, %get3A_230] {strides = array<i32>} : memref<4x64x128xf32, #tpu.memory_space<vmem>>, vector<1x1x16xf32>,
        %get3A_232 = vector.shape_cast %get3A_231 : vector<1x1x16xf32> to vector<16xf32>
        %mul3A_233 = arith.mulf %get3A_232, %broadcast_in_dim3A_199 : vector<16xf32>
        %add3A_234 = arith.addf %add3A_172, %mul3A_233 : vector<16xf32>
        %get3A_235 = arith.index_cast %rem3A_72 : i32 to index
        %get3A_236 = arith.index_cast %scan3A_195 : i32 to index
        %get3A_237 = arith.constant 80 : index
        %get3A_238 = tpu.vector_load %arg6[%get3A_235, %get3A_236, %get3A_237] {strides = array<i32>} : memref<4x64x128xf32, #tpu.memory_space<vmem>>, vector<1x1x16xf32>,
        %get3A_239 = vector.shape_cast %get3A_238 : vector<1x1x16xf32> to vector<16xf32>
        %mul3A_240 = arith.mulf %get3A_239, %broadcast_in_dim3A_199 : vector<16xf32>
        %add3A_241 = arith.addf %add3A_179, %mul3A_240 : vector<16xf32>
        %get3A_242 = arith.index_cast %rem3A_72 : i32 to index
        %get3A_243 = arith.index_cast %scan3A_195 : i32 to index
        %get3A_244 = arith.constant 96 : index
        %get3A_245 = tpu.vector_load %arg6[%get3A_242, %get3A_243, %get3A_244] {strides = array<i32>} : memref<4x64x128xf32, #tpu.memory_space<vmem>>, vector<1x1x16xf32>,
        %get3A_246 = vector.shape_cast %get3A_245 : vector<1x1x16xf32> to vector<16xf32>
        %mul3A_247 = arith.mulf %get3A_246, %broadcast_in_dim3A_199 : vector<16xf32>
        %add3A_248 = arith.addf %add3A_186, %mul3A_247 : vector<16xf32>
        %get3A_249 = arith.index_cast %rem3A_72 : i32 to index
        %get3A_250 = arith.index_cast %scan3A_195 : i32 to index
        %get3A_251 = arith.constant 112 : index
        %get3A_252 = tpu.vector_load %arg6[%get3A_249, %get3A_250, %get3A_251] {strides = array<i32>} : memref<4x64x128xf32, #tpu.memory_space<vmem>>, vector<1x1x16xf32>,
        %get3A_253 = vector.shape_cast %get3A_252 : vector<1x1x16xf32> to vector<16xf32>
        %mul3A_254 = arith.mulf %get3A_253, %broadcast_in_dim3A_199 : vector<16xf32>
        %add3A_255 = arith.addf %add3A_193, %mul3A_254 : vector<16xf32>
        %scan3A_256 = arith.constant 2 : i32
        %scan3A_257 = arith.addi %scan3A_125, %scan3A_256 : i32
        %lt3A_258 = arith.cmpi slt, %scan3A_257, %get3A_96 : i32
        %convert_element_type3A_259 = arith.extui %lt3A_258 : i1 to i32
        %convert_element_type3A_260 = arith.sitofp %convert_element_type3A_259 : i32 to f32
        %broadcast_in_dim3A_261 = vector.broadcast %convert_element_type3A_260 : f32 to vector<16xf32>
        %get3A_262 = arith.index_cast %rem3A_72 : i32 to index
        %get3A_263 = arith.index_cast %scan3A_257 : i32 to index
        %get3A_264 = arith.constant 0 : index
        %get3A_265 = tpu.vector_load %arg6[%get3A_262, %get3A_263, %get3A_264] {strides = array<i32>} : memref<4x64x128xf32, #tpu.memory_space<vmem>>, vector<1x1x16xf32>,
        %get3A_266 = vector.shape_cast %get3A_265 : vector<1x1x16xf32> to vector<16xf32>
        %mul3A_267 = arith.mulf %get3A_266, %broadcast_in_dim3A_261 : vector<16xf32>
        %add3A_268 = arith.addf %add3A_206, %mul3A_267 : vector<16xf32>
        %get3A_269 = arith.index_cast %rem3A_72 : i32 to index
        %get3A_270 = arith.index_cast %scan3A_257 : i32 to index
        %get3A_271 = arith.constant 16 : index
        %get3A_272 = tpu.vector_load %arg6[%get3A_269, %get3A_270, %get3A_271] {strides = array<i32>} : memref<4x64x128xf32, #tpu.memory_space<vmem>>, vector<1x1x16xf32>,
        %get3A_273 = vector.shape_cast %get3A_272 : vector<1x1x16xf32> to vector<16xf32>
        %mul3A_274 = arith.mulf %get3A_273, %broadcast_in_dim3A_261 : vector<16xf32>
        %add3A_275 = arith.addf %add3A_213, %mul3A_274 : vector<16xf32>
        %get3A_276 = arith.index_cast %rem3A_72 : i32 to index
        %get3A_277 = arith.index_cast %scan3A_257 : i32 to index
        %get3A_278 = arith.constant 32 : index
        %get3A_279 = tpu.vector_load %arg6[%get3A_276, %get3A_277, %get3A_278] {strides = array<i32>} : memref<4x64x128xf32, #tpu.memory_space<vmem>>, vector<1x1x16xf32>,
        %get3A_280 = vector.shape_cast %get3A_279 : vector<1x1x16xf32> to vector<16xf32>
        %mul3A_281 = arith.mulf %get3A_280, %broadcast_in_dim3A_261 : vector<16xf32>
        %add3A_282 = arith.addf %add3A_220, %mul3A_281 : vector<16xf32>
        %get3A_283 = arith.index_cast %rem3A_72 : i32 to index
        %get3A_284 = arith.index_cast %scan3A_257 : i32 to index
        %get3A_285 = arith.constant 48 : index
        %get3A_286 = tpu.vector_load %arg6[%get3A_283, %get3A_284, %get3A_285] {strides = array<i32>} : memref<4x64x128xf32, #tpu.memory_space<vmem>>, vector<1x1x16xf32>,
        %get3A_287 = vector.shape_cast %get3A_286 : vector<1x1x16xf32> to vector<16xf32>
        %mul3A_288 = arith.mulf %get3A_287, %broadcast_in_dim3A_261 : vector<16xf32>
        %add3A_289 = arith.addf %add3A_227, %mul3A_288 : vector<16xf32>
        %get3A_290 = arith.index_cast %rem3A_72 : i32 to index
        %get3A_291 = arith.index_cast %scan3A_257 : i32 to index
        %get3A_292 = arith.constant 64 : index
        %get3A_293 = tpu.vector_load %arg6[%get3A_290, %get3A_291, %get3A_292] {strides = array<i32>} : memref<4x64x128xf32, #tpu.memory_space<vmem>>, vector<1x1x16xf32>,
        %get3A_294 = vector.shape_cast %get3A_293 : vector<1x1x16xf32> to vector<16xf32>
        %mul3A_295 = arith.mulf %get3A_294, %broadcast_in_dim3A_261 : vector<16xf32>
        %add3A_296 = arith.addf %add3A_234, %mul3A_295 : vector<16xf32>
        %get3A_297 = arith.index_cast %rem3A_72 : i32 to index
        %get3A_298 = arith.index_cast %scan3A_257 : i32 to index
        %get3A_299 = arith.constant 80 : index
        %get3A_300 = tpu.vector_load %arg6[%get3A_297, %get3A_298, %get3A_299] {strides = array<i32>} : memref<4x64x128xf32, #tpu.memory_space<vmem>>, vector<1x1x16xf32>,
        %get3A_301 = vector.shape_cast %get3A_300 : vector<1x1x16xf32> to vector<16xf32>
        %mul3A_302 = arith.mulf %get3A_301, %broadcast_in_dim3A_261 : vector<16xf32>
        %add3A_303 = arith.addf %add3A_241, %mul3A_302 : vector<16xf32>
        %get3A_304 = arith.index_cast %rem3A_72 : i32 to index
        %get3A_305 = arith.index_cast %scan3A_257 : i32 to index
        %get3A_306 = arith.constant 96 : index
        %get3A_307 = tpu.vector_load %arg6[%get3A_304, %get3A_305, %get3A_306] {strides = array<i32>} : memref<4x64x128xf32, #tpu.memory_space<vmem>>, vector<1x1x16xf32>,
        %get3A_308 = vector.shape_cast %get3A_307 : vector<1x1x16xf32> to vector<16xf32>
        %mul3A_309 = arith.mulf %get3A_308, %broadcast_in_dim3A_261 : vector<16xf32>
        %add3A_310 = arith.addf %add3A_248, %mul3A_309 : vector<16xf32>
        %get3A_311 = arith.index_cast %rem3A_72 : i32 to index
        %get3A_312 = arith.index_cast %scan3A_257 : i32 to index
        %get3A_313 = arith.constant 112 : index
        %get3A_314 = tpu.vector_load %arg6[%get3A_311, %get3A_312, %get3A_313] {strides = array<i32>} : memref<4x64x128xf32, #tpu.memory_space<vmem>>, vector<1x1x16xf32>,
        %get3A_315 = vector.shape_cast %get3A_314 : vector<1x1x16xf32> to vector<16xf32>
        %mul3A_316 = arith.mulf %get3A_315, %broadcast_in_dim3A_261 : vector<16xf32>
        %add3A_317 = arith.addf %add3A_255, %mul3A_316 : vector<16xf32>
        %scan3A_318 = arith.constant 3 : i32
        %scan3A_319 = arith.addi %scan3A_125, %scan3A_318 : i32
        %lt3A_320 = arith.cmpi slt, %scan3A_319, %get3A_96 : i32
        %convert_element_type3A_321 = arith.extui %lt3A_320 : i1 to i32
        %convert_element_type3A_322 = arith.sitofp %convert_element_type3A_321 : i32 to f32
        %broadcast_in_dim3A_323 = vector.broadcast %convert_element_type3A_322 : f32 to vector<16xf32>
        %get3A_324 = arith.index_cast %rem3A_72 : i32 to index
        %get3A_325 = arith.index_cast %scan3A_319 : i32 to index
        %get3A_326 = arith.constant 0 : index
        %get3A_327 = tpu.vector_load %arg6[%get3A_324, %get3A_325, %get3A_326] {strides = array<i32>} : memref<4x64x128xf32, #tpu.memory_space<vmem>>, vector<1x1x16xf32>,
        %get3A_328 = vector.shape_cast %get3A_327 : vector<1x1x16xf32> to vector<16xf32>
        %mul3A_329 = arith.mulf %get3A_328, %broadcast_in_dim3A_323 : vector<16xf32>
        %add3A_330 = arith.addf %add3A_268, %mul3A_329 : vector<16xf32>
        %get3A_331 = arith.index_cast %rem3A_72 : i32 to index
        %get3A_332 = arith.index_cast %scan3A_319 : i32 to index
        %get3A_333 = arith.constant 16 : index
        %get3A_334 = tpu.vector_load %arg6[%get3A_331, %get3A_332, %get3A_333] {strides = array<i32>} : memref<4x64x128xf32, #tpu.memory_space<vmem>>, vector<1x1x16xf32>,
        %get3A_335 = vector.shape_cast %get3A_334 : vector<1x1x16xf32> to vector<16xf32>
        %mul3A_336 = arith.mulf %get3A_335, %broadcast_in_dim3A_323 : vector<16xf32>
        %add3A_337 = arith.addf %add3A_275, %mul3A_336 : vector<16xf32>
        %get3A_338 = arith.index_cast %rem3A_72 : i32 to index
        %get3A_339 = arith.index_cast %scan3A_319 : i32 to index
        %get3A_340 = arith.constant 32 : index
        %get3A_341 = tpu.vector_load %arg6[%get3A_338, %get3A_339, %get3A_340] {strides = array<i32>} : memref<4x64x128xf32, #tpu.memory_space<vmem>>, vector<1x1x16xf32>,
        %get3A_342 = vector.shape_cast %get3A_341 : vector<1x1x16xf32> to vector<16xf32>
        %mul3A_343 = arith.mulf %get3A_342, %broadcast_in_dim3A_323 : vector<16xf32>
        %add3A_344 = arith.addf %add3A_282, %mul3A_343 : vector<16xf32>
        %get3A_345 = arith.index_cast %rem3A_72 : i32 to index
        %get3A_346 = arith.index_cast %scan3A_319 : i32 to index
        %get3A_347 = arith.constant 48 : index
        %get3A_348 = tpu.vector_load %arg6[%get3A_345, %get3A_346, %get3A_347] {strides = array<i32>} : memref<4x64x128xf32, #tpu.memory_space<vmem>>, vector<1x1x16xf32>,
        %get3A_349 = vector.shape_cast %get3A_348 : vector<1x1x16xf32> to vector<16xf32>
        %mul3A_350 = arith.mulf %get3A_349, %broadcast_in_dim3A_323 : vector<16xf32>
        %add3A_351 = arith.addf %add3A_289, %mul3A_350 : vector<16xf32>
        %get3A_352 = arith.index_cast %rem3A_72 : i32 to index
        %get3A_353 = arith.index_cast %scan3A_319 : i32 to index
        %get3A_354 = arith.constant 64 : index
        %get3A_355 = tpu.vector_load %arg6[%get3A_352, %get3A_353, %get3A_354] {strides = array<i32>} : memref<4x64x128xf32, #tpu.memory_space<vmem>>, vector<1x1x16xf32>,
        %get3A_356 = vector.shape_cast %get3A_355 : vector<1x1x16xf32> to vector<16xf32>
        %mul3A_357 = arith.mulf %get3A_356, %broadcast_in_dim3A_323 : vector<16xf32>
        %add3A_358 = arith.addf %add3A_296, %mul3A_357 : vector<16xf32>
        %get3A_359 = arith.index_cast %rem3A_72 : i32 to index
        %get3A_360 = arith.index_cast %scan3A_319 : i32 to index
        %get3A_361 = arith.constant 80 : index
        %get3A_362 = tpu.vector_load %arg6[%get3A_359, %get3A_360, %get3A_361] {strides = array<i32>} : memref<4x64x128xf32, #tpu.memory_space<vmem>>, vector<1x1x16xf32>,
        %get3A_363 = vector.shape_cast %get3A_362 : vector<1x1x16xf32> to vector<16xf32>
        %mul3A_364 = arith.mulf %get3A_363, %broadcast_in_dim3A_323 : vector<16xf32>
        %add3A_365 = arith.addf %add3A_303, %mul3A_364 : vector<16xf32>
        %get3A_366 = arith.index_cast %rem3A_72 : i32 to index
        %get3A_367 = arith.index_cast %scan3A_319 : i32 to index
        %get3A_368 = arith.constant 96 : index
        %get3A_369 = tpu.vector_load %arg6[%get3A_366, %get3A_367, %get3A_368] {strides = array<i32>} : memref<4x64x128xf32, #tpu.memory_space<vmem>>, vector<1x1x16xf32>,
        %get3A_370 = vector.shape_cast %get3A_369 : vector<1x1x16xf32> to vector<16xf32>
        %mul3A_371 = arith.mulf %get3A_370, %broadcast_in_dim3A_323 : vector<16xf32>
        %add3A_372 = arith.addf %add3A_310, %mul3A_371 : vector<16xf32>
        %get3A_373 = arith.index_cast %rem3A_72 : i32 to index
        %get3A_374 = arith.index_cast %scan3A_319 : i32 to index
        %get3A_375 = arith.constant 112 : index
        %get3A_376 = tpu.vector_load %arg6[%get3A_373, %get3A_374, %get3A_375] {strides = array<i32>} : memref<4x64x128xf32, #tpu.memory_space<vmem>>, vector<1x1x16xf32>,
        %get3A_377 = vector.shape_cast %get3A_376 : vector<1x1x16xf32> to vector<16xf32>
        %mul3A_378 = arith.mulf %get3A_377, %broadcast_in_dim3A_323 : vector<16xf32>
        %add3A_379 = arith.addf %add3A_317, %mul3A_378 : vector<16xf32>
        scf.yield %add3A_330, %add3A_337, %add3A_344, %add3A_351, %add3A_358, %add3A_365, %add3A_372, %add3A_379 : vector<16xf32>, vector<16xf32>, vector<16xf32>, vector<16xf32>, vector<16xf32>, vector<16xf32>, vector<16xf32>, vector<16xf32>
      }
      %scan3A_102 = arith.constant 64 : i32
      %get3A_103 = arith.index_cast %while3A_62 : i32 to index
      %get3A_104 = memref.load %arg10[%get3A_103] : memref<128xi32, #tpu.memory_space<smem>>
      %get3A_105 = arith.index_cast %while3A_62 : i32 to index
      %get3A_106 = memref.load %arg13[%get3A_105] : memref<128xi32, #tpu.memory_space<smem>>
      %eq3A_107 = arith.constant 1 : i32
      %eq3A_108 = arith.cmpi eq, %get3A_106, %eq3A_107 : i32
      %convert_element_type3A_109 = arith.extui %eq3A_108 : i1 to i32
      %cond3A_110 = arith.constant 0 : i32
      %cond3A_111 = arith.cmpi ne, %convert_element_type3A_109, %cond3A_110 : i32
      scf.if %cond3A_111 {
        %swap3A = arith.index_cast %get3A_104 : i32 to index
        %swap3A_125 = arith.constant 0 : index
        %swap3A_126 = tpu.vector_load %arg7[%swap3A, %swap3A_125] {strides = array<i32>} : memref<16x128xf32, #tpu.memory_space<vmem>>, vector<1x16xf32>,
        %swap3A_127 = vector.shape_cast %swap3A_126 : vector<1x16xf32> to vector<16xf32>
        %swap3A_128 = vector.shape_cast %scan3A_101#0 : vector<16xf32> to vector<1x16xf32>
        tpu.vector_store %arg7[%swap3A, %swap3A_125], %swap3A_128 {strides = array<i32>} : memref<16x128xf32, #tpu.memory_space<vmem>>, vector<1x16xf32>,
        %swap3A_129 = arith.index_cast %get3A_104 : i32 to index
        %swap3A_130 = arith.constant 16 : index
        %swap3A_131 = tpu.vector_load %arg7[%swap3A_129, %swap3A_130] {strides = array<i32>} : memref<16x128xf32, #tpu.memory_space<vmem>>, vector<1x16xf32>,
        %swap3A_132 = vector.shape_cast %swap3A_131 : vector<1x16xf32> to vector<16xf32>
        %swap3A_133 = vector.shape_cast %scan3A_101#1 : vector<16xf32> to vector<1x16xf32>
        tpu.vector_store %arg7[%swap3A_129, %swap3A_130], %swap3A_133 {strides = array<i32>} : memref<16x128xf32, #tpu.memory_space<vmem>>, vector<1x16xf32>,
        %swap3A_134 = arith.index_cast %get3A_104 : i32 to index
        %swap3A_135 = arith.constant 32 : index
        %swap3A_136 = tpu.vector_load %arg7[%swap3A_134, %swap3A_135] {strides = array<i32>} : memref<16x128xf32, #tpu.memory_space<vmem>>, vector<1x16xf32>,
        %swap3A_137 = vector.shape_cast %swap3A_136 : vector<1x16xf32> to vector<16xf32>
        %swap3A_138 = vector.shape_cast %scan3A_101#2 : vector<16xf32> to vector<1x16xf32>
        tpu.vector_store %arg7[%swap3A_134, %swap3A_135], %swap3A_138 {strides = array<i32>} : memref<16x128xf32, #tpu.memory_space<vmem>>, vector<1x16xf32>,
        %swap3A_139 = arith.index_cast %get3A_104 : i32 to index
        %swap3A_140 = arith.constant 48 : index
        %swap3A_141 = tpu.vector_load %arg7[%swap3A_139, %swap3A_140] {strides = array<i32>} : memref<16x128xf32, #tpu.memory_space<vmem>>, vector<1x16xf32>,
        %swap3A_142 = vector.shape_cast %swap3A_141 : vector<1x16xf32> to vector<16xf32>
        %swap3A_143 = vector.shape_cast %scan3A_101#3 : vector<16xf32> to vector<1x16xf32>
        tpu.vector_store %arg7[%swap3A_139, %swap3A_140], %swap3A_143 {strides = array<i32>} : memref<16x128xf32, #tpu.memory_space<vmem>>, vector<1x16xf32>,
        %swap3A_144 = arith.index_cast %get3A_104 : i32 to index
        %swap3A_145 = arith.constant 64 : index
        %swap3A_146 = tpu.vector_load %arg7[%swap3A_144, %swap3A_145] {strides = array<i32>} : memref<16x128xf32, #tpu.memory_space<vmem>>, vector<1x16xf32>,
        %swap3A_147 = vector.shape_cast %swap3A_146 : vector<1x16xf32> to vector<16xf32>
        %swap3A_148 = vector.shape_cast %scan3A_101#4 : vector<16xf32> to vector<1x16xf32>
        tpu.vector_store %arg7[%swap3A_144, %swap3A_145], %swap3A_148 {strides = array<i32>} : memref<16x128xf32, #tpu.memory_space<vmem>>, vector<1x16xf32>,
        %swap3A_149 = arith.index_cast %get3A_104 : i32 to index
        %swap3A_150 = arith.constant 80 : index
        %swap3A_151 = tpu.vector_load %arg7[%swap3A_149, %swap3A_150] {strides = array<i32>} : memref<16x128xf32, #tpu.memory_space<vmem>>, vector<1x16xf32>,
        %swap3A_152 = vector.shape_cast %swap3A_151 : vector<1x16xf32> to vector<16xf32>
        %swap3A_153 = vector.shape_cast %scan3A_101#5 : vector<16xf32> to vector<1x16xf32>
        tpu.vector_store %arg7[%swap3A_149, %swap3A_150], %swap3A_153 {strides = array<i32>} : memref<16x128xf32, #tpu.memory_space<vmem>>, vector<1x16xf32>,
        %swap3A_154 = arith.index_cast %get3A_104 : i32 to index
        %swap3A_155 = arith.constant 96 : index
        %swap3A_156 = tpu.vector_load %arg7[%swap3A_154, %swap3A_155] {strides = array<i32>} : memref<16x128xf32, #tpu.memory_space<vmem>>, vector<1x16xf32>,
        %swap3A_157 = vector.shape_cast %swap3A_156 : vector<1x16xf32> to vector<16xf32>
        %swap3A_158 = vector.shape_cast %scan3A_101#6 : vector<16xf32> to vector<1x16xf32>
        tpu.vector_store %arg7[%swap3A_154, %swap3A_155], %swap3A_158 {strides = array<i32>} : memref<16x128xf32, #tpu.memory_space<vmem>>, vector<1x16xf32>,
        %swap3A_159 = arith.index_cast %get3A_104 : i32 to index
        %swap3A_160 = arith.constant 112 : index
        %swap3A_161 = tpu.vector_load %arg7[%swap3A_159, %swap3A_160] {strides = array<i32>} : memref<16x128xf32, #tpu.memory_space<vmem>>, vector<1x16xf32>,
        %swap3A_162 = vector.shape_cast %swap3A_161 : vector<1x16xf32> to vector<16xf32>
        %swap3A_163 = vector.shape_cast %scan3A_101#7 : vector<16xf32> to vector<1x16xf32>
        tpu.vector_store %arg7[%swap3A_159, %swap3A_160], %swap3A_163 {strides = array<i32>} : memref<16x128xf32, #tpu.memory_space<vmem>>, vector<1x16xf32>,
      } else {
      }
      %eq3A_112 = arith.constant 0 : i32
      %eq3A_113 = arith.cmpi eq, %get3A_106, %eq3A_112 : i32
      %convert_element_type3A_114 = arith.extui %eq3A_113 : i1 to i32
      %convert_element_type3A_115 = arith.sitofp %convert_element_type3A_114 : i32 to f32
      %broadcast_in_dim3A_116 = vector.broadcast %convert_element_type3A_115 : f32 to vector<16xf32>
      %mul3A_117 = arith.mulf %scan3A_101#0, %broadcast_in_dim3A_116 : vector<16xf32>
      %mul3A_118 = arith.mulf %scan3A_101#1, %broadcast_in_dim3A_116 : vector<16xf32>
      %mul3A_119 = arith.mulf %scan3A_101#2, %broadcast_in_dim3A_116 : vector<16xf32>
      %mul3A_120 = arith.mulf %scan3A_101#3, %broadcast_in_dim3A_116 : vector<16xf32>
      %mul3A_121 = arith.mulf %scan3A_101#4, %broadcast_in_dim3A_116 : vector<16xf32>
      %mul3A_122 = arith.mulf %scan3A_101#5, %broadcast_in_dim3A_116 : vector<16xf32>
      %mul3A_123 = arith.mulf %scan3A_101#6, %broadcast_in_dim3A_116 : vector<16xf32>
      %mul3A_124 = arith.mulf %scan3A_101#7, %broadcast_in_dim3A_116 : vector<16xf32>
      scf.yield %mul3A_117, %mul3A_118, %mul3A_119, %mul3A_120, %mul3A_121, %mul3A_122, %mul3A_123, %mul3A_124 : vector<16xf32>, vector<16xf32>, vector<16xf32>, vector<16xf32>, vector<16xf32>, vector<16xf32>, vector<16xf32>, vector<16xf32>
    }
    "tpu.region"() ({
      %run_scoped3A = tpu.sem_alloc : memref<!tpu.dma_semaphore, #tpu.memory_space<semaphore_mem>>
      %dma_start3A = arith.constant 0 : i32
      %dma_start3A_62 = arith.constant 0 : i32
      %dma_start3A_63 = tpu.memref_slice %arg9[%arg1, %dma_start3A, %dma_start3A_62] : memref<16x16x128xf32, #tpu.memory_space<vmem_shared>> -> memref<1x16x128xf32, #tpu.memory_space<vmem_shared>>
      %dma_start3A_64 = tpu.memref_squeeze %dma_start3A_63 : memref<1x16x128xf32, #tpu.memory_space<vmem_shared>> -> memref<16x128xf32, #tpu.memory_space<vmem_shared>>
      %dma_start3A_65 = arith.constant 0 : i32
      %dma_start3A_66 = arith.constant 0 : i32
      %dma_start3A_67 = tpu.memref_slice %arg9[%arg1, %dma_start3A_65, %dma_start3A_66] : memref<16x16x128xf32, #tpu.memory_space<vmem_shared>> -> memref<1x16x128xf32, #tpu.memory_space<vmem_shared>>
      %dma_start3A_68 = tpu.memref_squeeze %dma_start3A_67 : memref<1x16x128xf32, #tpu.memory_space<vmem_shared>> -> memref<16x128xf32, #tpu.memory_space<vmem_shared>>
      tpu.enqueue_dma source(%arg7 : memref<16x128xf32, #tpu.memory_space<vmem>>) target(%dma_start3A_68 : memref<16x128xf32, #tpu.memory_space<vmem_shared>>) target_semaphore(%run_scoped3A : memref<!tpu.dma_semaphore, #tpu.memory_space<semaphore_mem>>)
      %dma_wait3A = arith.constant 0 : i32
      %dma_wait3A_69 = arith.constant 0 : i32
      %dma_wait3A_70 = tpu.memref_slice %arg9[%arg1, %dma_wait3A, %dma_wait3A_69] : memref<16x16x128xf32, #tpu.memory_space<vmem_shared>> -> memref<1x16x128xf32, #tpu.memory_space<vmem_shared>>
      %dma_wait3A_71 = tpu.memref_squeeze %dma_wait3A_70 : memref<1x16x128xf32, #tpu.memory_space<vmem_shared>> -> memref<16x128xf32, #tpu.memory_space<vmem_shared>>
      %dma_wait3A_72 = arith.constant 0 : i32
      %dma_wait3A_73 = arith.constant 0 : i32
      %dma_wait3A_74 = tpu.memref_slice %arg9[%arg1, %dma_wait3A_72, %dma_wait3A_73] : memref<16x16x128xf32, #tpu.memory_space<vmem_shared>> -> memref<1x16x128xf32, #tpu.memory_space<vmem_shared>>
      %dma_wait3A_75 = tpu.memref_squeeze %dma_wait3A_74 : memref<1x16x128xf32, #tpu.memory_space<vmem_shared>> -> memref<16x128xf32, #tpu.memory_space<vmem_shared>>
      tpu.wait_dma2 semaphore(%run_scoped3A : memref<!tpu.dma_semaphore, #tpu.memory_space<semaphore_mem>>) src(%arg7 : memref<16x128xf32, #tpu.memory_space<vmem>>) dst(%dma_wait3A_75 : memref<16x128xf32, #tpu.memory_space<vmem_shared>>)
      tpu.yield
    }) : () -> ()
    %barrier3A = arith.constant 0 : index
    tpu.barrier barrier_id(%barrier3A)
    %eq3A = arith.constant 0 : i32
    %eq3A_58 = arith.cmpi eq, %rem3A_0, %eq3A : i32
    %convert_element_type3A_59 = arith.extui %eq3A_58 : i1 to i32
    %cond3A_60 = arith.constant 0 : i32
    %cond3A_61 = arith.cmpi ne, %convert_element_type3A_59, %cond3A_60 : i32
    scf.if %cond3A_61 {
      %add3A_62 = arith.constant 1 : i32
      %add3A_63 = arith.addi %arg1, %add3A_62 : i32
      "tpu.region"() ({
        %run_scoped3A = tpu.sem_alloc : memref<!tpu.dma_semaphore, #tpu.memory_space<semaphore_mem>>
        %dma_start3A = arith.constant 0 : i32
        %dma_start3A_132 = arith.constant 0 : i32
        %dma_start3A_133 = tpu.memref_slice %arg9[%add3A_63, %dma_start3A, %dma_start3A_132] : memref<16x16x128xf32, #tpu.memory_space<vmem_shared>> -> memref<1x16x128xf32, #tpu.memory_space<vmem_shared>>
        %dma_start3A_134 = tpu.memref_squeeze %dma_start3A_133 : memref<1x16x128xf32, #tpu.memory_space<vmem_shared>> -> memref<16x128xf32, #tpu.memory_space<vmem_shared>>
        %dma_start3A_135 = arith.constant 0 : i32
        %dma_start3A_136 = arith.constant 0 : i32
        %dma_start3A_137 = tpu.memref_slice %arg9[%add3A_63, %dma_start3A_135, %dma_start3A_136] : memref<16x16x128xf32, #tpu.memory_space<vmem_shared>> -> memref<1x16x128xf32, #tpu.memory_space<vmem_shared>>
        %dma_start3A_138 = tpu.memref_squeeze %dma_start3A_137 : memref<1x16x128xf32, #tpu.memory_space<vmem_shared>> -> memref<16x128xf32, #tpu.memory_space<vmem_shared>>
        tpu.enqueue_dma source(%dma_start3A_138 : memref<16x128xf32, #tpu.memory_space<vmem_shared>>) target(%arg8 : memref<16x128xf32, #tpu.memory_space<vmem>>) target_semaphore(%run_scoped3A : memref<!tpu.dma_semaphore, #tpu.memory_space<semaphore_mem>>)
        %dma_wait3A = arith.constant 0 : i32
        %dma_wait3A_139 = arith.constant 0 : i32
        %dma_wait3A_140 = tpu.memref_slice %arg9[%add3A_63, %dma_wait3A, %dma_wait3A_139] : memref<16x16x128xf32, #tpu.memory_space<vmem_shared>> -> memref<1x16x128xf32, #tpu.memory_space<vmem_shared>>
        %dma_wait3A_141 = tpu.memref_squeeze %dma_wait3A_140 : memref<1x16x128xf32, #tpu.memory_space<vmem_shared>> -> memref<16x128xf32, #tpu.memory_space<vmem_shared>>
        %dma_wait3A_142 = arith.constant 0 : i32
        %dma_wait3A_143 = arith.constant 0 : i32
        %dma_wait3A_144 = tpu.memref_slice %arg9[%add3A_63, %dma_wait3A_142, %dma_wait3A_143] : memref<16x16x128xf32, #tpu.memory_space<vmem_shared>> -> memref<1x16x128xf32, #tpu.memory_space<vmem_shared>>
        %dma_wait3A_145 = tpu.memref_squeeze %dma_wait3A_144 : memref<1x16x128xf32, #tpu.memory_space<vmem_shared>> -> memref<16x128xf32, #tpu.memory_space<vmem_shared>>
        tpu.wait_dma2 semaphore(%run_scoped3A : memref<!tpu.dma_semaphore, #tpu.memory_space<semaphore_mem>>) src(%dma_wait3A_145 : memref<16x128xf32, #tpu.memory_space<vmem_shared>>) dst(%arg8 : memref<16x128xf32, #tpu.memory_space<vmem>>)
        tpu.yield
      }) : () -> ()
      %scan3A_64 = arith.constant 0 : i32
      %scan3A_65 = arith.constant 0 : i32
      %scan3A_66 = arith.constant 128 : i32
      %scan3A_67 = arith.addi %scan3A_65, %scan3A_66 : i32
      %scan3A_68 = arith.constant 4 : i32
      %scan3A_69 = scf.for %scan3A_132 = %scan3A_65 to %scan3A_67 step %scan3A_68 iter_args(%scan3A_133 = %scan3A_64) -> (i32)  : i32 {
        %rem3A_134 = arith.constant 8 : i32
        %rem3A_135 = arith.remsi %scan3A_132, %rem3A_134 : i32
        %mul3A_136 = arith.constant 16 : i32
        %mul3A_137 = arith.muli %mul3A_136, %rem3A_135 : i32
        %jit3A_138 = arith.constant 8 : i32
        %div3A_139 = arith.divsi %scan3A_132, %jit3A_138 : i32
        %sign3A_140 = arith.constant 0 : i32
        %sign3A_141 = arith.cmpi sgt, %scan3A_132, %sign3A_140 : i32
        %sign3A_142 = arith.extui %sign3A_141 : i1 to i32
        %sign3A_143 = arith.constant 0 : i32
        %sign3A_144 = arith.cmpi slt, %scan3A_132, %sign3A_143 : i32
        %sign3A_145 = arith.extui %sign3A_144 : i1 to i32
        %sign3A_146 = arith.subi %sign3A_142, %sign3A_145 : i32
        %sign3A_147 = arith.constant 0 : i32
        %sign3A_148 = arith.cmpi sgt, %jit3A_138, %sign3A_147 : i32
        %sign3A_149 = arith.extui %sign3A_148 : i1 to i32
        %sign3A_150 = arith.constant 0 : i32
        %sign3A_151 = arith.cmpi slt, %jit3A_138, %sign3A_150 : i32
        %sign3A_152 = arith.extui %sign3A_151 : i1 to i32
        %sign3A_153 = arith.subi %sign3A_149, %sign3A_152 : i32
        %ne3A_154 = arith.cmpi ne, %sign3A_146, %sign3A_153 : i32
        %rem3A_155 = arith.remsi %scan3A_132, %jit3A_138 : i32
        %ne3A_156 = arith.constant 0 : i32
        %ne3A_157 = arith.cmpi ne, %rem3A_155, %ne3A_156 : i32
        %and3A_158 = arith.andi %ne3A_154, %ne3A_157 : i1
        %sub3A_159 = arith.constant 1 : i32
        %sub3A_160 = arith.subi %div3A_139, %sub3A_159 : i32
        %select_n3A_161 = arith.select %and3A_158, %sub3A_160, %div3A_139 : i32
        %get3A = arith.index_cast %select_n3A_161 : i32 to index
        %get3A_162 = arith.index_cast %mul3A_137 : i32 to index
        %get3A_163 = tpu.vector_load %arg7[%get3A, %get3A_162] {strides = array<i32>} : memref<16x128xf32, #tpu.memory_space<vmem>>, vector<1x16xf32>,
        %get3A_164 = vector.shape_cast %get3A_163 : vector<1x16xf32> to vector<16xf32>
        %get3A_165 = arith.index_cast %select_n3A_161 : i32 to index
        %get3A_166 = arith.index_cast %mul3A_137 : i32 to index
        %get3A_167 = tpu.vector_load %arg8[%get3A_165, %get3A_166] {strides = array<i32>} : memref<16x128xf32, #tpu.memory_space<vmem>>, vector<1x16xf32>,
        %get3A_168 = vector.shape_cast %get3A_167 : vector<1x16xf32> to vector<16xf32>
        %add3A_169 = arith.addf %get3A_164, %get3A_168 : vector<16xf32>
        %swap3A = arith.index_cast %select_n3A_161 : i32 to index
        %swap3A_170 = arith.index_cast %mul3A_137 : i32 to index
        %swap3A_171 = tpu.vector_load %arg7[%swap3A, %swap3A_170] {strides = array<i32>} : memref<16x128xf32, #tpu.memory_space<vmem>>, vector<1x16xf32>,
        %swap3A_172 = vector.shape_cast %swap3A_171 : vector<1x16xf32> to vector<16xf32>
        %swap3A_173 = vector.shape_cast %add3A_169 : vector<16xf32> to vector<1x16xf32>
        tpu.vector_store %arg7[%swap3A, %swap3A_170], %swap3A_173 {strides = array<i32>} : memref<16x128xf32, #tpu.memory_space<vmem>>, vector<1x16xf32>,
        %scan3A_174 = arith.constant 0 : i32
        %scan3A_175 = arith.constant 1 : i32
        %scan3A_176 = arith.addi %scan3A_132, %scan3A_175 : i32
        %rem3A_177 = arith.constant 8 : i32
        %rem3A_178 = arith.remsi %scan3A_176, %rem3A_177 : i32
        %mul3A_179 = arith.constant 16 : i32
        %mul3A_180 = arith.muli %mul3A_179, %rem3A_178 : i32
        %jit3A_181 = arith.constant 8 : i32
        %div3A_182 = arith.divsi %scan3A_176, %jit3A_181 : i32
        %sign3A_183 = arith.constant 0 : i32
        %sign3A_184 = arith.cmpi sgt, %scan3A_176, %sign3A_183 : i32
        %sign3A_185 = arith.extui %sign3A_184 : i1 to i32
        %sign3A_186 = arith.constant 0 : i32
        %sign3A_187 = arith.cmpi slt, %scan3A_176, %sign3A_186 : i32
        %sign3A_188 = arith.extui %sign3A_187 : i1 to i32
        %sign3A_189 = arith.subi %sign3A_185, %sign3A_188 : i32
        %sign3A_190 = arith.constant 0 : i32
        %sign3A_191 = arith.cmpi sgt, %jit3A_181, %sign3A_190 : i32
        %sign3A_192 = arith.extui %sign3A_191 : i1 to i32
        %sign3A_193 = arith.constant 0 : i32
        %sign3A_194 = arith.cmpi slt, %jit3A_181, %sign3A_193 : i32
        %sign3A_195 = arith.extui %sign3A_194 : i1 to i32
        %sign3A_196 = arith.subi %sign3A_192, %sign3A_195 : i32
        %ne3A_197 = arith.cmpi ne, %sign3A_189, %sign3A_196 : i32
        %rem3A_198 = arith.remsi %scan3A_176, %jit3A_181 : i32
        %ne3A_199 = arith.constant 0 : i32
        %ne3A_200 = arith.cmpi ne, %rem3A_198, %ne3A_199 : i32
        %and3A_201 = arith.andi %ne3A_197, %ne3A_200 : i1
        %sub3A_202 = arith.constant 1 : i32
        %sub3A_203 = arith.subi %div3A_182, %sub3A_202 : i32
        %select_n3A_204 = arith.select %and3A_201, %sub3A_203, %div3A_182 : i32
        %get3A_205 = arith.index_cast %select_n3A_204 : i32 to index
        %get3A_206 = arith.index_cast %mul3A_180 : i32 to index
        %get3A_207 = tpu.vector_load %arg7[%get3A_205, %get3A_206] {strides = array<i32>} : memref<16x128xf32, #tpu.memory_space<vmem>>, vector<1x16xf32>,
        %get3A_208 = vector.shape_cast %get3A_207 : vector<1x16xf32> to vector<16xf32>
        %get3A_209 = arith.index_cast %select_n3A_204 : i32 to index
        %get3A_210 = arith.index_cast %mul3A_180 : i32 to index
        %get3A_211 = tpu.vector_load %arg8[%get3A_209, %get3A_210] {strides = array<i32>} : memref<16x128xf32, #tpu.memory_space<vmem>>, vector<1x16xf32>,
        %get3A_212 = vector.shape_cast %get3A_211 : vector<1x16xf32> to vector<16xf32>
        %add3A_213 = arith.addf %get3A_208, %get3A_212 : vector<16xf32>
        %swap3A_214 = arith.index_cast %select_n3A_204 : i32 to index
        %swap3A_215 = arith.index_cast %mul3A_180 : i32 to index
        %swap3A_216 = tpu.vector_load %arg7[%swap3A_214, %swap3A_215] {strides = array<i32>} : memref<16x128xf32, #tpu.memory_space<vmem>>, vector<1x16xf32>,
        %swap3A_217 = vector.shape_cast %swap3A_216 : vector<1x16xf32> to vector<16xf32>
        %swap3A_218 = vector.shape_cast %add3A_213 : vector<16xf32> to vector<1x16xf32>
        tpu.vector_store %arg7[%swap3A_214, %swap3A_215], %swap3A_218 {strides = array<i32>} : memref<16x128xf32, #tpu.memory_space<vmem>>, vector<1x16xf32>,
        %scan3A_219 = arith.constant 0 : i32
        %scan3A_220 = arith.constant 2 : i32
        %scan3A_221 = arith.addi %scan3A_132, %scan3A_220 : i32
        %rem3A_222 = arith.constant 8 : i32
        %rem3A_223 = arith.remsi %scan3A_221, %rem3A_222 : i32
        %mul3A_224 = arith.constant 16 : i32
        %mul3A_225 = arith.muli %mul3A_224, %rem3A_223 : i32
        %jit3A_226 = arith.constant 8 : i32
        %div3A_227 = arith.divsi %scan3A_221, %jit3A_226 : i32
        %sign3A_228 = arith.constant 0 : i32
        %sign3A_229 = arith.cmpi sgt, %scan3A_221, %sign3A_228 : i32
        %sign3A_230 = arith.extui %sign3A_229 : i1 to i32
        %sign3A_231 = arith.constant 0 : i32
        %sign3A_232 = arith.cmpi slt, %scan3A_221, %sign3A_231 : i32
        %sign3A_233 = arith.extui %sign3A_232 : i1 to i32
        %sign3A_234 = arith.subi %sign3A_230, %sign3A_233 : i32
        %sign3A_235 = arith.constant 0 : i32
        %sign3A_236 = arith.cmpi sgt, %jit3A_226, %sign3A_235 : i32
        %sign3A_237 = arith.extui %sign3A_236 : i1 to i32
        %sign3A_238 = arith.constant 0 : i32
        %sign3A_239 = arith.cmpi slt, %jit3A_226, %sign3A_238 : i32
        %sign3A_240 = arith.extui %sign3A_239 : i1 to i32
        %sign3A_241 = arith.subi %sign3A_237, %sign3A_240 : i32
        %ne3A_242 = arith.cmpi ne, %sign3A_234, %sign3A_241 : i32
        %rem3A_243 = arith.remsi %scan3A_221, %jit3A_226 : i32
        %ne3A_244 = arith.constant 0 : i32
        %ne3A_245 = arith.cmpi ne, %rem3A_243, %ne3A_244 : i32
        %and3A_246 = arith.andi %ne3A_242, %ne3A_245 : i1
        %sub3A_247 = arith.constant 1 : i32
        %sub3A_248 = arith.subi %div3A_227, %sub3A_247 : i32
        %select_n3A_249 = arith.select %and3A_246, %sub3A_248, %div3A_227 : i32
        %get3A_250 = arith.index_cast %select_n3A_249 : i32 to index
        %get3A_251 = arith.index_cast %mul3A_225 : i32 to index
        %get3A_252 = tpu.vector_load %arg7[%get3A_250, %get3A_251] {strides = array<i32>} : memref<16x128xf32, #tpu.memory_space<vmem>>, vector<1x16xf32>,
        %get3A_253 = vector.shape_cast %get3A_252 : vector<1x16xf32> to vector<16xf32>
        %get3A_254 = arith.index_cast %select_n3A_249 : i32 to index
        %get3A_255 = arith.index_cast %mul3A_225 : i32 to index
        %get3A_256 = tpu.vector_load %arg8[%get3A_254, %get3A_255] {strides = array<i32>} : memref<16x128xf32, #tpu.memory_space<vmem>>, vector<1x16xf32>,
        %get3A_257 = vector.shape_cast %get3A_256 : vector<1x16xf32> to vector<16xf32>
        %add3A_258 = arith.addf %get3A_253, %get3A_257 : vector<16xf32>
        %swap3A_259 = arith.index_cast %select_n3A_249 : i32 to index
        %swap3A_260 = arith.index_cast %mul3A_225 : i32 to index
        %swap3A_261 = tpu.vector_load %arg7[%swap3A_259, %swap3A_260] {strides = array<i32>} : memref<16x128xf32, #tpu.memory_space<vmem>>, vector<1x16xf32>,
        %swap3A_262 = vector.shape_cast %swap3A_261 : vector<1x16xf32> to vector<16xf32>
        %swap3A_263 = vector.shape_cast %add3A_258 : vector<16xf32> to vector<1x16xf32>
        tpu.vector_store %arg7[%swap3A_259, %swap3A_260], %swap3A_263 {strides = array<i32>} : memref<16x128xf32, #tpu.memory_space<vmem>>, vector<1x16xf32>,
        %scan3A_264 = arith.constant 0 : i32
        %scan3A_265 = arith.constant 3 : i32
        %scan3A_266 = arith.addi %scan3A_132, %scan3A_265 : i32
        %rem3A_267 = arith.constant 8 : i32
        %rem3A_268 = arith.remsi %scan3A_266, %rem3A_267 : i32
        %mul3A_269 = arith.constant 16 : i32
        %mul3A_270 = arith.muli %mul3A_269, %rem3A_268 : i32
        %jit3A_271 = arith.constant 8 : i32
        %div3A_272 = arith.divsi %scan3A_266, %jit3A_271 : i32
        %sign3A_273 = arith.constant 0 : i32
        %sign3A_274 = arith.cmpi sgt, %scan3A_266, %sign3A_273 : i32
        %sign3A_275 = arith.extui %sign3A_274 : i1 to i32
        %sign3A_276 = arith.constant 0 : i32
        %sign3A_277 = arith.cmpi slt, %scan3A_266, %sign3A_276 : i32
        %sign3A_278 = arith.extui %sign3A_277 : i1 to i32
        %sign3A_279 = arith.subi %sign3A_275, %sign3A_278 : i32
        %sign3A_280 = arith.constant 0 : i32
        %sign3A_281 = arith.cmpi sgt, %jit3A_271, %sign3A_280 : i32
        %sign3A_282 = arith.extui %sign3A_281 : i1 to i32
        %sign3A_283 = arith.constant 0 : i32
        %sign3A_284 = arith.cmpi slt, %jit3A_271, %sign3A_283 : i32
        %sign3A_285 = arith.extui %sign3A_284 : i1 to i32
        %sign3A_286 = arith.subi %sign3A_282, %sign3A_285 : i32
        %ne3A_287 = arith.cmpi ne, %sign3A_279, %sign3A_286 : i32
        %rem3A_288 = arith.remsi %scan3A_266, %jit3A_271 : i32
        %ne3A_289 = arith.constant 0 : i32
        %ne3A_290 = arith.cmpi ne, %rem3A_288, %ne3A_289 : i32
        %and3A_291 = arith.andi %ne3A_287, %ne3A_290 : i1
        %sub3A_292 = arith.constant 1 : i32
        %sub3A_293 = arith.subi %div3A_272, %sub3A_292 : i32
        %select_n3A_294 = arith.select %and3A_291, %sub3A_293, %div3A_272 : i32
        %get3A_295 = arith.index_cast %select_n3A_294 : i32 to index
        %get3A_296 = arith.index_cast %mul3A_270 : i32 to index
        %get3A_297 = tpu.vector_load %arg7[%get3A_295, %get3A_296] {strides = array<i32>} : memref<16x128xf32, #tpu.memory_space<vmem>>, vector<1x16xf32>,
        %get3A_298 = vector.shape_cast %get3A_297 : vector<1x16xf32> to vector<16xf32>
        %get3A_299 = arith.index_cast %select_n3A_294 : i32 to index
        %get3A_300 = arith.index_cast %mul3A_270 : i32 to index
        %get3A_301 = tpu.vector_load %arg8[%get3A_299, %get3A_300] {strides = array<i32>} : memref<16x128xf32, #tpu.memory_space<vmem>>, vector<1x16xf32>,
        %get3A_302 = vector.shape_cast %get3A_301 : vector<1x16xf32> to vector<16xf32>
        %add3A_303 = arith.addf %get3A_298, %get3A_302 : vector<16xf32>
        %swap3A_304 = arith.index_cast %select_n3A_294 : i32 to index
        %swap3A_305 = arith.index_cast %mul3A_270 : i32 to index
        %swap3A_306 = tpu.vector_load %arg7[%swap3A_304, %swap3A_305] {strides = array<i32>} : memref<16x128xf32, #tpu.memory_space<vmem>>, vector<1x16xf32>,
        %swap3A_307 = vector.shape_cast %swap3A_306 : vector<1x16xf32> to vector<16xf32>
        %swap3A_308 = vector.shape_cast %add3A_303 : vector<16xf32> to vector<1x16xf32>
        tpu.vector_store %arg7[%swap3A_304, %swap3A_305], %swap3A_308 {strides = array<i32>} : memref<16x128xf32, #tpu.memory_space<vmem>>, vector<1x16xf32>,
        %scan3A_309 = arith.constant 0 : i32
        scf.yield %scan3A_309 : i32
      }
      %scan3A_70 = arith.constant 128 : i32
      %add3A_71 = arith.constant 2 : i32
      %add3A_72 = arith.addi %arg1, %add3A_71 : i32
      "tpu.region"() ({
        %run_scoped3A = tpu.sem_alloc : memref<!tpu.dma_semaphore, #tpu.memory_space<semaphore_mem>>
        %dma_start3A = arith.constant 0 : i32
        %dma_start3A_132 = arith.constant 0 : i32
        %dma_start3A_133 = tpu.memref_slice %arg9[%add3A_72, %dma_start3A, %dma_start3A_132] : memref<16x16x128xf32, #tpu.memory_space<vmem_shared>> -> memref<1x16x128xf32, #tpu.memory_space<vmem_shared>>
        %dma_start3A_134 = tpu.memref_squeeze %dma_start3A_133 : memref<1x16x128xf32, #tpu.memory_space<vmem_shared>> -> memref<16x128xf32, #tpu.memory_space<vmem_shared>>
        %dma_start3A_135 = arith.constant 0 : i32
        %dma_start3A_136 = arith.constant 0 : i32
        %dma_start3A_137 = tpu.memref_slice %arg9[%add3A_72, %dma_start3A_135, %dma_start3A_136] : memref<16x16x128xf32, #tpu.memory_space<vmem_shared>> -> memref<1x16x128xf32, #tpu.memory_space<vmem_shared>>
        %dma_start3A_138 = tpu.memref_squeeze %dma_start3A_137 : memref<1x16x128xf32, #tpu.memory_space<vmem_shared>> -> memref<16x128xf32, #tpu.memory_space<vmem_shared>>
        tpu.enqueue_dma source(%dma_start3A_138 : memref<16x128xf32, #tpu.memory_space<vmem_shared>>) target(%arg8 : memref<16x128xf32, #tpu.memory_space<vmem>>) target_semaphore(%run_scoped3A : memref<!tpu.dma_semaphore, #tpu.memory_space<semaphore_mem>>)
        %dma_wait3A = arith.constant 0 : i32
        %dma_wait3A_139 = arith.constant 0 : i32
        %dma_wait3A_140 = tpu.memref_slice %arg9[%add3A_72, %dma_wait3A, %dma_wait3A_139] : memref<16x16x128xf32, #tpu.memory_space<vmem_shared>> -> memref<1x16x128xf32, #tpu.memory_space<vmem_shared>>
        %dma_wait3A_141 = tpu.memref_squeeze %dma_wait3A_140 : memref<1x16x128xf32, #tpu.memory_space<vmem_shared>> -> memref<16x128xf32, #tpu.memory_space<vmem_shared>>
        %dma_wait3A_142 = arith.constant 0 : i32
        %dma_wait3A_143 = arith.constant 0 : i32
        %dma_wait3A_144 = tpu.memref_slice %arg9[%add3A_72, %dma_wait3A_142, %dma_wait3A_143] : memref<16x16x128xf32, #tpu.memory_space<vmem_shared>> -> memref<1x16x128xf32, #tpu.memory_space<vmem_shared>>
        %dma_wait3A_145 = tpu.memref_squeeze %dma_wait3A_144 : memref<1x16x128xf32, #tpu.memory_space<vmem_shared>> -> memref<16x128xf32, #tpu.memory_space<vmem_shared>>
        tpu.wait_dma2 semaphore(%run_scoped3A : memref<!tpu.dma_semaphore, #tpu.memory_space<semaphore_mem>>) src(%dma_wait3A_145 : memref<16x128xf32, #tpu.memory_space<vmem_shared>>) dst(%arg8 : memref<16x128xf32, #tpu.memory_space<vmem>>)
        tpu.yield
      }) : () -> ()
      %scan3A_73 = arith.constant 0 : i32
      %scan3A_74 = arith.constant 0 : i32
      %scan3A_75 = arith.constant 128 : i32
      %scan3A_76 = arith.addi %scan3A_74, %scan3A_75 : i32
      %scan3A_77 = arith.constant 4 : i32
      %scan3A_78 = scf.for %scan3A_132 = %scan3A_74 to %scan3A_76 step %scan3A_77 iter_args(%scan3A_133 = %scan3A_73) -> (i32)  : i32 {
        %rem3A_134 = arith.constant 8 : i32
        %rem3A_135 = arith.remsi %scan3A_132, %rem3A_134 : i32
        %mul3A_136 = arith.constant 16 : i32
        %mul3A_137 = arith.muli %mul3A_136, %rem3A_135 : i32
        %jit3A_138 = arith.constant 8 : i32
        %div3A_139 = arith.divsi %scan3A_132, %jit3A_138 : i32
        %sign3A_140 = arith.constant 0 : i32
        %sign3A_141 = arith.cmpi sgt, %scan3A_132, %sign3A_140 : i32
        %sign3A_142 = arith.extui %sign3A_141 : i1 to i32
        %sign3A_143 = arith.constant 0 : i32
        %sign3A_144 = arith.cmpi slt, %scan3A_132, %sign3A_143 : i32
        %sign3A_145 = arith.extui %sign3A_144 : i1 to i32
        %sign3A_146 = arith.subi %sign3A_142, %sign3A_145 : i32
        %sign3A_147 = arith.constant 0 : i32
        %sign3A_148 = arith.cmpi sgt, %jit3A_138, %sign3A_147 : i32
        %sign3A_149 = arith.extui %sign3A_148 : i1 to i32
        %sign3A_150 = arith.constant 0 : i32
        %sign3A_151 = arith.cmpi slt, %jit3A_138, %sign3A_150 : i32
        %sign3A_152 = arith.extui %sign3A_151 : i1 to i32
        %sign3A_153 = arith.subi %sign3A_149, %sign3A_152 : i32
        %ne3A_154 = arith.cmpi ne, %sign3A_146, %sign3A_153 : i32
        %rem3A_155 = arith.remsi %scan3A_132, %jit3A_138 : i32
        %ne3A_156 = arith.constant 0 : i32
        %ne3A_157 = arith.cmpi ne, %rem3A_155, %ne3A_156 : i32
        %and3A_158 = arith.andi %ne3A_154, %ne3A_157 : i1
        %sub3A_159 = arith.constant 1 : i32
        %sub3A_160 = arith.subi %div3A_139, %sub3A_159 : i32
        %select_n3A_161 = arith.select %and3A_158, %sub3A_160, %div3A_139 : i32
        %get3A = arith.index_cast %select_n3A_161 : i32 to index
        %get3A_162 = arith.index_cast %mul3A_137 : i32 to index
        %get3A_163 = tpu.vector_load %arg7[%get3A, %get3A_162] {strides = array<i32>} : memref<16x128xf32, #tpu.memory_space<vmem>>, vector<1x16xf32>,
        %get3A_164 = vector.shape_cast %get3A_163 : vector<1x16xf32> to vector<16xf32>
        %get3A_165 = arith.index_cast %select_n3A_161 : i32 to index
        %get3A_166 = arith.index_cast %mul3A_137 : i32 to index
        %get3A_167 = tpu.vector_load %arg8[%get3A_165, %get3A_166] {strides = array<i32>} : memref<16x128xf32, #tpu.memory_space<vmem>>, vector<1x16xf32>,
        %get3A_168 = vector.shape_cast %get3A_167 : vector<1x16xf32> to vector<16xf32>
        %add3A_169 = arith.addf %get3A_164, %get3A_168 : vector<16xf32>
        %swap3A = arith.index_cast %select_n3A_161 : i32 to index
        %swap3A_170 = arith.index_cast %mul3A_137 : i32 to index
        %swap3A_171 = tpu.vector_load %arg7[%swap3A, %swap3A_170] {strides = array<i32>} : memref<16x128xf32, #tpu.memory_space<vmem>>, vector<1x16xf32>,
        %swap3A_172 = vector.shape_cast %swap3A_171 : vector<1x16xf32> to vector<16xf32>
        %swap3A_173 = vector.shape_cast %add3A_169 : vector<16xf32> to vector<1x16xf32>
        tpu.vector_store %arg7[%swap3A, %swap3A_170], %swap3A_173 {strides = array<i32>} : memref<16x128xf32, #tpu.memory_space<vmem>>, vector<1x16xf32>,
        %scan3A_174 = arith.constant 0 : i32
        %scan3A_175 = arith.constant 1 : i32
        %scan3A_176 = arith.addi %scan3A_132, %scan3A_175 : i32
        %rem3A_177 = arith.constant 8 : i32
        %rem3A_178 = arith.remsi %scan3A_176, %rem3A_177 : i32
        %mul3A_179 = arith.constant 16 : i32
        %mul3A_180 = arith.muli %mul3A_179, %rem3A_178 : i32
        %jit3A_181 = arith.constant 8 : i32
        %div3A_182 = arith.divsi %scan3A_176, %jit3A_181 : i32
        %sign3A_183 = arith.constant 0 : i32
        %sign3A_184 = arith.cmpi sgt, %scan3A_176, %sign3A_183 : i32
        %sign3A_185 = arith.extui %sign3A_184 : i1 to i32
        %sign3A_186 = arith.constant 0 : i32
        %sign3A_187 = arith.cmpi slt, %scan3A_176, %sign3A_186 : i32
        %sign3A_188 = arith.extui %sign3A_187 : i1 to i32
        %sign3A_189 = arith.subi %sign3A_185, %sign3A_188 : i32
        %sign3A_190 = arith.constant 0 : i32
        %sign3A_191 = arith.cmpi sgt, %jit3A_181, %sign3A_190 : i32
        %sign3A_192 = arith.extui %sign3A_191 : i1 to i32
        %sign3A_193 = arith.constant 0 : i32
        %sign3A_194 = arith.cmpi slt, %jit3A_181, %sign3A_193 : i32
        %sign3A_195 = arith.extui %sign3A_194 : i1 to i32
        %sign3A_196 = arith.subi %sign3A_192, %sign3A_195 : i32
        %ne3A_197 = arith.cmpi ne, %sign3A_189, %sign3A_196 : i32
        %rem3A_198 = arith.remsi %scan3A_176, %jit3A_181 : i32
        %ne3A_199 = arith.constant 0 : i32
        %ne3A_200 = arith.cmpi ne, %rem3A_198, %ne3A_199 : i32
        %and3A_201 = arith.andi %ne3A_197, %ne3A_200 : i1
        %sub3A_202 = arith.constant 1 : i32
        %sub3A_203 = arith.subi %div3A_182, %sub3A_202 : i32
        %select_n3A_204 = arith.select %and3A_201, %sub3A_203, %div3A_182 : i32
        %get3A_205 = arith.index_cast %select_n3A_204 : i32 to index
        %get3A_206 = arith.index_cast %mul3A_180 : i32 to index
        %get3A_207 = tpu.vector_load %arg7[%get3A_205, %get3A_206] {strides = array<i32>} : memref<16x128xf32, #tpu.memory_space<vmem>>, vector<1x16xf32>,
        %get3A_208 = vector.shape_cast %get3A_207 : vector<1x16xf32> to vector<16xf32>
        %get3A_209 = arith.index_cast %select_n3A_204 : i32 to index
        %get3A_210 = arith.index_cast %mul3A_180 : i32 to index
        %get3A_211 = tpu.vector_load %arg8[%get3A_209, %get3A_210] {strides = array<i32>} : memref<16x128xf32, #tpu.memory_space<vmem>>, vector<1x16xf32>,
        %get3A_212 = vector.shape_cast %get3A_211 : vector<1x16xf32> to vector<16xf32>
        %add3A_213 = arith.addf %get3A_208, %get3A_212 : vector<16xf32>
        %swap3A_214 = arith.index_cast %select_n3A_204 : i32 to index
        %swap3A_215 = arith.index_cast %mul3A_180 : i32 to index
        %swap3A_216 = tpu.vector_load %arg7[%swap3A_214, %swap3A_215] {strides = array<i32>} : memref<16x128xf32, #tpu.memory_space<vmem>>, vector<1x16xf32>,
        %swap3A_217 = vector.shape_cast %swap3A_216 : vector<1x16xf32> to vector<16xf32>
        %swap3A_218 = vector.shape_cast %add3A_213 : vector<16xf32> to vector<1x16xf32>
        tpu.vector_store %arg7[%swap3A_214, %swap3A_215], %swap3A_218 {strides = array<i32>} : memref<16x128xf32, #tpu.memory_space<vmem>>, vector<1x16xf32>,
        %scan3A_219 = arith.constant 0 : i32
        %scan3A_220 = arith.constant 2 : i32
        %scan3A_221 = arith.addi %scan3A_132, %scan3A_220 : i32
        %rem3A_222 = arith.constant 8 : i32
        %rem3A_223 = arith.remsi %scan3A_221, %rem3A_222 : i32
        %mul3A_224 = arith.constant 16 : i32
        %mul3A_225 = arith.muli %mul3A_224, %rem3A_223 : i32
        %jit3A_226 = arith.constant 8 : i32
        %div3A_227 = arith.divsi %scan3A_221, %jit3A_226 : i32
        %sign3A_228 = arith.constant 0 : i32
        %sign3A_229 = arith.cmpi sgt, %scan3A_221, %sign3A_228 : i32
        %sign3A_230 = arith.extui %sign3A_229 : i1 to i32
        %sign3A_231 = arith.constant 0 : i32
        %sign3A_232 = arith.cmpi slt, %scan3A_221, %sign3A_231 : i32
        %sign3A_233 = arith.extui %sign3A_232 : i1 to i32
        %sign3A_234 = arith.subi %sign3A_230, %sign3A_233 : i32
        %sign3A_235 = arith.constant 0 : i32
        %sign3A_236 = arith.cmpi sgt, %jit3A_226, %sign3A_235 : i32
        %sign3A_237 = arith.extui %sign3A_236 : i1 to i32
        %sign3A_238 = arith.constant 0 : i32
        %sign3A_239 = arith.cmpi slt, %jit3A_226, %sign3A_238 : i32
        %sign3A_240 = arith.extui %sign3A_239 : i1 to i32
        %sign3A_241 = arith.subi %sign3A_237, %sign3A_240 : i32
        %ne3A_242 = arith.cmpi ne, %sign3A_234, %sign3A_241 : i32
        %rem3A_243 = arith.remsi %scan3A_221, %jit3A_226 : i32
        %ne3A_244 = arith.constant 0 : i32
        %ne3A_245 = arith.cmpi ne, %rem3A_243, %ne3A_244 : i32
        %and3A_246 = arith.andi %ne3A_242, %ne3A_245 : i1
        %sub3A_247 = arith.constant 1 : i32
        %sub3A_248 = arith.subi %div3A_227, %sub3A_247 : i32
        %select_n3A_249 = arith.select %and3A_246, %sub3A_248, %div3A_227 : i32
        %get3A_250 = arith.index_cast %select_n3A_249 : i32 to index
        %get3A_251 = arith.index_cast %mul3A_225 : i32 to index
        %get3A_252 = tpu.vector_load %arg7[%get3A_250, %get3A_251] {strides = array<i32>} : memref<16x128xf32, #tpu.memory_space<vmem>>, vector<1x16xf32>,
        %get3A_253 = vector.shape_cast %get3A_252 : vector<1x16xf32> to vector<16xf32>
        %get3A_254 = arith.index_cast %select_n3A_249 : i32 to index
        %get3A_255 = arith.index_cast %mul3A_225 : i32 to index
        %get3A_256 = tpu.vector_load %arg8[%get3A_254, %get3A_255] {strides = array<i32>} : memref<16x128xf32, #tpu.memory_space<vmem>>, vector<1x16xf32>,
        %get3A_257 = vector.shape_cast %get3A_256 : vector<1x16xf32> to vector<16xf32>
        %add3A_258 = arith.addf %get3A_253, %get3A_257 : vector<16xf32>
        %swap3A_259 = arith.index_cast %select_n3A_249 : i32 to index
        %swap3A_260 = arith.index_cast %mul3A_225 : i32 to index
        %swap3A_261 = tpu.vector_load %arg7[%swap3A_259, %swap3A_260] {strides = array<i32>} : memref<16x128xf32, #tpu.memory_space<vmem>>, vector<1x16xf32>,
        %swap3A_262 = vector.shape_cast %swap3A_261 : vector<1x16xf32> to vector<16xf32>
        %swap3A_263 = vector.shape_cast %add3A_258 : vector<16xf32> to vector<1x16xf32>
        tpu.vector_store %arg7[%swap3A_259, %swap3A_260], %swap3A_263 {strides = array<i32>} : memref<16x128xf32, #tpu.memory_space<vmem>>, vector<1x16xf32>,
        %scan3A_264 = arith.constant 0 : i32
        %scan3A_265 = arith.constant 3 : i32
        %scan3A_266 = arith.addi %scan3A_132, %scan3A_265 : i32
        %rem3A_267 = arith.constant 8 : i32
        %rem3A_268 = arith.remsi %scan3A_266, %rem3A_267 : i32
        %mul3A_269 = arith.constant 16 : i32
        %mul3A_270 = arith.muli %mul3A_269, %rem3A_268 : i32
        %jit3A_271 = arith.constant 8 : i32
        %div3A_272 = arith.divsi %scan3A_266, %jit3A_271 : i32
        %sign3A_273 = arith.constant 0 : i32
        %sign3A_274 = arith.cmpi sgt, %scan3A_266, %sign3A_273 : i32
        %sign3A_275 = arith.extui %sign3A_274 : i1 to i32
        %sign3A_276 = arith.constant 0 : i32
        %sign3A_277 = arith.cmpi slt, %scan3A_266, %sign3A_276 : i32
        %sign3A_278 = arith.extui %sign3A_277 : i1 to i32
        %sign3A_279 = arith.subi %sign3A_275, %sign3A_278 : i32
        %sign3A_280 = arith.constant 0 : i32
        %sign3A_281 = arith.cmpi sgt, %jit3A_271, %sign3A_280 : i32
        %sign3A_282 = arith.extui %sign3A_281 : i1 to i32
        %sign3A_283 = arith.constant 0 : i32
        %sign3A_284 = arith.cmpi slt, %jit3A_271, %sign3A_283 : i32
        %sign3A_285 = arith.extui %sign3A_284 : i1 to i32
        %sign3A_286 = arith.subi %sign3A_282, %sign3A_285 : i32
        %ne3A_287 = arith.cmpi ne, %sign3A_279, %sign3A_286 : i32
        %rem3A_288 = arith.remsi %scan3A_266, %jit3A_271 : i32
        %ne3A_289 = arith.constant 0 : i32
        %ne3A_290 = arith.cmpi ne, %rem3A_288, %ne3A_289 : i32
        %and3A_291 = arith.andi %ne3A_287, %ne3A_290 : i1
        %sub3A_292 = arith.constant 1 : i32
        %sub3A_293 = arith.subi %div3A_272, %sub3A_292 : i32
        %select_n3A_294 = arith.select %and3A_291, %sub3A_293, %div3A_272 : i32
        %get3A_295 = arith.index_cast %select_n3A_294 : i32 to index
        %get3A_296 = arith.index_cast %mul3A_270 : i32 to index
        %get3A_297 = tpu.vector_load %arg7[%get3A_295, %get3A_296] {strides = array<i32>} : memref<16x128xf32, #tpu.memory_space<vmem>>, vector<1x16xf32>,
        %get3A_298 = vector.shape_cast %get3A_297 : vector<1x16xf32> to vector<16xf32>
        %get3A_299 = arith.index_cast %select_n3A_294 : i32 to index
        %get3A_300 = arith.index_cast %mul3A_270 : i32 to index
        %get3A_301 = tpu.vector_load %arg8[%get3A_299, %get3A_300] {strides = array<i32>} : memref<16x128xf32, #tpu.memory_space<vmem>>, vector<1x16xf32>,
        %get3A_302 = vector.shape_cast %get3A_301 : vector<1x16xf32> to vector<16xf32>
        %add3A_303 = arith.addf %get3A_298, %get3A_302 : vector<16xf32>
        %swap3A_304 = arith.index_cast %select_n3A_294 : i32 to index
        %swap3A_305 = arith.index_cast %mul3A_270 : i32 to index
        %swap3A_306 = tpu.vector_load %arg7[%swap3A_304, %swap3A_305] {strides = array<i32>} : memref<16x128xf32, #tpu.memory_space<vmem>>, vector<1x16xf32>,
        %swap3A_307 = vector.shape_cast %swap3A_306 : vector<1x16xf32> to vector<16xf32>
        %swap3A_308 = vector.shape_cast %add3A_303 : vector<16xf32> to vector<1x16xf32>
        tpu.vector_store %arg7[%swap3A_304, %swap3A_305], %swap3A_308 {strides = array<i32>} : memref<16x128xf32, #tpu.memory_space<vmem>>, vector<1x16xf32>,
        %scan3A_309 = arith.constant 0 : i32
        scf.yield %scan3A_309 : i32
      }
      %scan3A_79 = arith.constant 128 : i32
      %add3A_80 = arith.constant 3 : i32
      %add3A_81 = arith.addi %arg1, %add3A_80 : i32
      "tpu.region"() ({
        %run_scoped3A = tpu.sem_alloc : memref<!tpu.dma_semaphore, #tpu.memory_space<semaphore_mem>>
        %dma_start3A = arith.constant 0 : i32
        %dma_start3A_132 = arith.constant 0 : i32
        %dma_start3A_133 = tpu.memref_slice %arg9[%add3A_81, %dma_start3A, %dma_start3A_132] : memref<16x16x128xf32, #tpu.memory_space<vmem_shared>> -> memref<1x16x128xf32, #tpu.memory_space<vmem_shared>>
        %dma_start3A_134 = tpu.memref_squeeze %dma_start3A_133 : memref<1x16x128xf32, #tpu.memory_space<vmem_shared>> -> memref<16x128xf32, #tpu.memory_space<vmem_shared>>
        %dma_start3A_135 = arith.constant 0 : i32
        %dma_start3A_136 = arith.constant 0 : i32
        %dma_start3A_137 = tpu.memref_slice %arg9[%add3A_81, %dma_start3A_135, %dma_start3A_136] : memref<16x16x128xf32, #tpu.memory_space<vmem_shared>> -> memref<1x16x128xf32, #tpu.memory_space<vmem_shared>>
        %dma_start3A_138 = tpu.memref_squeeze %dma_start3A_137 : memref<1x16x128xf32, #tpu.memory_space<vmem_shared>> -> memref<16x128xf32, #tpu.memory_space<vmem_shared>>
        tpu.enqueue_dma source(%dma_start3A_138 : memref<16x128xf32, #tpu.memory_space<vmem_shared>>) target(%arg8 : memref<16x128xf32, #tpu.memory_space<vmem>>) target_semaphore(%run_scoped3A : memref<!tpu.dma_semaphore, #tpu.memory_space<semaphore_mem>>)
        %dma_wait3A = arith.constant 0 : i32
        %dma_wait3A_139 = arith.constant 0 : i32
        %dma_wait3A_140 = tpu.memref_slice %arg9[%add3A_81, %dma_wait3A, %dma_wait3A_139] : memref<16x16x128xf32, #tpu.memory_space<vmem_shared>> -> memref<1x16x128xf32, #tpu.memory_space<vmem_shared>>
        %dma_wait3A_141 = tpu.memref_squeeze %dma_wait3A_140 : memref<1x16x128xf32, #tpu.memory_space<vmem_shared>> -> memref<16x128xf32, #tpu.memory_space<vmem_shared>>
        %dma_wait3A_142 = arith.constant 0 : i32
        %dma_wait3A_143 = arith.constant 0 : i32
        %dma_wait3A_144 = tpu.memref_slice %arg9[%add3A_81, %dma_wait3A_142, %dma_wait3A_143] : memref<16x16x128xf32, #tpu.memory_space<vmem_shared>> -> memref<1x16x128xf32, #tpu.memory_space<vmem_shared>>
        %dma_wait3A_145 = tpu.memref_squeeze %dma_wait3A_144 : memref<1x16x128xf32, #tpu.memory_space<vmem_shared>> -> memref<16x128xf32, #tpu.memory_space<vmem_shared>>
        tpu.wait_dma2 semaphore(%run_scoped3A : memref<!tpu.dma_semaphore, #tpu.memory_space<semaphore_mem>>) src(%dma_wait3A_145 : memref<16x128xf32, #tpu.memory_space<vmem_shared>>) dst(%arg8 : memref<16x128xf32, #tpu.memory_space<vmem>>)
        tpu.yield
      }) : () -> ()
      %scan3A_82 = arith.constant 0 : i32
      %scan3A_83 = arith.constant 0 : i32
      %scan3A_84 = arith.constant 128 : i32
      %scan3A_85 = arith.addi %scan3A_83, %scan3A_84 : i32
      %scan3A_86 = arith.constant 4 : i32
      %scan3A_87 = scf.for %scan3A_132 = %scan3A_83 to %scan3A_85 step %scan3A_86 iter_args(%scan3A_133 = %scan3A_82) -> (i32)  : i32 {
        %rem3A_134 = arith.constant 8 : i32
        %rem3A_135 = arith.remsi %scan3A_132, %rem3A_134 : i32
        %mul3A_136 = arith.constant 16 : i32
        %mul3A_137 = arith.muli %mul3A_136, %rem3A_135 : i32
        %jit3A_138 = arith.constant 8 : i32
        %div3A_139 = arith.divsi %scan3A_132, %jit3A_138 : i32
        %sign3A_140 = arith.constant 0 : i32
        %sign3A_141 = arith.cmpi sgt, %scan3A_132, %sign3A_140 : i32
        %sign3A_142 = arith.extui %sign3A_141 : i1 to i32
        %sign3A_143 = arith.constant 0 : i32
        %sign3A_144 = arith.cmpi slt, %scan3A_132, %sign3A_143 : i32
        %sign3A_145 = arith.extui %sign3A_144 : i1 to i32
        %sign3A_146 = arith.subi %sign3A_142, %sign3A_145 : i32
        %sign3A_147 = arith.constant 0 : i32
        %sign3A_148 = arith.cmpi sgt, %jit3A_138, %sign3A_147 : i32
        %sign3A_149 = arith.extui %sign3A_148 : i1 to i32
        %sign3A_150 = arith.constant 0 : i32
        %sign3A_151 = arith.cmpi slt, %jit3A_138, %sign3A_150 : i32
        %sign3A_152 = arith.extui %sign3A_151 : i1 to i32
        %sign3A_153 = arith.subi %sign3A_149, %sign3A_152 : i32
        %ne3A_154 = arith.cmpi ne, %sign3A_146, %sign3A_153 : i32
        %rem3A_155 = arith.remsi %scan3A_132, %jit3A_138 : i32
        %ne3A_156 = arith.constant 0 : i32
        %ne3A_157 = arith.cmpi ne, %rem3A_155, %ne3A_156 : i32
        %and3A_158 = arith.andi %ne3A_154, %ne3A_157 : i1
        %sub3A_159 = arith.constant 1 : i32
        %sub3A_160 = arith.subi %div3A_139, %sub3A_159 : i32
        %select_n3A_161 = arith.select %and3A_158, %sub3A_160, %div3A_139 : i32
        %get3A = arith.index_cast %select_n3A_161 : i32 to index
        %get3A_162 = arith.index_cast %mul3A_137 : i32 to index
        %get3A_163 = tpu.vector_load %arg7[%get3A, %get3A_162] {strides = array<i32>} : memref<16x128xf32, #tpu.memory_space<vmem>>, vector<1x16xf32>,
        %get3A_164 = vector.shape_cast %get3A_163 : vector<1x16xf32> to vector<16xf32>
        %get3A_165 = arith.index_cast %select_n3A_161 : i32 to index
        %get3A_166 = arith.index_cast %mul3A_137 : i32 to index
        %get3A_167 = tpu.vector_load %arg8[%get3A_165, %get3A_166] {strides = array<i32>} : memref<16x128xf32, #tpu.memory_space<vmem>>, vector<1x16xf32>,
        %get3A_168 = vector.shape_cast %get3A_167 : vector<1x16xf32> to vector<16xf32>
        %add3A_169 = arith.addf %get3A_164, %get3A_168 : vector<16xf32>
        %swap3A = arith.index_cast %select_n3A_161 : i32 to index
        %swap3A_170 = arith.index_cast %mul3A_137 : i32 to index
        %swap3A_171 = tpu.vector_load %arg7[%swap3A, %swap3A_170] {strides = array<i32>} : memref<16x128xf32, #tpu.memory_space<vmem>>, vector<1x16xf32>,
        %swap3A_172 = vector.shape_cast %swap3A_171 : vector<1x16xf32> to vector<16xf32>
        %swap3A_173 = vector.shape_cast %add3A_169 : vector<16xf32> to vector<1x16xf32>
        tpu.vector_store %arg7[%swap3A, %swap3A_170], %swap3A_173 {strides = array<i32>} : memref<16x128xf32, #tpu.memory_space<vmem>>, vector<1x16xf32>,
        %scan3A_174 = arith.constant 0 : i32
        %scan3A_175 = arith.constant 1 : i32
        %scan3A_176 = arith.addi %scan3A_132, %scan3A_175 : i32
        %rem3A_177 = arith.constant 8 : i32
        %rem3A_178 = arith.remsi %scan3A_176, %rem3A_177 : i32
        %mul3A_179 = arith.constant 16 : i32
        %mul3A_180 = arith.muli %mul3A_179, %rem3A_178 : i32
        %jit3A_181 = arith.constant 8 : i32
        %div3A_182 = arith.divsi %scan3A_176, %jit3A_181 : i32
        %sign3A_183 = arith.constant 0 : i32
        %sign3A_184 = arith.cmpi sgt, %scan3A_176, %sign3A_183 : i32
        %sign3A_185 = arith.extui %sign3A_184 : i1 to i32
        %sign3A_186 = arith.constant 0 : i32
        %sign3A_187 = arith.cmpi slt, %scan3A_176, %sign3A_186 : i32
        %sign3A_188 = arith.extui %sign3A_187 : i1 to i32
        %sign3A_189 = arith.subi %sign3A_185, %sign3A_188 : i32
        %sign3A_190 = arith.constant 0 : i32
        %sign3A_191 = arith.cmpi sgt, %jit3A_181, %sign3A_190 : i32
        %sign3A_192 = arith.extui %sign3A_191 : i1 to i32
        %sign3A_193 = arith.constant 0 : i32
        %sign3A_194 = arith.cmpi slt, %jit3A_181, %sign3A_193 : i32
        %sign3A_195 = arith.extui %sign3A_194 : i1 to i32
        %sign3A_196 = arith.subi %sign3A_192, %sign3A_195 : i32
        %ne3A_197 = arith.cmpi ne, %sign3A_189, %sign3A_196 : i32
        %rem3A_198 = arith.remsi %scan3A_176, %jit3A_181 : i32
        %ne3A_199 = arith.constant 0 : i32
        %ne3A_200 = arith.cmpi ne, %rem3A_198, %ne3A_199 : i32
        %and3A_201 = arith.andi %ne3A_197, %ne3A_200 : i1
        %sub3A_202 = arith.constant 1 : i32
        %sub3A_203 = arith.subi %div3A_182, %sub3A_202 : i32
        %select_n3A_204 = arith.select %and3A_201, %sub3A_203, %div3A_182 : i32
        %get3A_205 = arith.index_cast %select_n3A_204 : i32 to index
        %get3A_206 = arith.index_cast %mul3A_180 : i32 to index
        %get3A_207 = tpu.vector_load %arg7[%get3A_205, %get3A_206] {strides = array<i32>} : memref<16x128xf32, #tpu.memory_space<vmem>>, vector<1x16xf32>,
        %get3A_208 = vector.shape_cast %get3A_207 : vector<1x16xf32> to vector<16xf32>
        %get3A_209 = arith.index_cast %select_n3A_204 : i32 to index
        %get3A_210 = arith.index_cast %mul3A_180 : i32 to index
        %get3A_211 = tpu.vector_load %arg8[%get3A_209, %get3A_210] {strides = array<i32>} : memref<16x128xf32, #tpu.memory_space<vmem>>, vector<1x16xf32>,
        %get3A_212 = vector.shape_cast %get3A_211 : vector<1x16xf32> to vector<16xf32>
        %add3A_213 = arith.addf %get3A_208, %get3A_212 : vector<16xf32>
        %swap3A_214 = arith.index_cast %select_n3A_204 : i32 to index
        %swap3A_215 = arith.index_cast %mul3A_180 : i32 to index
        %swap3A_216 = tpu.vector_load %arg7[%swap3A_214, %swap3A_215] {strides = array<i32>} : memref<16x128xf32, #tpu.memory_space<vmem>>, vector<1x16xf32>,
        %swap3A_217 = vector.shape_cast %swap3A_216 : vector<1x16xf32> to vector<16xf32>
        %swap3A_218 = vector.shape_cast %add3A_213 : vector<16xf32> to vector<1x16xf32>
        tpu.vector_store %arg7[%swap3A_214, %swap3A_215], %swap3A_218 {strides = array<i32>} : memref<16x128xf32, #tpu.memory_space<vmem>>, vector<1x16xf32>,
        %scan3A_219 = arith.constant 0 : i32
        %scan3A_220 = arith.constant 2 : i32
        %scan3A_221 = arith.addi %scan3A_132, %scan3A_220 : i32
        %rem3A_222 = arith.constant 8 : i32
        %rem3A_223 = arith.remsi %scan3A_221, %rem3A_222 : i32
        %mul3A_224 = arith.constant 16 : i32
        %mul3A_225 = arith.muli %mul3A_224, %rem3A_223 : i32
        %jit3A_226 = arith.constant 8 : i32
        %div3A_227 = arith.divsi %scan3A_221, %jit3A_226 : i32
        %sign3A_228 = arith.constant 0 : i32
        %sign3A_229 = arith.cmpi sgt, %scan3A_221, %sign3A_228 : i32
        %sign3A_230 = arith.extui %sign3A_229 : i1 to i32
        %sign3A_231 = arith.constant 0 : i32
        %sign3A_232 = arith.cmpi slt, %scan3A_221, %sign3A_231 : i32
        %sign3A_233 = arith.extui %sign3A_232 : i1 to i32
        %sign3A_234 = arith.subi %sign3A_230, %sign3A_233 : i32
        %sign3A_235 = arith.constant 0 : i32
        %sign3A_236 = arith.cmpi sgt, %jit3A_226, %sign3A_235 : i32
        %sign3A_237 = arith.extui %sign3A_236 : i1 to i32
        %sign3A_238 = arith.constant 0 : i32
        %sign3A_239 = arith.cmpi slt, %jit3A_226, %sign3A_238 : i32
        %sign3A_240 = arith.extui %sign3A_239 : i1 to i32
        %sign3A_241 = arith.subi %sign3A_237, %sign3A_240 : i32
        %ne3A_242 = arith.cmpi ne, %sign3A_234, %sign3A_241 : i32
        %rem3A_243 = arith.remsi %scan3A_221, %jit3A_226 : i32
        %ne3A_244 = arith.constant 0 : i32
        %ne3A_245 = arith.cmpi ne, %rem3A_243, %ne3A_244 : i32
        %and3A_246 = arith.andi %ne3A_242, %ne3A_245 : i1
        %sub3A_247 = arith.constant 1 : i32
        %sub3A_248 = arith.subi %div3A_227, %sub3A_247 : i32
        %select_n3A_249 = arith.select %and3A_246, %sub3A_248, %div3A_227 : i32
        %get3A_250 = arith.index_cast %select_n3A_249 : i32 to index
        %get3A_251 = arith.index_cast %mul3A_225 : i32 to index
        %get3A_252 = tpu.vector_load %arg7[%get3A_250, %get3A_251] {strides = array<i32>} : memref<16x128xf32, #tpu.memory_space<vmem>>, vector<1x16xf32>,
        %get3A_253 = vector.shape_cast %get3A_252 : vector<1x16xf32> to vector<16xf32>
        %get3A_254 = arith.index_cast %select_n3A_249 : i32 to index
        %get3A_255 = arith.index_cast %mul3A_225 : i32 to index
        %get3A_256 = tpu.vector_load %arg8[%get3A_254, %get3A_255] {strides = array<i32>} : memref<16x128xf32, #tpu.memory_space<vmem>>, vector<1x16xf32>,
        %get3A_257 = vector.shape_cast %get3A_256 : vector<1x16xf32> to vector<16xf32>
        %add3A_258 = arith.addf %get3A_253, %get3A_257 : vector<16xf32>
        %swap3A_259 = arith.index_cast %select_n3A_249 : i32 to index
        %swap3A_260 = arith.index_cast %mul3A_225 : i32 to index
        %swap3A_261 = tpu.vector_load %arg7[%swap3A_259, %swap3A_260] {strides = array<i32>} : memref<16x128xf32, #tpu.memory_space<vmem>>, vector<1x16xf32>,
        %swap3A_262 = vector.shape_cast %swap3A_261 : vector<1x16xf32> to vector<16xf32>
        %swap3A_263 = vector.shape_cast %add3A_258 : vector<16xf32> to vector<1x16xf32>
        tpu.vector_store %arg7[%swap3A_259, %swap3A_260], %swap3A_263 {strides = array<i32>} : memref<16x128xf32, #tpu.memory_space<vmem>>, vector<1x16xf32>,
        %scan3A_264 = arith.constant 0 : i32
        %scan3A_265 = arith.constant 3 : i32
        %scan3A_266 = arith.addi %scan3A_132, %scan3A_265 : i32
        %rem3A_267 = arith.constant 8 : i32
        %rem3A_268 = arith.remsi %scan3A_266, %rem3A_267 : i32
        %mul3A_269 = arith.constant 16 : i32
        %mul3A_270 = arith.muli %mul3A_269, %rem3A_268 : i32
        %jit3A_271 = arith.constant 8 : i32
        %div3A_272 = arith.divsi %scan3A_266, %jit3A_271 : i32
        %sign3A_273 = arith.constant 0 : i32
        %sign3A_274 = arith.cmpi sgt, %scan3A_266, %sign3A_273 : i32
        %sign3A_275 = arith.extui %sign3A_274 : i1 to i32
        %sign3A_276 = arith.constant 0 : i32
        %sign3A_277 = arith.cmpi slt, %scan3A_266, %sign3A_276 : i32
        %sign3A_278 = arith.extui %sign3A_277 : i1 to i32
        %sign3A_279 = arith.subi %sign3A_275, %sign3A_278 : i32
        %sign3A_280 = arith.constant 0 : i32
        %sign3A_281 = arith.cmpi sgt, %jit3A_271, %sign3A_280 : i32
        %sign3A_282 = arith.extui %sign3A_281 : i1 to i32
        %sign3A_283 = arith.constant 0 : i32
        %sign3A_284 = arith.cmpi slt, %jit3A_271, %sign3A_283 : i32
        %sign3A_285 = arith.extui %sign3A_284 : i1 to i32
        %sign3A_286 = arith.subi %sign3A_282, %sign3A_285 : i32
        %ne3A_287 = arith.cmpi ne, %sign3A_279, %sign3A_286 : i32
        %rem3A_288 = arith.remsi %scan3A_266, %jit3A_271 : i32
        %ne3A_289 = arith.constant 0 : i32
        %ne3A_290 = arith.cmpi ne, %rem3A_288, %ne3A_289 : i32
        %and3A_291 = arith.andi %ne3A_287, %ne3A_290 : i1
        %sub3A_292 = arith.constant 1 : i32
        %sub3A_293 = arith.subi %div3A_272, %sub3A_292 : i32
        %select_n3A_294 = arith.select %and3A_291, %sub3A_293, %div3A_272 : i32
        %get3A_295 = arith.index_cast %select_n3A_294 : i32 to index
        %get3A_296 = arith.index_cast %mul3A_270 : i32 to index
        %get3A_297 = tpu.vector_load %arg7[%get3A_295, %get3A_296] {strides = array<i32>} : memref<16x128xf32, #tpu.memory_space<vmem>>, vector<1x16xf32>,
        %get3A_298 = vector.shape_cast %get3A_297 : vector<1x16xf32> to vector<16xf32>
        %get3A_299 = arith.index_cast %select_n3A_294 : i32 to index
        %get3A_300 = arith.index_cast %mul3A_270 : i32 to index
        %get3A_301 = tpu.vector_load %arg8[%get3A_299, %get3A_300] {strides = array<i32>} : memref<16x128xf32, #tpu.memory_space<vmem>>, vector<1x16xf32>,
        %get3A_302 = vector.shape_cast %get3A_301 : vector<1x16xf32> to vector<16xf32>
        %add3A_303 = arith.addf %get3A_298, %get3A_302 : vector<16xf32>
        %swap3A_304 = arith.index_cast %select_n3A_294 : i32 to index
        %swap3A_305 = arith.index_cast %mul3A_270 : i32 to index
        %swap3A_306 = tpu.vector_load %arg7[%swap3A_304, %swap3A_305] {strides = array<i32>} : memref<16x128xf32, #tpu.memory_space<vmem>>, vector<1x16xf32>,
        %swap3A_307 = vector.shape_cast %swap3A_306 : vector<1x16xf32> to vector<16xf32>
        %swap3A_308 = vector.shape_cast %add3A_303 : vector<16xf32> to vector<1x16xf32>
        tpu.vector_store %arg7[%swap3A_304, %swap3A_305], %swap3A_308 {strides = array<i32>} : memref<16x128xf32, #tpu.memory_space<vmem>>, vector<1x16xf32>,
        %scan3A_309 = arith.constant 0 : i32
        scf.yield %scan3A_309 : i32
      }
      %scan3A_88 = arith.constant 128 : i32
      %add3A_89 = arith.constant 4 : i32
      %add3A_90 = arith.addi %arg1, %add3A_89 : i32
      "tpu.region"() ({
        %run_scoped3A = tpu.sem_alloc : memref<!tpu.dma_semaphore, #tpu.memory_space<semaphore_mem>>
        %dma_start3A = arith.constant 0 : i32
        %dma_start3A_132 = arith.constant 0 : i32
        %dma_start3A_133 = tpu.memref_slice %arg9[%add3A_90, %dma_start3A, %dma_start3A_132] : memref<16x16x128xf32, #tpu.memory_space<vmem_shared>> -> memref<1x16x128xf32, #tpu.memory_space<vmem_shared>>
        %dma_start3A_134 = tpu.memref_squeeze %dma_start3A_133 : memref<1x16x128xf32, #tpu.memory_space<vmem_shared>> -> memref<16x128xf32, #tpu.memory_space<vmem_shared>>
        %dma_start3A_135 = arith.constant 0 : i32
        %dma_start3A_136 = arith.constant 0 : i32
        %dma_start3A_137 = tpu.memref_slice %arg9[%add3A_90, %dma_start3A_135, %dma_start3A_136] : memref<16x16x128xf32, #tpu.memory_space<vmem_shared>> -> memref<1x16x128xf32, #tpu.memory_space<vmem_shared>>
        %dma_start3A_138 = tpu.memref_squeeze %dma_start3A_137 : memref<1x16x128xf32, #tpu.memory_space<vmem_shared>> -> memref<16x128xf32, #tpu.memory_space<vmem_shared>>
        tpu.enqueue_dma source(%dma_start3A_138 : memref<16x128xf32, #tpu.memory_space<vmem_shared>>) target(%arg8 : memref<16x128xf32, #tpu.memory_space<vmem>>) target_semaphore(%run_scoped3A : memref<!tpu.dma_semaphore, #tpu.memory_space<semaphore_mem>>)
        %dma_wait3A = arith.constant 0 : i32
        %dma_wait3A_139 = arith.constant 0 : i32
        %dma_wait3A_140 = tpu.memref_slice %arg9[%add3A_90, %dma_wait3A, %dma_wait3A_139] : memref<16x16x128xf32, #tpu.memory_space<vmem_shared>> -> memref<1x16x128xf32, #tpu.memory_space<vmem_shared>>
        %dma_wait3A_141 = tpu.memref_squeeze %dma_wait3A_140 : memref<1x16x128xf32, #tpu.memory_space<vmem_shared>> -> memref<16x128xf32, #tpu.memory_space<vmem_shared>>
        %dma_wait3A_142 = arith.constant 0 : i32
        %dma_wait3A_143 = arith.constant 0 : i32
        %dma_wait3A_144 = tpu.memref_slice %arg9[%add3A_90, %dma_wait3A_142, %dma_wait3A_143] : memref<16x16x128xf32, #tpu.memory_space<vmem_shared>> -> memref<1x16x128xf32, #tpu.memory_space<vmem_shared>>
        %dma_wait3A_145 = tpu.memref_squeeze %dma_wait3A_144 : memref<1x16x128xf32, #tpu.memory_space<vmem_shared>> -> memref<16x128xf32, #tpu.memory_space<vmem_shared>>
        tpu.wait_dma2 semaphore(%run_scoped3A : memref<!tpu.dma_semaphore, #tpu.memory_space<semaphore_mem>>) src(%dma_wait3A_145 : memref<16x128xf32, #tpu.memory_space<vmem_shared>>) dst(%arg8 : memref<16x128xf32, #tpu.memory_space<vmem>>)
        tpu.yield
      }) : () -> ()
      %scan3A_91 = arith.constant 0 : i32
      %scan3A_92 = arith.constant 0 : i32
      %scan3A_93 = arith.constant 128 : i32
      %scan3A_94 = arith.addi %scan3A_92, %scan3A_93 : i32
      %scan3A_95 = arith.constant 4 : i32
      %scan3A_96 = scf.for %scan3A_132 = %scan3A_92 to %scan3A_94 step %scan3A_95 iter_args(%scan3A_133 = %scan3A_91) -> (i32)  : i32 {
        %rem3A_134 = arith.constant 8 : i32
        %rem3A_135 = arith.remsi %scan3A_132, %rem3A_134 : i32
        %mul3A_136 = arith.constant 16 : i32
        %mul3A_137 = arith.muli %mul3A_136, %rem3A_135 : i32
        %jit3A_138 = arith.constant 8 : i32
        %div3A_139 = arith.divsi %scan3A_132, %jit3A_138 : i32
        %sign3A_140 = arith.constant 0 : i32
        %sign3A_141 = arith.cmpi sgt, %scan3A_132, %sign3A_140 : i32
        %sign3A_142 = arith.extui %sign3A_141 : i1 to i32
        %sign3A_143 = arith.constant 0 : i32
        %sign3A_144 = arith.cmpi slt, %scan3A_132, %sign3A_143 : i32
        %sign3A_145 = arith.extui %sign3A_144 : i1 to i32
        %sign3A_146 = arith.subi %sign3A_142, %sign3A_145 : i32
        %sign3A_147 = arith.constant 0 : i32
        %sign3A_148 = arith.cmpi sgt, %jit3A_138, %sign3A_147 : i32
        %sign3A_149 = arith.extui %sign3A_148 : i1 to i32
        %sign3A_150 = arith.constant 0 : i32
        %sign3A_151 = arith.cmpi slt, %jit3A_138, %sign3A_150 : i32
        %sign3A_152 = arith.extui %sign3A_151 : i1 to i32
        %sign3A_153 = arith.subi %sign3A_149, %sign3A_152 : i32
        %ne3A_154 = arith.cmpi ne, %sign3A_146, %sign3A_153 : i32
        %rem3A_155 = arith.remsi %scan3A_132, %jit3A_138 : i32
        %ne3A_156 = arith.constant 0 : i32
        %ne3A_157 = arith.cmpi ne, %rem3A_155, %ne3A_156 : i32
        %and3A_158 = arith.andi %ne3A_154, %ne3A_157 : i1
        %sub3A_159 = arith.constant 1 : i32
        %sub3A_160 = arith.subi %div3A_139, %sub3A_159 : i32
        %select_n3A_161 = arith.select %and3A_158, %sub3A_160, %div3A_139 : i32
        %get3A = arith.index_cast %select_n3A_161 : i32 to index
        %get3A_162 = arith.index_cast %mul3A_137 : i32 to index
        %get3A_163 = tpu.vector_load %arg7[%get3A, %get3A_162] {strides = array<i32>} : memref<16x128xf32, #tpu.memory_space<vmem>>, vector<1x16xf32>,
        %get3A_164 = vector.shape_cast %get3A_163 : vector<1x16xf32> to vector<16xf32>
        %get3A_165 = arith.index_cast %select_n3A_161 : i32 to index
        %get3A_166 = arith.index_cast %mul3A_137 : i32 to index
        %get3A_167 = tpu.vector_load %arg8[%get3A_165, %get3A_166] {strides = array<i32>} : memref<16x128xf32, #tpu.memory_space<vmem>>, vector<1x16xf32>,
        %get3A_168 = vector.shape_cast %get3A_167 : vector<1x16xf32> to vector<16xf32>
        %add3A_169 = arith.addf %get3A_164, %get3A_168 : vector<16xf32>
        %swap3A = arith.index_cast %select_n3A_161 : i32 to index
        %swap3A_170 = arith.index_cast %mul3A_137 : i32 to index
        %swap3A_171 = tpu.vector_load %arg7[%swap3A, %swap3A_170] {strides = array<i32>} : memref<16x128xf32, #tpu.memory_space<vmem>>, vector<1x16xf32>,
        %swap3A_172 = vector.shape_cast %swap3A_171 : vector<1x16xf32> to vector<16xf32>
        %swap3A_173 = vector.shape_cast %add3A_169 : vector<16xf32> to vector<1x16xf32>
        tpu.vector_store %arg7[%swap3A, %swap3A_170], %swap3A_173 {strides = array<i32>} : memref<16x128xf32, #tpu.memory_space<vmem>>, vector<1x16xf32>,
        %scan3A_174 = arith.constant 0 : i32
        %scan3A_175 = arith.constant 1 : i32
        %scan3A_176 = arith.addi %scan3A_132, %scan3A_175 : i32
        %rem3A_177 = arith.constant 8 : i32
        %rem3A_178 = arith.remsi %scan3A_176, %rem3A_177 : i32
        %mul3A_179 = arith.constant 16 : i32
        %mul3A_180 = arith.muli %mul3A_179, %rem3A_178 : i32
        %jit3A_181 = arith.constant 8 : i32
        %div3A_182 = arith.divsi %scan3A_176, %jit3A_181 : i32
        %sign3A_183 = arith.constant 0 : i32
        %sign3A_184 = arith.cmpi sgt, %scan3A_176, %sign3A_183 : i32
        %sign3A_185 = arith.extui %sign3A_184 : i1 to i32
        %sign3A_186 = arith.constant 0 : i32
        %sign3A_187 = arith.cmpi slt, %scan3A_176, %sign3A_186 : i32
        %sign3A_188 = arith.extui %sign3A_187 : i1 to i32
        %sign3A_189 = arith.subi %sign3A_185, %sign3A_188 : i32
        %sign3A_190 = arith.constant 0 : i32
        %sign3A_191 = arith.cmpi sgt, %jit3A_181, %sign3A_190 : i32
        %sign3A_192 = arith.extui %sign3A_191 : i1 to i32
        %sign3A_193 = arith.constant 0 : i32
        %sign3A_194 = arith.cmpi slt, %jit3A_181, %sign3A_193 : i32
        %sign3A_195 = arith.extui %sign3A_194 : i1 to i32
        %sign3A_196 = arith.subi %sign3A_192, %sign3A_195 : i32
        %ne3A_197 = arith.cmpi ne, %sign3A_189, %sign3A_196 : i32
        %rem3A_198 = arith.remsi %scan3A_176, %jit3A_181 : i32
        %ne3A_199 = arith.constant 0 : i32
        %ne3A_200 = arith.cmpi ne, %rem3A_198, %ne3A_199 : i32
        %and3A_201 = arith.andi %ne3A_197, %ne3A_200 : i1
        %sub3A_202 = arith.constant 1 : i32
        %sub3A_203 = arith.subi %div3A_182, %sub3A_202 : i32
        %select_n3A_204 = arith.select %and3A_201, %sub3A_203, %div3A_182 : i32
        %get3A_205 = arith.index_cast %select_n3A_204 : i32 to index
        %get3A_206 = arith.index_cast %mul3A_180 : i32 to index
        %get3A_207 = tpu.vector_load %arg7[%get3A_205, %get3A_206] {strides = array<i32>} : memref<16x128xf32, #tpu.memory_space<vmem>>, vector<1x16xf32>,
        %get3A_208 = vector.shape_cast %get3A_207 : vector<1x16xf32> to vector<16xf32>
        %get3A_209 = arith.index_cast %select_n3A_204 : i32 to index
        %get3A_210 = arith.index_cast %mul3A_180 : i32 to index
        %get3A_211 = tpu.vector_load %arg8[%get3A_209, %get3A_210] {strides = array<i32>} : memref<16x128xf32, #tpu.memory_space<vmem>>, vector<1x16xf32>,
        %get3A_212 = vector.shape_cast %get3A_211 : vector<1x16xf32> to vector<16xf32>
        %add3A_213 = arith.addf %get3A_208, %get3A_212 : vector<16xf32>
        %swap3A_214 = arith.index_cast %select_n3A_204 : i32 to index
        %swap3A_215 = arith.index_cast %mul3A_180 : i32 to index
        %swap3A_216 = tpu.vector_load %arg7[%swap3A_214, %swap3A_215] {strides = array<i32>} : memref<16x128xf32, #tpu.memory_space<vmem>>, vector<1x16xf32>,
        %swap3A_217 = vector.shape_cast %swap3A_216 : vector<1x16xf32> to vector<16xf32>
        %swap3A_218 = vector.shape_cast %add3A_213 : vector<16xf32> to vector<1x16xf32>
        tpu.vector_store %arg7[%swap3A_214, %swap3A_215], %swap3A_218 {strides = array<i32>} : memref<16x128xf32, #tpu.memory_space<vmem>>, vector<1x16xf32>,
        %scan3A_219 = arith.constant 0 : i32
        %scan3A_220 = arith.constant 2 : i32
        %scan3A_221 = arith.addi %scan3A_132, %scan3A_220 : i32
        %rem3A_222 = arith.constant 8 : i32
        %rem3A_223 = arith.remsi %scan3A_221, %rem3A_222 : i32
        %mul3A_224 = arith.constant 16 : i32
        %mul3A_225 = arith.muli %mul3A_224, %rem3A_223 : i32
        %jit3A_226 = arith.constant 8 : i32
        %div3A_227 = arith.divsi %scan3A_221, %jit3A_226 : i32
        %sign3A_228 = arith.constant 0 : i32
        %sign3A_229 = arith.cmpi sgt, %scan3A_221, %sign3A_228 : i32
        %sign3A_230 = arith.extui %sign3A_229 : i1 to i32
        %sign3A_231 = arith.constant 0 : i32
        %sign3A_232 = arith.cmpi slt, %scan3A_221, %sign3A_231 : i32
        %sign3A_233 = arith.extui %sign3A_232 : i1 to i32
        %sign3A_234 = arith.subi %sign3A_230, %sign3A_233 : i32
        %sign3A_235 = arith.constant 0 : i32
        %sign3A_236 = arith.cmpi sgt, %jit3A_226, %sign3A_235 : i32
        %sign3A_237 = arith.extui %sign3A_236 : i1 to i32
        %sign3A_238 = arith.constant 0 : i32
        %sign3A_239 = arith.cmpi slt, %jit3A_226, %sign3A_238 : i32
        %sign3A_240 = arith.extui %sign3A_239 : i1 to i32
        %sign3A_241 = arith.subi %sign3A_237, %sign3A_240 : i32
        %ne3A_242 = arith.cmpi ne, %sign3A_234, %sign3A_241 : i32
        %rem3A_243 = arith.remsi %scan3A_221, %jit3A_226 : i32
        %ne3A_244 = arith.constant 0 : i32
        %ne3A_245 = arith.cmpi ne, %rem3A_243, %ne3A_244 : i32
        %and3A_246 = arith.andi %ne3A_242, %ne3A_245 : i1
        %sub3A_247 = arith.constant 1 : i32
        %sub3A_248 = arith.subi %div3A_227, %sub3A_247 : i32
        %select_n3A_249 = arith.select %and3A_246, %sub3A_248, %div3A_227 : i32
        %get3A_250 = arith.index_cast %select_n3A_249 : i32 to index
        %get3A_251 = arith.index_cast %mul3A_225 : i32 to index
        %get3A_252 = tpu.vector_load %arg7[%get3A_250, %get3A_251] {strides = array<i32>} : memref<16x128xf32, #tpu.memory_space<vmem>>, vector<1x16xf32>,
        %get3A_253 = vector.shape_cast %get3A_252 : vector<1x16xf32> to vector<16xf32>
        %get3A_254 = arith.index_cast %select_n3A_249 : i32 to index
        %get3A_255 = arith.index_cast %mul3A_225 : i32 to index
        %get3A_256 = tpu.vector_load %arg8[%get3A_254, %get3A_255] {strides = array<i32>} : memref<16x128xf32, #tpu.memory_space<vmem>>, vector<1x16xf32>,
        %get3A_257 = vector.shape_cast %get3A_256 : vector<1x16xf32> to vector<16xf32>
        %add3A_258 = arith.addf %get3A_253, %get3A_257 : vector<16xf32>
        %swap3A_259 = arith.index_cast %select_n3A_249 : i32 to index
        %swap3A_260 = arith.index_cast %mul3A_225 : i32 to index
        %swap3A_261 = tpu.vector_load %arg7[%swap3A_259, %swap3A_260] {strides = array<i32>} : memref<16x128xf32, #tpu.memory_space<vmem>>, vector<1x16xf32>,
        %swap3A_262 = vector.shape_cast %swap3A_261 : vector<1x16xf32> to vector<16xf32>
        %swap3A_263 = vector.shape_cast %add3A_258 : vector<16xf32> to vector<1x16xf32>
        tpu.vector_store %arg7[%swap3A_259, %swap3A_260], %swap3A_263 {strides = array<i32>} : memref<16x128xf32, #tpu.memory_space<vmem>>, vector<1x16xf32>,
        %scan3A_264 = arith.constant 0 : i32
        %scan3A_265 = arith.constant 3 : i32
        %scan3A_266 = arith.addi %scan3A_132, %scan3A_265 : i32
        %rem3A_267 = arith.constant 8 : i32
        %rem3A_268 = arith.remsi %scan3A_266, %rem3A_267 : i32
        %mul3A_269 = arith.constant 16 : i32
        %mul3A_270 = arith.muli %mul3A_269, %rem3A_268 : i32
        %jit3A_271 = arith.constant 8 : i32
        %div3A_272 = arith.divsi %scan3A_266, %jit3A_271 : i32
        %sign3A_273 = arith.constant 0 : i32
        %sign3A_274 = arith.cmpi sgt, %scan3A_266, %sign3A_273 : i32
        %sign3A_275 = arith.extui %sign3A_274 : i1 to i32
        %sign3A_276 = arith.constant 0 : i32
        %sign3A_277 = arith.cmpi slt, %scan3A_266, %sign3A_276 : i32
        %sign3A_278 = arith.extui %sign3A_277 : i1 to i32
        %sign3A_279 = arith.subi %sign3A_275, %sign3A_278 : i32
        %sign3A_280 = arith.constant 0 : i32
        %sign3A_281 = arith.cmpi sgt, %jit3A_271, %sign3A_280 : i32
        %sign3A_282 = arith.extui %sign3A_281 : i1 to i32
        %sign3A_283 = arith.constant 0 : i32
        %sign3A_284 = arith.cmpi slt, %jit3A_271, %sign3A_283 : i32
        %sign3A_285 = arith.extui %sign3A_284 : i1 to i32
        %sign3A_286 = arith.subi %sign3A_282, %sign3A_285 : i32
        %ne3A_287 = arith.cmpi ne, %sign3A_279, %sign3A_286 : i32
        %rem3A_288 = arith.remsi %scan3A_266, %jit3A_271 : i32
        %ne3A_289 = arith.constant 0 : i32
        %ne3A_290 = arith.cmpi ne, %rem3A_288, %ne3A_289 : i32
        %and3A_291 = arith.andi %ne3A_287, %ne3A_290 : i1
        %sub3A_292 = arith.constant 1 : i32
        %sub3A_293 = arith.subi %div3A_272, %sub3A_292 : i32
        %select_n3A_294 = arith.select %and3A_291, %sub3A_293, %div3A_272 : i32
        %get3A_295 = arith.index_cast %select_n3A_294 : i32 to index
        %get3A_296 = arith.index_cast %mul3A_270 : i32 to index
        %get3A_297 = tpu.vector_load %arg7[%get3A_295, %get3A_296] {strides = array<i32>} : memref<16x128xf32, #tpu.memory_space<vmem>>, vector<1x16xf32>,
        %get3A_298 = vector.shape_cast %get3A_297 : vector<1x16xf32> to vector<16xf32>
        %get3A_299 = arith.index_cast %select_n3A_294 : i32 to index
        %get3A_300 = arith.index_cast %mul3A_270 : i32 to index
        %get3A_301 = tpu.vector_load %arg8[%get3A_299, %get3A_300] {strides = array<i32>} : memref<16x128xf32, #tpu.memory_space<vmem>>, vector<1x16xf32>,
        %get3A_302 = vector.shape_cast %get3A_301 : vector<1x16xf32> to vector<16xf32>
        %add3A_303 = arith.addf %get3A_298, %get3A_302 : vector<16xf32>
        %swap3A_304 = arith.index_cast %select_n3A_294 : i32 to index
        %swap3A_305 = arith.index_cast %mul3A_270 : i32 to index
        %swap3A_306 = tpu.vector_load %arg7[%swap3A_304, %swap3A_305] {strides = array<i32>} : memref<16x128xf32, #tpu.memory_space<vmem>>, vector<1x16xf32>,
        %swap3A_307 = vector.shape_cast %swap3A_306 : vector<1x16xf32> to vector<16xf32>
        %swap3A_308 = vector.shape_cast %add3A_303 : vector<16xf32> to vector<1x16xf32>
        tpu.vector_store %arg7[%swap3A_304, %swap3A_305], %swap3A_308 {strides = array<i32>} : memref<16x128xf32, #tpu.memory_space<vmem>>, vector<1x16xf32>,
        %scan3A_309 = arith.constant 0 : i32
        scf.yield %scan3A_309 : i32
      }
      %scan3A_97 = arith.constant 128 : i32
      %add3A_98 = arith.constant 5 : i32
      %add3A_99 = arith.addi %arg1, %add3A_98 : i32
      "tpu.region"() ({
        %run_scoped3A = tpu.sem_alloc : memref<!tpu.dma_semaphore, #tpu.memory_space<semaphore_mem>>
        %dma_start3A = arith.constant 0 : i32
        %dma_start3A_132 = arith.constant 0 : i32
        %dma_start3A_133 = tpu.memref_slice %arg9[%add3A_99, %dma_start3A, %dma_start3A_132] : memref<16x16x128xf32, #tpu.memory_space<vmem_shared>> -> memref<1x16x128xf32, #tpu.memory_space<vmem_shared>>
        %dma_start3A_134 = tpu.memref_squeeze %dma_start3A_133 : memref<1x16x128xf32, #tpu.memory_space<vmem_shared>> -> memref<16x128xf32, #tpu.memory_space<vmem_shared>>
        %dma_start3A_135 = arith.constant 0 : i32
        %dma_start3A_136 = arith.constant 0 : i32
        %dma_start3A_137 = tpu.memref_slice %arg9[%add3A_99, %dma_start3A_135, %dma_start3A_136] : memref<16x16x128xf32, #tpu.memory_space<vmem_shared>> -> memref<1x16x128xf32, #tpu.memory_space<vmem_shared>>
        %dma_start3A_138 = tpu.memref_squeeze %dma_start3A_137 : memref<1x16x128xf32, #tpu.memory_space<vmem_shared>> -> memref<16x128xf32, #tpu.memory_space<vmem_shared>>
        tpu.enqueue_dma source(%dma_start3A_138 : memref<16x128xf32, #tpu.memory_space<vmem_shared>>) target(%arg8 : memref<16x128xf32, #tpu.memory_space<vmem>>) target_semaphore(%run_scoped3A : memref<!tpu.dma_semaphore, #tpu.memory_space<semaphore_mem>>)
        %dma_wait3A = arith.constant 0 : i32
        %dma_wait3A_139 = arith.constant 0 : i32
        %dma_wait3A_140 = tpu.memref_slice %arg9[%add3A_99, %dma_wait3A, %dma_wait3A_139] : memref<16x16x128xf32, #tpu.memory_space<vmem_shared>> -> memref<1x16x128xf32, #tpu.memory_space<vmem_shared>>
        %dma_wait3A_141 = tpu.memref_squeeze %dma_wait3A_140 : memref<1x16x128xf32, #tpu.memory_space<vmem_shared>> -> memref<16x128xf32, #tpu.memory_space<vmem_shared>>
        %dma_wait3A_142 = arith.constant 0 : i32
        %dma_wait3A_143 = arith.constant 0 : i32
        %dma_wait3A_144 = tpu.memref_slice %arg9[%add3A_99, %dma_wait3A_142, %dma_wait3A_143] : memref<16x16x128xf32, #tpu.memory_space<vmem_shared>> -> memref<1x16x128xf32, #tpu.memory_space<vmem_shared>>
        %dma_wait3A_145 = tpu.memref_squeeze %dma_wait3A_144 : memref<1x16x128xf32, #tpu.memory_space<vmem_shared>> -> memref<16x128xf32, #tpu.memory_space<vmem_shared>>
        tpu.wait_dma2 semaphore(%run_scoped3A : memref<!tpu.dma_semaphore, #tpu.memory_space<semaphore_mem>>) src(%dma_wait3A_145 : memref<16x128xf32, #tpu.memory_space<vmem_shared>>) dst(%arg8 : memref<16x128xf32, #tpu.memory_space<vmem>>)
        tpu.yield
      }) : () -> ()
      %scan3A_100 = arith.constant 0 : i32
      %scan3A_101 = arith.constant 0 : i32
      %scan3A_102 = arith.constant 128 : i32
      %scan3A_103 = arith.addi %scan3A_101, %scan3A_102 : i32
      %scan3A_104 = arith.constant 4 : i32
      %scan3A_105 = scf.for %scan3A_132 = %scan3A_101 to %scan3A_103 step %scan3A_104 iter_args(%scan3A_133 = %scan3A_100) -> (i32)  : i32 {
        %rem3A_134 = arith.constant 8 : i32
        %rem3A_135 = arith.remsi %scan3A_132, %rem3A_134 : i32
        %mul3A_136 = arith.constant 16 : i32
        %mul3A_137 = arith.muli %mul3A_136, %rem3A_135 : i32
        %jit3A_138 = arith.constant 8 : i32
        %div3A_139 = arith.divsi %scan3A_132, %jit3A_138 : i32
        %sign3A_140 = arith.constant 0 : i32
        %sign3A_141 = arith.cmpi sgt, %scan3A_132, %sign3A_140 : i32
        %sign3A_142 = arith.extui %sign3A_141 : i1 to i32
        %sign3A_143 = arith.constant 0 : i32
        %sign3A_144 = arith.cmpi slt, %scan3A_132, %sign3A_143 : i32
        %sign3A_145 = arith.extui %sign3A_144 : i1 to i32
        %sign3A_146 = arith.subi %sign3A_142, %sign3A_145 : i32
        %sign3A_147 = arith.constant 0 : i32
        %sign3A_148 = arith.cmpi sgt, %jit3A_138, %sign3A_147 : i32
        %sign3A_149 = arith.extui %sign3A_148 : i1 to i32
        %sign3A_150 = arith.constant 0 : i32
        %sign3A_151 = arith.cmpi slt, %jit3A_138, %sign3A_150 : i32
        %sign3A_152 = arith.extui %sign3A_151 : i1 to i32
        %sign3A_153 = arith.subi %sign3A_149, %sign3A_152 : i32
        %ne3A_154 = arith.cmpi ne, %sign3A_146, %sign3A_153 : i32
        %rem3A_155 = arith.remsi %scan3A_132, %jit3A_138 : i32
        %ne3A_156 = arith.constant 0 : i32
        %ne3A_157 = arith.cmpi ne, %rem3A_155, %ne3A_156 : i32
        %and3A_158 = arith.andi %ne3A_154, %ne3A_157 : i1
        %sub3A_159 = arith.constant 1 : i32
        %sub3A_160 = arith.subi %div3A_139, %sub3A_159 : i32
        %select_n3A_161 = arith.select %and3A_158, %sub3A_160, %div3A_139 : i32
        %get3A = arith.index_cast %select_n3A_161 : i32 to index
        %get3A_162 = arith.index_cast %mul3A_137 : i32 to index
        %get3A_163 = tpu.vector_load %arg7[%get3A, %get3A_162] {strides = array<i32>} : memref<16x128xf32, #tpu.memory_space<vmem>>, vector<1x16xf32>,
        %get3A_164 = vector.shape_cast %get3A_163 : vector<1x16xf32> to vector<16xf32>
        %get3A_165 = arith.index_cast %select_n3A_161 : i32 to index
        %get3A_166 = arith.index_cast %mul3A_137 : i32 to index
        %get3A_167 = tpu.vector_load %arg8[%get3A_165, %get3A_166] {strides = array<i32>} : memref<16x128xf32, #tpu.memory_space<vmem>>, vector<1x16xf32>,
        %get3A_168 = vector.shape_cast %get3A_167 : vector<1x16xf32> to vector<16xf32>
        %add3A_169 = arith.addf %get3A_164, %get3A_168 : vector<16xf32>
        %swap3A = arith.index_cast %select_n3A_161 : i32 to index
        %swap3A_170 = arith.index_cast %mul3A_137 : i32 to index
        %swap3A_171 = tpu.vector_load %arg7[%swap3A, %swap3A_170] {strides = array<i32>} : memref<16x128xf32, #tpu.memory_space<vmem>>, vector<1x16xf32>,
        %swap3A_172 = vector.shape_cast %swap3A_171 : vector<1x16xf32> to vector<16xf32>
        %swap3A_173 = vector.shape_cast %add3A_169 : vector<16xf32> to vector<1x16xf32>
        tpu.vector_store %arg7[%swap3A, %swap3A_170], %swap3A_173 {strides = array<i32>} : memref<16x128xf32, #tpu.memory_space<vmem>>, vector<1x16xf32>,
        %scan3A_174 = arith.constant 0 : i32
        %scan3A_175 = arith.constant 1 : i32
        %scan3A_176 = arith.addi %scan3A_132, %scan3A_175 : i32
        %rem3A_177 = arith.constant 8 : i32
        %rem3A_178 = arith.remsi %scan3A_176, %rem3A_177 : i32
        %mul3A_179 = arith.constant 16 : i32
        %mul3A_180 = arith.muli %mul3A_179, %rem3A_178 : i32
        %jit3A_181 = arith.constant 8 : i32
        %div3A_182 = arith.divsi %scan3A_176, %jit3A_181 : i32
        %sign3A_183 = arith.constant 0 : i32
        %sign3A_184 = arith.cmpi sgt, %scan3A_176, %sign3A_183 : i32
        %sign3A_185 = arith.extui %sign3A_184 : i1 to i32
        %sign3A_186 = arith.constant 0 : i32
        %sign3A_187 = arith.cmpi slt, %scan3A_176, %sign3A_186 : i32
        %sign3A_188 = arith.extui %sign3A_187 : i1 to i32
        %sign3A_189 = arith.subi %sign3A_185, %sign3A_188 : i32
        %sign3A_190 = arith.constant 0 : i32
        %sign3A_191 = arith.cmpi sgt, %jit3A_181, %sign3A_190 : i32
        %sign3A_192 = arith.extui %sign3A_191 : i1 to i32
        %sign3A_193 = arith.constant 0 : i32
        %sign3A_194 = arith.cmpi slt, %jit3A_181, %sign3A_193 : i32
        %sign3A_195 = arith.extui %sign3A_194 : i1 to i32
        %sign3A_196 = arith.subi %sign3A_192, %sign3A_195 : i32
        %ne3A_197 = arith.cmpi ne, %sign3A_189, %sign3A_196 : i32
        %rem3A_198 = arith.remsi %scan3A_176, %jit3A_181 : i32
        %ne3A_199 = arith.constant 0 : i32
        %ne3A_200 = arith.cmpi ne, %rem3A_198, %ne3A_199 : i32
        %and3A_201 = arith.andi %ne3A_197, %ne3A_200 : i1
        %sub3A_202 = arith.constant 1 : i32
        %sub3A_203 = arith.subi %div3A_182, %sub3A_202 : i32
        %select_n3A_204 = arith.select %and3A_201, %sub3A_203, %div3A_182 : i32
        %get3A_205 = arith.index_cast %select_n3A_204 : i32 to index
        %get3A_206 = arith.index_cast %mul3A_180 : i32 to index
        %get3A_207 = tpu.vector_load %arg7[%get3A_205, %get3A_206] {strides = array<i32>} : memref<16x128xf32, #tpu.memory_space<vmem>>, vector<1x16xf32>,
        %get3A_208 = vector.shape_cast %get3A_207 : vector<1x16xf32> to vector<16xf32>
        %get3A_209 = arith.index_cast %select_n3A_204 : i32 to index
        %get3A_210 = arith.index_cast %mul3A_180 : i32 to index
        %get3A_211 = tpu.vector_load %arg8[%get3A_209, %get3A_210] {strides = array<i32>} : memref<16x128xf32, #tpu.memory_space<vmem>>, vector<1x16xf32>,
        %get3A_212 = vector.shape_cast %get3A_211 : vector<1x16xf32> to vector<16xf32>
        %add3A_213 = arith.addf %get3A_208, %get3A_212 : vector<16xf32>
        %swap3A_214 = arith.index_cast %select_n3A_204 : i32 to index
        %swap3A_215 = arith.index_cast %mul3A_180 : i32 to index
        %swap3A_216 = tpu.vector_load %arg7[%swap3A_214, %swap3A_215] {strides = array<i32>} : memref<16x128xf32, #tpu.memory_space<vmem>>, vector<1x16xf32>,
        %swap3A_217 = vector.shape_cast %swap3A_216 : vector<1x16xf32> to vector<16xf32>
        %swap3A_218 = vector.shape_cast %add3A_213 : vector<16xf32> to vector<1x16xf32>
        tpu.vector_store %arg7[%swap3A_214, %swap3A_215], %swap3A_218 {strides = array<i32>} : memref<16x128xf32, #tpu.memory_space<vmem>>, vector<1x16xf32>,
        %scan3A_219 = arith.constant 0 : i32
        %scan3A_220 = arith.constant 2 : i32
        %scan3A_221 = arith.addi %scan3A_132, %scan3A_220 : i32
        %rem3A_222 = arith.constant 8 : i32
        %rem3A_223 = arith.remsi %scan3A_221, %rem3A_222 : i32
        %mul3A_224 = arith.constant 16 : i32
        %mul3A_225 = arith.muli %mul3A_224, %rem3A_223 : i32
        %jit3A_226 = arith.constant 8 : i32
        %div3A_227 = arith.divsi %scan3A_221, %jit3A_226 : i32
        %sign3A_228 = arith.constant 0 : i32
        %sign3A_229 = arith.cmpi sgt, %scan3A_221, %sign3A_228 : i32
        %sign3A_230 = arith.extui %sign3A_229 : i1 to i32
        %sign3A_231 = arith.constant 0 : i32
        %sign3A_232 = arith.cmpi slt, %scan3A_221, %sign3A_231 : i32
        %sign3A_233 = arith.extui %sign3A_232 : i1 to i32
        %sign3A_234 = arith.subi %sign3A_230, %sign3A_233 : i32
        %sign3A_235 = arith.constant 0 : i32
        %sign3A_236 = arith.cmpi sgt, %jit3A_226, %sign3A_235 : i32
        %sign3A_237 = arith.extui %sign3A_236 : i1 to i32
        %sign3A_238 = arith.constant 0 : i32
        %sign3A_239 = arith.cmpi slt, %jit3A_226, %sign3A_238 : i32
        %sign3A_240 = arith.extui %sign3A_239 : i1 to i32
        %sign3A_241 = arith.subi %sign3A_237, %sign3A_240 : i32
        %ne3A_242 = arith.cmpi ne, %sign3A_234, %sign3A_241 : i32
        %rem3A_243 = arith.remsi %scan3A_221, %jit3A_226 : i32
        %ne3A_244 = arith.constant 0 : i32
        %ne3A_245 = arith.cmpi ne, %rem3A_243, %ne3A_244 : i32
        %and3A_246 = arith.andi %ne3A_242, %ne3A_245 : i1
        %sub3A_247 = arith.constant 1 : i32
        %sub3A_248 = arith.subi %div3A_227, %sub3A_247 : i32
        %select_n3A_249 = arith.select %and3A_246, %sub3A_248, %div3A_227 : i32
        %get3A_250 = arith.index_cast %select_n3A_249 : i32 to index
        %get3A_251 = arith.index_cast %mul3A_225 : i32 to index
        %get3A_252 = tpu.vector_load %arg7[%get3A_250, %get3A_251] {strides = array<i32>} : memref<16x128xf32, #tpu.memory_space<vmem>>, vector<1x16xf32>,
        %get3A_253 = vector.shape_cast %get3A_252 : vector<1x16xf32> to vector<16xf32>
        %get3A_254 = arith.index_cast %select_n3A_249 : i32 to index
        %get3A_255 = arith.index_cast %mul3A_225 : i32 to index
        %get3A_256 = tpu.vector_load %arg8[%get3A_254, %get3A_255] {strides = array<i32>} : memref<16x128xf32, #tpu.memory_space<vmem>>, vector<1x16xf32>,
        %get3A_257 = vector.shape_cast %get3A_256 : vector<1x16xf32> to vector<16xf32>
        %add3A_258 = arith.addf %get3A_253, %get3A_257 : vector<16xf32>
        %swap3A_259 = arith.index_cast %select_n3A_249 : i32 to index
        %swap3A_260 = arith.index_cast %mul3A_225 : i32 to index
        %swap3A_261 = tpu.vector_load %arg7[%swap3A_259, %swap3A_260] {strides = array<i32>} : memref<16x128xf32, #tpu.memory_space<vmem>>, vector<1x16xf32>,
        %swap3A_262 = vector.shape_cast %swap3A_261 : vector<1x16xf32> to vector<16xf32>
        %swap3A_263 = vector.shape_cast %add3A_258 : vector<16xf32> to vector<1x16xf32>
        tpu.vector_store %arg7[%swap3A_259, %swap3A_260], %swap3A_263 {strides = array<i32>} : memref<16x128xf32, #tpu.memory_space<vmem>>, vector<1x16xf32>,
        %scan3A_264 = arith.constant 0 : i32
        %scan3A_265 = arith.constant 3 : i32
        %scan3A_266 = arith.addi %scan3A_132, %scan3A_265 : i32
        %rem3A_267 = arith.constant 8 : i32
        %rem3A_268 = arith.remsi %scan3A_266, %rem3A_267 : i32
        %mul3A_269 = arith.constant 16 : i32
        %mul3A_270 = arith.muli %mul3A_269, %rem3A_268 : i32
        %jit3A_271 = arith.constant 8 : i32
        %div3A_272 = arith.divsi %scan3A_266, %jit3A_271 : i32
        %sign3A_273 = arith.constant 0 : i32
        %sign3A_274 = arith.cmpi sgt, %scan3A_266, %sign3A_273 : i32
        %sign3A_275 = arith.extui %sign3A_274 : i1 to i32
        %sign3A_276 = arith.constant 0 : i32
        %sign3A_277 = arith.cmpi slt, %scan3A_266, %sign3A_276 : i32
        %sign3A_278 = arith.extui %sign3A_277 : i1 to i32
        %sign3A_279 = arith.subi %sign3A_275, %sign3A_278 : i32
        %sign3A_280 = arith.constant 0 : i32
        %sign3A_281 = arith.cmpi sgt, %jit3A_271, %sign3A_280 : i32
        %sign3A_282 = arith.extui %sign3A_281 : i1 to i32
        %sign3A_283 = arith.constant 0 : i32
        %sign3A_284 = arith.cmpi slt, %jit3A_271, %sign3A_283 : i32
        %sign3A_285 = arith.extui %sign3A_284 : i1 to i32
        %sign3A_286 = arith.subi %sign3A_282, %sign3A_285 : i32
        %ne3A_287 = arith.cmpi ne, %sign3A_279, %sign3A_286 : i32
        %rem3A_288 = arith.remsi %scan3A_266, %jit3A_271 : i32
        %ne3A_289 = arith.constant 0 : i32
        %ne3A_290 = arith.cmpi ne, %rem3A_288, %ne3A_289 : i32
        %and3A_291 = arith.andi %ne3A_287, %ne3A_290 : i1
        %sub3A_292 = arith.constant 1 : i32
        %sub3A_293 = arith.subi %div3A_272, %sub3A_292 : i32
        %select_n3A_294 = arith.select %and3A_291, %sub3A_293, %div3A_272 : i32
        %get3A_295 = arith.index_cast %select_n3A_294 : i32 to index
        %get3A_296 = arith.index_cast %mul3A_270 : i32 to index
        %get3A_297 = tpu.vector_load %arg7[%get3A_295, %get3A_296] {strides = array<i32>} : memref<16x128xf32, #tpu.memory_space<vmem>>, vector<1x16xf32>,
        %get3A_298 = vector.shape_cast %get3A_297 : vector<1x16xf32> to vector<16xf32>
        %get3A_299 = arith.index_cast %select_n3A_294 : i32 to index
        %get3A_300 = arith.index_cast %mul3A_270 : i32 to index
        %get3A_301 = tpu.vector_load %arg8[%get3A_299, %get3A_300] {strides = array<i32>} : memref<16x128xf32, #tpu.memory_space<vmem>>, vector<1x16xf32>,
        %get3A_302 = vector.shape_cast %get3A_301 : vector<1x16xf32> to vector<16xf32>
        %add3A_303 = arith.addf %get3A_298, %get3A_302 : vector<16xf32>
        %swap3A_304 = arith.index_cast %select_n3A_294 : i32 to index
        %swap3A_305 = arith.index_cast %mul3A_270 : i32 to index
        %swap3A_306 = tpu.vector_load %arg7[%swap3A_304, %swap3A_305] {strides = array<i32>} : memref<16x128xf32, #tpu.memory_space<vmem>>, vector<1x16xf32>,
        %swap3A_307 = vector.shape_cast %swap3A_306 : vector<1x16xf32> to vector<16xf32>
        %swap3A_308 = vector.shape_cast %add3A_303 : vector<16xf32> to vector<1x16xf32>
        tpu.vector_store %arg7[%swap3A_304, %swap3A_305], %swap3A_308 {strides = array<i32>} : memref<16x128xf32, #tpu.memory_space<vmem>>, vector<1x16xf32>,
        %scan3A_309 = arith.constant 0 : i32
        scf.yield %scan3A_309 : i32
      }
      %scan3A_106 = arith.constant 128 : i32
      %add3A_107 = arith.constant 6 : i32
      %add3A_108 = arith.addi %arg1, %add3A_107 : i32
      "tpu.region"() ({
        %run_scoped3A = tpu.sem_alloc : memref<!tpu.dma_semaphore, #tpu.memory_space<semaphore_mem>>
        %dma_start3A = arith.constant 0 : i32
        %dma_start3A_132 = arith.constant 0 : i32
        %dma_start3A_133 = tpu.memref_slice %arg9[%add3A_108, %dma_start3A, %dma_start3A_132] : memref<16x16x128xf32, #tpu.memory_space<vmem_shared>> -> memref<1x16x128xf32, #tpu.memory_space<vmem_shared>>
        %dma_start3A_134 = tpu.memref_squeeze %dma_start3A_133 : memref<1x16x128xf32, #tpu.memory_space<vmem_shared>> -> memref<16x128xf32, #tpu.memory_space<vmem_shared>>
        %dma_start3A_135 = arith.constant 0 : i32
        %dma_start3A_136 = arith.constant 0 : i32
        %dma_start3A_137 = tpu.memref_slice %arg9[%add3A_108, %dma_start3A_135, %dma_start3A_136] : memref<16x16x128xf32, #tpu.memory_space<vmem_shared>> -> memref<1x16x128xf32, #tpu.memory_space<vmem_shared>>
        %dma_start3A_138 = tpu.memref_squeeze %dma_start3A_137 : memref<1x16x128xf32, #tpu.memory_space<vmem_shared>> -> memref<16x128xf32, #tpu.memory_space<vmem_shared>>
        tpu.enqueue_dma source(%dma_start3A_138 : memref<16x128xf32, #tpu.memory_space<vmem_shared>>) target(%arg8 : memref<16x128xf32, #tpu.memory_space<vmem>>) target_semaphore(%run_scoped3A : memref<!tpu.dma_semaphore, #tpu.memory_space<semaphore_mem>>)
        %dma_wait3A = arith.constant 0 : i32
        %dma_wait3A_139 = arith.constant 0 : i32
        %dma_wait3A_140 = tpu.memref_slice %arg9[%add3A_108, %dma_wait3A, %dma_wait3A_139] : memref<16x16x128xf32, #tpu.memory_space<vmem_shared>> -> memref<1x16x128xf32, #tpu.memory_space<vmem_shared>>
        %dma_wait3A_141 = tpu.memref_squeeze %dma_wait3A_140 : memref<1x16x128xf32, #tpu.memory_space<vmem_shared>> -> memref<16x128xf32, #tpu.memory_space<vmem_shared>>
        %dma_wait3A_142 = arith.constant 0 : i32
        %dma_wait3A_143 = arith.constant 0 : i32
        %dma_wait3A_144 = tpu.memref_slice %arg9[%add3A_108, %dma_wait3A_142, %dma_wait3A_143] : memref<16x16x128xf32, #tpu.memory_space<vmem_shared>> -> memref<1x16x128xf32, #tpu.memory_space<vmem_shared>>
        %dma_wait3A_145 = tpu.memref_squeeze %dma_wait3A_144 : memref<1x16x128xf32, #tpu.memory_space<vmem_shared>> -> memref<16x128xf32, #tpu.memory_space<vmem_shared>>
        tpu.wait_dma2 semaphore(%run_scoped3A : memref<!tpu.dma_semaphore, #tpu.memory_space<semaphore_mem>>) src(%dma_wait3A_145 : memref<16x128xf32, #tpu.memory_space<vmem_shared>>) dst(%arg8 : memref<16x128xf32, #tpu.memory_space<vmem>>)
        tpu.yield
      }) : () -> ()
      %scan3A_109 = arith.constant 0 : i32
      %scan3A_110 = arith.constant 0 : i32
      %scan3A_111 = arith.constant 128 : i32
      %scan3A_112 = arith.addi %scan3A_110, %scan3A_111 : i32
      %scan3A_113 = arith.constant 4 : i32
      %scan3A_114 = scf.for %scan3A_132 = %scan3A_110 to %scan3A_112 step %scan3A_113 iter_args(%scan3A_133 = %scan3A_109) -> (i32)  : i32 {
        %rem3A_134 = arith.constant 8 : i32
        %rem3A_135 = arith.remsi %scan3A_132, %rem3A_134 : i32
        %mul3A_136 = arith.constant 16 : i32
        %mul3A_137 = arith.muli %mul3A_136, %rem3A_135 : i32
        %jit3A_138 = arith.constant 8 : i32
        %div3A_139 = arith.divsi %scan3A_132, %jit3A_138 : i32
        %sign3A_140 = arith.constant 0 : i32
        %sign3A_141 = arith.cmpi sgt, %scan3A_132, %sign3A_140 : i32
        %sign3A_142 = arith.extui %sign3A_141 : i1 to i32
        %sign3A_143 = arith.constant 0 : i32
        %sign3A_144 = arith.cmpi slt, %scan3A_132, %sign3A_143 : i32
        %sign3A_145 = arith.extui %sign3A_144 : i1 to i32
        %sign3A_146 = arith.subi %sign3A_142, %sign3A_145 : i32
        %sign3A_147 = arith.constant 0 : i32
        %sign3A_148 = arith.cmpi sgt, %jit3A_138, %sign3A_147 : i32
        %sign3A_149 = arith.extui %sign3A_148 : i1 to i32
        %sign3A_150 = arith.constant 0 : i32
        %sign3A_151 = arith.cmpi slt, %jit3A_138, %sign3A_150 : i32
        %sign3A_152 = arith.extui %sign3A_151 : i1 to i32
        %sign3A_153 = arith.subi %sign3A_149, %sign3A_152 : i32
        %ne3A_154 = arith.cmpi ne, %sign3A_146, %sign3A_153 : i32
        %rem3A_155 = arith.remsi %scan3A_132, %jit3A_138 : i32
        %ne3A_156 = arith.constant 0 : i32
        %ne3A_157 = arith.cmpi ne, %rem3A_155, %ne3A_156 : i32
        %and3A_158 = arith.andi %ne3A_154, %ne3A_157 : i1
        %sub3A_159 = arith.constant 1 : i32
        %sub3A_160 = arith.subi %div3A_139, %sub3A_159 : i32
        %select_n3A_161 = arith.select %and3A_158, %sub3A_160, %div3A_139 : i32
        %get3A = arith.index_cast %select_n3A_161 : i32 to index
        %get3A_162 = arith.index_cast %mul3A_137 : i32 to index
        %get3A_163 = tpu.vector_load %arg7[%get3A, %get3A_162] {strides = array<i32>} : memref<16x128xf32, #tpu.memory_space<vmem>>, vector<1x16xf32>,
        %get3A_164 = vector.shape_cast %get3A_163 : vector<1x16xf32> to vector<16xf32>
        %get3A_165 = arith.index_cast %select_n3A_161 : i32 to index
        %get3A_166 = arith.index_cast %mul3A_137 : i32 to index
        %get3A_167 = tpu.vector_load %arg8[%get3A_165, %get3A_166] {strides = array<i32>} : memref<16x128xf32, #tpu.memory_space<vmem>>, vector<1x16xf32>,
        %get3A_168 = vector.shape_cast %get3A_167 : vector<1x16xf32> to vector<16xf32>
        %add3A_169 = arith.addf %get3A_164, %get3A_168 : vector<16xf32>
        %swap3A = arith.index_cast %select_n3A_161 : i32 to index
        %swap3A_170 = arith.index_cast %mul3A_137 : i32 to index
        %swap3A_171 = tpu.vector_load %arg7[%swap3A, %swap3A_170] {strides = array<i32>} : memref<16x128xf32, #tpu.memory_space<vmem>>, vector<1x16xf32>,
        %swap3A_172 = vector.shape_cast %swap3A_171 : vector<1x16xf32> to vector<16xf32>
        %swap3A_173 = vector.shape_cast %add3A_169 : vector<16xf32> to vector<1x16xf32>
        tpu.vector_store %arg7[%swap3A, %swap3A_170], %swap3A_173 {strides = array<i32>} : memref<16x128xf32, #tpu.memory_space<vmem>>, vector<1x16xf32>,
        %scan3A_174 = arith.constant 0 : i32
        %scan3A_175 = arith.constant 1 : i32
        %scan3A_176 = arith.addi %scan3A_132, %scan3A_175 : i32
        %rem3A_177 = arith.constant 8 : i32
        %rem3A_178 = arith.remsi %scan3A_176, %rem3A_177 : i32
        %mul3A_179 = arith.constant 16 : i32
        %mul3A_180 = arith.muli %mul3A_179, %rem3A_178 : i32
        %jit3A_181 = arith.constant 8 : i32
        %div3A_182 = arith.divsi %scan3A_176, %jit3A_181 : i32
        %sign3A_183 = arith.constant 0 : i32
        %sign3A_184 = arith.cmpi sgt, %scan3A_176, %sign3A_183 : i32
        %sign3A_185 = arith.extui %sign3A_184 : i1 to i32
        %sign3A_186 = arith.constant 0 : i32
        %sign3A_187 = arith.cmpi slt, %scan3A_176, %sign3A_186 : i32
        %sign3A_188 = arith.extui %sign3A_187 : i1 to i32
        %sign3A_189 = arith.subi %sign3A_185, %sign3A_188 : i32
        %sign3A_190 = arith.constant 0 : i32
        %sign3A_191 = arith.cmpi sgt, %jit3A_181, %sign3A_190 : i32
        %sign3A_192 = arith.extui %sign3A_191 : i1 to i32
        %sign3A_193 = arith.constant 0 : i32
        %sign3A_194 = arith.cmpi slt, %jit3A_181, %sign3A_193 : i32
        %sign3A_195 = arith.extui %sign3A_194 : i1 to i32
        %sign3A_196 = arith.subi %sign3A_192, %sign3A_195 : i32
        %ne3A_197 = arith.cmpi ne, %sign3A_189, %sign3A_196 : i32
        %rem3A_198 = arith.remsi %scan3A_176, %jit3A_181 : i32
        %ne3A_199 = arith.constant 0 : i32
        %ne3A_200 = arith.cmpi ne, %rem3A_198, %ne3A_199 : i32
        %and3A_201 = arith.andi %ne3A_197, %ne3A_200 : i1
        %sub3A_202 = arith.constant 1 : i32
        %sub3A_203 = arith.subi %div3A_182, %sub3A_202 : i32
        %select_n3A_204 = arith.select %and3A_201, %sub3A_203, %div3A_182 : i32
        %get3A_205 = arith.index_cast %select_n3A_204 : i32 to index
        %get3A_206 = arith.index_cast %mul3A_180 : i32 to index
        %get3A_207 = tpu.vector_load %arg7[%get3A_205, %get3A_206] {strides = array<i32>} : memref<16x128xf32, #tpu.memory_space<vmem>>, vector<1x16xf32>,
        %get3A_208 = vector.shape_cast %get3A_207 : vector<1x16xf32> to vector<16xf32>
        %get3A_209 = arith.index_cast %select_n3A_204 : i32 to index
        %get3A_210 = arith.index_cast %mul3A_180 : i32 to index
        %get3A_211 = tpu.vector_load %arg8[%get3A_209, %get3A_210] {strides = array<i32>} : memref<16x128xf32, #tpu.memory_space<vmem>>, vector<1x16xf32>,
        %get3A_212 = vector.shape_cast %get3A_211 : vector<1x16xf32> to vector<16xf32>
        %add3A_213 = arith.addf %get3A_208, %get3A_212 : vector<16xf32>
        %swap3A_214 = arith.index_cast %select_n3A_204 : i32 to index
        %swap3A_215 = arith.index_cast %mul3A_180 : i32 to index
        %swap3A_216 = tpu.vector_load %arg7[%swap3A_214, %swap3A_215] {strides = array<i32>} : memref<16x128xf32, #tpu.memory_space<vmem>>, vector<1x16xf32>,
        %swap3A_217 = vector.shape_cast %swap3A_216 : vector<1x16xf32> to vector<16xf32>
        %swap3A_218 = vector.shape_cast %add3A_213 : vector<16xf32> to vector<1x16xf32>
        tpu.vector_store %arg7[%swap3A_214, %swap3A_215], %swap3A_218 {strides = array<i32>} : memref<16x128xf32, #tpu.memory_space<vmem>>, vector<1x16xf32>,
        %scan3A_219 = arith.constant 0 : i32
        %scan3A_220 = arith.constant 2 : i32
        %scan3A_221 = arith.addi %scan3A_132, %scan3A_220 : i32
        %rem3A_222 = arith.constant 8 : i32
        %rem3A_223 = arith.remsi %scan3A_221, %rem3A_222 : i32
        %mul3A_224 = arith.constant 16 : i32
        %mul3A_225 = arith.muli %mul3A_224, %rem3A_223 : i32
        %jit3A_226 = arith.constant 8 : i32
        %div3A_227 = arith.divsi %scan3A_221, %jit3A_226 : i32
        %sign3A_228 = arith.constant 0 : i32
        %sign3A_229 = arith.cmpi sgt, %scan3A_221, %sign3A_228 : i32
        %sign3A_230 = arith.extui %sign3A_229 : i1 to i32
        %sign3A_231 = arith.constant 0 : i32
        %sign3A_232 = arith.cmpi slt, %scan3A_221, %sign3A_231 : i32
        %sign3A_233 = arith.extui %sign3A_232 : i1 to i32
        %sign3A_234 = arith.subi %sign3A_230, %sign3A_233 : i32
        %sign3A_235 = arith.constant 0 : i32
        %sign3A_236 = arith.cmpi sgt, %jit3A_226, %sign3A_235 : i32
        %sign3A_237 = arith.extui %sign3A_236 : i1 to i32
        %sign3A_238 = arith.constant 0 : i32
        %sign3A_239 = arith.cmpi slt, %jit3A_226, %sign3A_238 : i32
        %sign3A_240 = arith.extui %sign3A_239 : i1 to i32
        %sign3A_241 = arith.subi %sign3A_237, %sign3A_240 : i32
        %ne3A_242 = arith.cmpi ne, %sign3A_234, %sign3A_241 : i32
        %rem3A_243 = arith.remsi %scan3A_221, %jit3A_226 : i32
        %ne3A_244 = arith.constant 0 : i32
        %ne3A_245 = arith.cmpi ne, %rem3A_243, %ne3A_244 : i32
        %and3A_246 = arith.andi %ne3A_242, %ne3A_245 : i1
        %sub3A_247 = arith.constant 1 : i32
        %sub3A_248 = arith.subi %div3A_227, %sub3A_247 : i32
        %select_n3A_249 = arith.select %and3A_246, %sub3A_248, %div3A_227 : i32
        %get3A_250 = arith.index_cast %select_n3A_249 : i32 to index
        %get3A_251 = arith.index_cast %mul3A_225 : i32 to index
        %get3A_252 = tpu.vector_load %arg7[%get3A_250, %get3A_251] {strides = array<i32>} : memref<16x128xf32, #tpu.memory_space<vmem>>, vector<1x16xf32>,
        %get3A_253 = vector.shape_cast %get3A_252 : vector<1x16xf32> to vector<16xf32>
        %get3A_254 = arith.index_cast %select_n3A_249 : i32 to index
        %get3A_255 = arith.index_cast %mul3A_225 : i32 to index
        %get3A_256 = tpu.vector_load %arg8[%get3A_254, %get3A_255] {strides = array<i32>} : memref<16x128xf32, #tpu.memory_space<vmem>>, vector<1x16xf32>,
        %get3A_257 = vector.shape_cast %get3A_256 : vector<1x16xf32> to vector<16xf32>
        %add3A_258 = arith.addf %get3A_253, %get3A_257 : vector<16xf32>
        %swap3A_259 = arith.index_cast %select_n3A_249 : i32 to index
        %swap3A_260 = arith.index_cast %mul3A_225 : i32 to index
        %swap3A_261 = tpu.vector_load %arg7[%swap3A_259, %swap3A_260] {strides = array<i32>} : memref<16x128xf32, #tpu.memory_space<vmem>>, vector<1x16xf32>,
        %swap3A_262 = vector.shape_cast %swap3A_261 : vector<1x16xf32> to vector<16xf32>
        %swap3A_263 = vector.shape_cast %add3A_258 : vector<16xf32> to vector<1x16xf32>
        tpu.vector_store %arg7[%swap3A_259, %swap3A_260], %swap3A_263 {strides = array<i32>} : memref<16x128xf32, #tpu.memory_space<vmem>>, vector<1x16xf32>,
        %scan3A_264 = arith.constant 0 : i32
        %scan3A_265 = arith.constant 3 : i32
        %scan3A_266 = arith.addi %scan3A_132, %scan3A_265 : i32
        %rem3A_267 = arith.constant 8 : i32
        %rem3A_268 = arith.remsi %scan3A_266, %rem3A_267 : i32
        %mul3A_269 = arith.constant 16 : i32
        %mul3A_270 = arith.muli %mul3A_269, %rem3A_268 : i32
        %jit3A_271 = arith.constant 8 : i32
        %div3A_272 = arith.divsi %scan3A_266, %jit3A_271 : i32
        %sign3A_273 = arith.constant 0 : i32
        %sign3A_274 = arith.cmpi sgt, %scan3A_266, %sign3A_273 : i32
        %sign3A_275 = arith.extui %sign3A_274 : i1 to i32
        %sign3A_276 = arith.constant 0 : i32
        %sign3A_277 = arith.cmpi slt, %scan3A_266, %sign3A_276 : i32
        %sign3A_278 = arith.extui %sign3A_277 : i1 to i32
        %sign3A_279 = arith.subi %sign3A_275, %sign3A_278 : i32
        %sign3A_280 = arith.constant 0 : i32
        %sign3A_281 = arith.cmpi sgt, %jit3A_271, %sign3A_280 : i32
        %sign3A_282 = arith.extui %sign3A_281 : i1 to i32
        %sign3A_283 = arith.constant 0 : i32
        %sign3A_284 = arith.cmpi slt, %jit3A_271, %sign3A_283 : i32
        %sign3A_285 = arith.extui %sign3A_284 : i1 to i32
        %sign3A_286 = arith.subi %sign3A_282, %sign3A_285 : i32
        %ne3A_287 = arith.cmpi ne, %sign3A_279, %sign3A_286 : i32
        %rem3A_288 = arith.remsi %scan3A_266, %jit3A_271 : i32
        %ne3A_289 = arith.constant 0 : i32
        %ne3A_290 = arith.cmpi ne, %rem3A_288, %ne3A_289 : i32
        %and3A_291 = arith.andi %ne3A_287, %ne3A_290 : i1
        %sub3A_292 = arith.constant 1 : i32
        %sub3A_293 = arith.subi %div3A_272, %sub3A_292 : i32
        %select_n3A_294 = arith.select %and3A_291, %sub3A_293, %div3A_272 : i32
        %get3A_295 = arith.index_cast %select_n3A_294 : i32 to index
        %get3A_296 = arith.index_cast %mul3A_270 : i32 to index
        %get3A_297 = tpu.vector_load %arg7[%get3A_295, %get3A_296] {strides = array<i32>} : memref<16x128xf32, #tpu.memory_space<vmem>>, vector<1x16xf32>,
        %get3A_298 = vector.shape_cast %get3A_297 : vector<1x16xf32> to vector<16xf32>
        %get3A_299 = arith.index_cast %select_n3A_294 : i32 to index
        %get3A_300 = arith.index_cast %mul3A_270 : i32 to index
        %get3A_301 = tpu.vector_load %arg8[%get3A_299, %get3A_300] {strides = array<i32>} : memref<16x128xf32, #tpu.memory_space<vmem>>, vector<1x16xf32>,
        %get3A_302 = vector.shape_cast %get3A_301 : vector<1x16xf32> to vector<16xf32>
        %add3A_303 = arith.addf %get3A_298, %get3A_302 : vector<16xf32>
        %swap3A_304 = arith.index_cast %select_n3A_294 : i32 to index
        %swap3A_305 = arith.index_cast %mul3A_270 : i32 to index
        %swap3A_306 = tpu.vector_load %arg7[%swap3A_304, %swap3A_305] {strides = array<i32>} : memref<16x128xf32, #tpu.memory_space<vmem>>, vector<1x16xf32>,
        %swap3A_307 = vector.shape_cast %swap3A_306 : vector<1x16xf32> to vector<16xf32>
        %swap3A_308 = vector.shape_cast %add3A_303 : vector<16xf32> to vector<1x16xf32>
        tpu.vector_store %arg7[%swap3A_304, %swap3A_305], %swap3A_308 {strides = array<i32>} : memref<16x128xf32, #tpu.memory_space<vmem>>, vector<1x16xf32>,
        %scan3A_309 = arith.constant 0 : i32
        scf.yield %scan3A_309 : i32
      }
      %scan3A_115 = arith.constant 128 : i32
      %add3A_116 = arith.constant 7 : i32
      %add3A_117 = arith.addi %arg1, %add3A_116 : i32
      "tpu.region"() ({
        %run_scoped3A = tpu.sem_alloc : memref<!tpu.dma_semaphore, #tpu.memory_space<semaphore_mem>>
        %dma_start3A = arith.constant 0 : i32
        %dma_start3A_132 = arith.constant 0 : i32
        %dma_start3A_133 = tpu.memref_slice %arg9[%add3A_117, %dma_start3A, %dma_start3A_132] : memref<16x16x128xf32, #tpu.memory_space<vmem_shared>> -> memref<1x16x128xf32, #tpu.memory_space<vmem_shared>>
        %dma_start3A_134 = tpu.memref_squeeze %dma_start3A_133 : memref<1x16x128xf32, #tpu.memory_space<vmem_shared>> -> memref<16x128xf32, #tpu.memory_space<vmem_shared>>
        %dma_start3A_135 = arith.constant 0 : i32
        %dma_start3A_136 = arith.constant 0 : i32
        %dma_start3A_137 = tpu.memref_slice %arg9[%add3A_117, %dma_start3A_135, %dma_start3A_136] : memref<16x16x128xf32, #tpu.memory_space<vmem_shared>> -> memref<1x16x128xf32, #tpu.memory_space<vmem_shared>>
        %dma_start3A_138 = tpu.memref_squeeze %dma_start3A_137 : memref<1x16x128xf32, #tpu.memory_space<vmem_shared>> -> memref<16x128xf32, #tpu.memory_space<vmem_shared>>
        tpu.enqueue_dma source(%dma_start3A_138 : memref<16x128xf32, #tpu.memory_space<vmem_shared>>) target(%arg8 : memref<16x128xf32, #tpu.memory_space<vmem>>) target_semaphore(%run_scoped3A : memref<!tpu.dma_semaphore, #tpu.memory_space<semaphore_mem>>)
        %dma_wait3A = arith.constant 0 : i32
        %dma_wait3A_139 = arith.constant 0 : i32
        %dma_wait3A_140 = tpu.memref_slice %arg9[%add3A_117, %dma_wait3A, %dma_wait3A_139] : memref<16x16x128xf32, #tpu.memory_space<vmem_shared>> -> memref<1x16x128xf32, #tpu.memory_space<vmem_shared>>
        %dma_wait3A_141 = tpu.memref_squeeze %dma_wait3A_140 : memref<1x16x128xf32, #tpu.memory_space<vmem_shared>> -> memref<16x128xf32, #tpu.memory_space<vmem_shared>>
        %dma_wait3A_142 = arith.constant 0 : i32
        %dma_wait3A_143 = arith.constant 0 : i32
        %dma_wait3A_144 = tpu.memref_slice %arg9[%add3A_117, %dma_wait3A_142, %dma_wait3A_143] : memref<16x16x128xf32, #tpu.memory_space<vmem_shared>> -> memref<1x16x128xf32, #tpu.memory_space<vmem_shared>>
        %dma_wait3A_145 = tpu.memref_squeeze %dma_wait3A_144 : memref<1x16x128xf32, #tpu.memory_space<vmem_shared>> -> memref<16x128xf32, #tpu.memory_space<vmem_shared>>
        tpu.wait_dma2 semaphore(%run_scoped3A : memref<!tpu.dma_semaphore, #tpu.memory_space<semaphore_mem>>) src(%dma_wait3A_145 : memref<16x128xf32, #tpu.memory_space<vmem_shared>>) dst(%arg8 : memref<16x128xf32, #tpu.memory_space<vmem>>)
        tpu.yield
      }) : () -> ()
      %scan3A_118 = arith.constant 0 : i32
      %scan3A_119 = arith.constant 0 : i32
      %scan3A_120 = arith.constant 128 : i32
      %scan3A_121 = arith.addi %scan3A_119, %scan3A_120 : i32
      %scan3A_122 = arith.constant 4 : i32
      %scan3A_123 = scf.for %scan3A_132 = %scan3A_119 to %scan3A_121 step %scan3A_122 iter_args(%scan3A_133 = %scan3A_118) -> (i32)  : i32 {
        %rem3A_134 = arith.constant 8 : i32
        %rem3A_135 = arith.remsi %scan3A_132, %rem3A_134 : i32
        %mul3A_136 = arith.constant 16 : i32
        %mul3A_137 = arith.muli %mul3A_136, %rem3A_135 : i32
        %jit3A_138 = arith.constant 8 : i32
        %div3A_139 = arith.divsi %scan3A_132, %jit3A_138 : i32
        %sign3A_140 = arith.constant 0 : i32
        %sign3A_141 = arith.cmpi sgt, %scan3A_132, %sign3A_140 : i32
        %sign3A_142 = arith.extui %sign3A_141 : i1 to i32
        %sign3A_143 = arith.constant 0 : i32
        %sign3A_144 = arith.cmpi slt, %scan3A_132, %sign3A_143 : i32
        %sign3A_145 = arith.extui %sign3A_144 : i1 to i32
        %sign3A_146 = arith.subi %sign3A_142, %sign3A_145 : i32
        %sign3A_147 = arith.constant 0 : i32
        %sign3A_148 = arith.cmpi sgt, %jit3A_138, %sign3A_147 : i32
        %sign3A_149 = arith.extui %sign3A_148 : i1 to i32
        %sign3A_150 = arith.constant 0 : i32
        %sign3A_151 = arith.cmpi slt, %jit3A_138, %sign3A_150 : i32
        %sign3A_152 = arith.extui %sign3A_151 : i1 to i32
        %sign3A_153 = arith.subi %sign3A_149, %sign3A_152 : i32
        %ne3A_154 = arith.cmpi ne, %sign3A_146, %sign3A_153 : i32
        %rem3A_155 = arith.remsi %scan3A_132, %jit3A_138 : i32
        %ne3A_156 = arith.constant 0 : i32
        %ne3A_157 = arith.cmpi ne, %rem3A_155, %ne3A_156 : i32
        %and3A_158 = arith.andi %ne3A_154, %ne3A_157 : i1
        %sub3A_159 = arith.constant 1 : i32
        %sub3A_160 = arith.subi %div3A_139, %sub3A_159 : i32
        %select_n3A_161 = arith.select %and3A_158, %sub3A_160, %div3A_139 : i32
        %get3A = arith.index_cast %select_n3A_161 : i32 to index
        %get3A_162 = arith.index_cast %mul3A_137 : i32 to index
        %get3A_163 = tpu.vector_load %arg7[%get3A, %get3A_162] {strides = array<i32>} : memref<16x128xf32, #tpu.memory_space<vmem>>, vector<1x16xf32>,
        %get3A_164 = vector.shape_cast %get3A_163 : vector<1x16xf32> to vector<16xf32>
        %get3A_165 = arith.index_cast %select_n3A_161 : i32 to index
        %get3A_166 = arith.index_cast %mul3A_137 : i32 to index
        %get3A_167 = tpu.vector_load %arg8[%get3A_165, %get3A_166] {strides = array<i32>} : memref<16x128xf32, #tpu.memory_space<vmem>>, vector<1x16xf32>,
        %get3A_168 = vector.shape_cast %get3A_167 : vector<1x16xf32> to vector<16xf32>
        %add3A_169 = arith.addf %get3A_164, %get3A_168 : vector<16xf32>
        %swap3A = arith.index_cast %select_n3A_161 : i32 to index
        %swap3A_170 = arith.index_cast %mul3A_137 : i32 to index
        %swap3A_171 = tpu.vector_load %arg7[%swap3A, %swap3A_170] {strides = array<i32>} : memref<16x128xf32, #tpu.memory_space<vmem>>, vector<1x16xf32>,
        %swap3A_172 = vector.shape_cast %swap3A_171 : vector<1x16xf32> to vector<16xf32>
        %swap3A_173 = vector.shape_cast %add3A_169 : vector<16xf32> to vector<1x16xf32>
        tpu.vector_store %arg7[%swap3A, %swap3A_170], %swap3A_173 {strides = array<i32>} : memref<16x128xf32, #tpu.memory_space<vmem>>, vector<1x16xf32>,
        %scan3A_174 = arith.constant 0 : i32
        %scan3A_175 = arith.constant 1 : i32
        %scan3A_176 = arith.addi %scan3A_132, %scan3A_175 : i32
        %rem3A_177 = arith.constant 8 : i32
        %rem3A_178 = arith.remsi %scan3A_176, %rem3A_177 : i32
        %mul3A_179 = arith.constant 16 : i32
        %mul3A_180 = arith.muli %mul3A_179, %rem3A_178 : i32
        %jit3A_181 = arith.constant 8 : i32
        %div3A_182 = arith.divsi %scan3A_176, %jit3A_181 : i32
        %sign3A_183 = arith.constant 0 : i32
        %sign3A_184 = arith.cmpi sgt, %scan3A_176, %sign3A_183 : i32
        %sign3A_185 = arith.extui %sign3A_184 : i1 to i32
        %sign3A_186 = arith.constant 0 : i32
        %sign3A_187 = arith.cmpi slt, %scan3A_176, %sign3A_186 : i32
        %sign3A_188 = arith.extui %sign3A_187 : i1 to i32
        %sign3A_189 = arith.subi %sign3A_185, %sign3A_188 : i32
        %sign3A_190 = arith.constant 0 : i32
        %sign3A_191 = arith.cmpi sgt, %jit3A_181, %sign3A_190 : i32
        %sign3A_192 = arith.extui %sign3A_191 : i1 to i32
        %sign3A_193 = arith.constant 0 : i32
        %sign3A_194 = arith.cmpi slt, %jit3A_181, %sign3A_193 : i32
        %sign3A_195 = arith.extui %sign3A_194 : i1 to i32
        %sign3A_196 = arith.subi %sign3A_192, %sign3A_195 : i32
        %ne3A_197 = arith.cmpi ne, %sign3A_189, %sign3A_196 : i32
        %rem3A_198 = arith.remsi %scan3A_176, %jit3A_181 : i32
        %ne3A_199 = arith.constant 0 : i32
        %ne3A_200 = arith.cmpi ne, %rem3A_198, %ne3A_199 : i32
        %and3A_201 = arith.andi %ne3A_197, %ne3A_200 : i1
        %sub3A_202 = arith.constant 1 : i32
        %sub3A_203 = arith.subi %div3A_182, %sub3A_202 : i32
        %select_n3A_204 = arith.select %and3A_201, %sub3A_203, %div3A_182 : i32
        %get3A_205 = arith.index_cast %select_n3A_204 : i32 to index
        %get3A_206 = arith.index_cast %mul3A_180 : i32 to index
        %get3A_207 = tpu.vector_load %arg7[%get3A_205, %get3A_206] {strides = array<i32>} : memref<16x128xf32, #tpu.memory_space<vmem>>, vector<1x16xf32>,
        %get3A_208 = vector.shape_cast %get3A_207 : vector<1x16xf32> to vector<16xf32>
        %get3A_209 = arith.index_cast %select_n3A_204 : i32 to index
        %get3A_210 = arith.index_cast %mul3A_180 : i32 to index
        %get3A_211 = tpu.vector_load %arg8[%get3A_209, %get3A_210] {strides = array<i32>} : memref<16x128xf32, #tpu.memory_space<vmem>>, vector<1x16xf32>,
        %get3A_212 = vector.shape_cast %get3A_211 : vector<1x16xf32> to vector<16xf32>
        %add3A_213 = arith.addf %get3A_208, %get3A_212 : vector<16xf32>
        %swap3A_214 = arith.index_cast %select_n3A_204 : i32 to index
        %swap3A_215 = arith.index_cast %mul3A_180 : i32 to index
        %swap3A_216 = tpu.vector_load %arg7[%swap3A_214, %swap3A_215] {strides = array<i32>} : memref<16x128xf32, #tpu.memory_space<vmem>>, vector<1x16xf32>,
        %swap3A_217 = vector.shape_cast %swap3A_216 : vector<1x16xf32> to vector<16xf32>
        %swap3A_218 = vector.shape_cast %add3A_213 : vector<16xf32> to vector<1x16xf32>
        tpu.vector_store %arg7[%swap3A_214, %swap3A_215], %swap3A_218 {strides = array<i32>} : memref<16x128xf32, #tpu.memory_space<vmem>>, vector<1x16xf32>,
        %scan3A_219 = arith.constant 0 : i32
        %scan3A_220 = arith.constant 2 : i32
        %scan3A_221 = arith.addi %scan3A_132, %scan3A_220 : i32
        %rem3A_222 = arith.constant 8 : i32
        %rem3A_223 = arith.remsi %scan3A_221, %rem3A_222 : i32
        %mul3A_224 = arith.constant 16 : i32
        %mul3A_225 = arith.muli %mul3A_224, %rem3A_223 : i32
        %jit3A_226 = arith.constant 8 : i32
        %div3A_227 = arith.divsi %scan3A_221, %jit3A_226 : i32
        %sign3A_228 = arith.constant 0 : i32
        %sign3A_229 = arith.cmpi sgt, %scan3A_221, %sign3A_228 : i32
        %sign3A_230 = arith.extui %sign3A_229 : i1 to i32
        %sign3A_231 = arith.constant 0 : i32
        %sign3A_232 = arith.cmpi slt, %scan3A_221, %sign3A_231 : i32
        %sign3A_233 = arith.extui %sign3A_232 : i1 to i32
        %sign3A_234 = arith.subi %sign3A_230, %sign3A_233 : i32
        %sign3A_235 = arith.constant 0 : i32
        %sign3A_236 = arith.cmpi sgt, %jit3A_226, %sign3A_235 : i32
        %sign3A_237 = arith.extui %sign3A_236 : i1 to i32
        %sign3A_238 = arith.constant 0 : i32
        %sign3A_239 = arith.cmpi slt, %jit3A_226, %sign3A_238 : i32
        %sign3A_240 = arith.extui %sign3A_239 : i1 to i32
        %sign3A_241 = arith.subi %sign3A_237, %sign3A_240 : i32
        %ne3A_242 = arith.cmpi ne, %sign3A_234, %sign3A_241 : i32
        %rem3A_243 = arith.remsi %scan3A_221, %jit3A_226 : i32
        %ne3A_244 = arith.constant 0 : i32
        %ne3A_245 = arith.cmpi ne, %rem3A_243, %ne3A_244 : i32
        %and3A_246 = arith.andi %ne3A_242, %ne3A_245 : i1
        %sub3A_247 = arith.constant 1 : i32
        %sub3A_248 = arith.subi %div3A_227, %sub3A_247 : i32
        %select_n3A_249 = arith.select %and3A_246, %sub3A_248, %div3A_227 : i32
        %get3A_250 = arith.index_cast %select_n3A_249 : i32 to index
        %get3A_251 = arith.index_cast %mul3A_225 : i32 to index
        %get3A_252 = tpu.vector_load %arg7[%get3A_250, %get3A_251] {strides = array<i32>} : memref<16x128xf32, #tpu.memory_space<vmem>>, vector<1x16xf32>,
        %get3A_253 = vector.shape_cast %get3A_252 : vector<1x16xf32> to vector<16xf32>
        %get3A_254 = arith.index_cast %select_n3A_249 : i32 to index
        %get3A_255 = arith.index_cast %mul3A_225 : i32 to index
        %get3A_256 = tpu.vector_load %arg8[%get3A_254, %get3A_255] {strides = array<i32>} : memref<16x128xf32, #tpu.memory_space<vmem>>, vector<1x16xf32>,
        %get3A_257 = vector.shape_cast %get3A_256 : vector<1x16xf32> to vector<16xf32>
        %add3A_258 = arith.addf %get3A_253, %get3A_257 : vector<16xf32>
        %swap3A_259 = arith.index_cast %select_n3A_249 : i32 to index
        %swap3A_260 = arith.index_cast %mul3A_225 : i32 to index
        %swap3A_261 = tpu.vector_load %arg7[%swap3A_259, %swap3A_260] {strides = array<i32>} : memref<16x128xf32, #tpu.memory_space<vmem>>, vector<1x16xf32>,
        %swap3A_262 = vector.shape_cast %swap3A_261 : vector<1x16xf32> to vector<16xf32>
        %swap3A_263 = vector.shape_cast %add3A_258 : vector<16xf32> to vector<1x16xf32>
        tpu.vector_store %arg7[%swap3A_259, %swap3A_260], %swap3A_263 {strides = array<i32>} : memref<16x128xf32, #tpu.memory_space<vmem>>, vector<1x16xf32>,
        %scan3A_264 = arith.constant 0 : i32
        %scan3A_265 = arith.constant 3 : i32
        %scan3A_266 = arith.addi %scan3A_132, %scan3A_265 : i32
        %rem3A_267 = arith.constant 8 : i32
        %rem3A_268 = arith.remsi %scan3A_266, %rem3A_267 : i32
        %mul3A_269 = arith.constant 16 : i32
        %mul3A_270 = arith.muli %mul3A_269, %rem3A_268 : i32
        %jit3A_271 = arith.constant 8 : i32
        %div3A_272 = arith.divsi %scan3A_266, %jit3A_271 : i32
        %sign3A_273 = arith.constant 0 : i32
        %sign3A_274 = arith.cmpi sgt, %scan3A_266, %sign3A_273 : i32
        %sign3A_275 = arith.extui %sign3A_274 : i1 to i32
        %sign3A_276 = arith.constant 0 : i32
        %sign3A_277 = arith.cmpi slt, %scan3A_266, %sign3A_276 : i32
        %sign3A_278 = arith.extui %sign3A_277 : i1 to i32
        %sign3A_279 = arith.subi %sign3A_275, %sign3A_278 : i32
        %sign3A_280 = arith.constant 0 : i32
        %sign3A_281 = arith.cmpi sgt, %jit3A_271, %sign3A_280 : i32
        %sign3A_282 = arith.extui %sign3A_281 : i1 to i32
        %sign3A_283 = arith.constant 0 : i32
        %sign3A_284 = arith.cmpi slt, %jit3A_271, %sign3A_283 : i32
        %sign3A_285 = arith.extui %sign3A_284 : i1 to i32
        %sign3A_286 = arith.subi %sign3A_282, %sign3A_285 : i32
        %ne3A_287 = arith.cmpi ne, %sign3A_279, %sign3A_286 : i32
        %rem3A_288 = arith.remsi %scan3A_266, %jit3A_271 : i32
        %ne3A_289 = arith.constant 0 : i32
        %ne3A_290 = arith.cmpi ne, %rem3A_288, %ne3A_289 : i32
        %and3A_291 = arith.andi %ne3A_287, %ne3A_290 : i1
        %sub3A_292 = arith.constant 1 : i32
        %sub3A_293 = arith.subi %div3A_272, %sub3A_292 : i32
        %select_n3A_294 = arith.select %and3A_291, %sub3A_293, %div3A_272 : i32
        %get3A_295 = arith.index_cast %select_n3A_294 : i32 to index
        %get3A_296 = arith.index_cast %mul3A_270 : i32 to index
        %get3A_297 = tpu.vector_load %arg7[%get3A_295, %get3A_296] {strides = array<i32>} : memref<16x128xf32, #tpu.memory_space<vmem>>, vector<1x16xf32>,
        %get3A_298 = vector.shape_cast %get3A_297 : vector<1x16xf32> to vector<16xf32>
        %get3A_299 = arith.index_cast %select_n3A_294 : i32 to index
        %get3A_300 = arith.index_cast %mul3A_270 : i32 to index
        %get3A_301 = tpu.vector_load %arg8[%get3A_299, %get3A_300] {strides = array<i32>} : memref<16x128xf32, #tpu.memory_space<vmem>>, vector<1x16xf32>,
        %get3A_302 = vector.shape_cast %get3A_301 : vector<1x16xf32> to vector<16xf32>
        %add3A_303 = arith.addf %get3A_298, %get3A_302 : vector<16xf32>
        %swap3A_304 = arith.index_cast %select_n3A_294 : i32 to index
        %swap3A_305 = arith.index_cast %mul3A_270 : i32 to index
        %swap3A_306 = tpu.vector_load %arg7[%swap3A_304, %swap3A_305] {strides = array<i32>} : memref<16x128xf32, #tpu.memory_space<vmem>>, vector<1x16xf32>,
        %swap3A_307 = vector.shape_cast %swap3A_306 : vector<1x16xf32> to vector<16xf32>
        %swap3A_308 = vector.shape_cast %add3A_303 : vector<16xf32> to vector<1x16xf32>
        tpu.vector_store %arg7[%swap3A_304, %swap3A_305], %swap3A_308 {strides = array<i32>} : memref<16x128xf32, #tpu.memory_space<vmem>>, vector<1x16xf32>,
        %scan3A_309 = arith.constant 0 : i32
        scf.yield %scan3A_309 : i32
      }
      %scan3A_124 = arith.constant 128 : i32
      %scan3A_125 = arith.constant 0 : i32
      %scan3A_126 = arith.constant 0 : i32
      %scan3A_127 = arith.constant 16 : i32
      %scan3A_128 = arith.addi %scan3A_126, %scan3A_127 : i32
      %scan3A_129 = arith.constant 1 : i32
      %scan3A_130 = scf.for %scan3A_132 = %scan3A_126 to %scan3A_128 step %scan3A_129 iter_args(%scan3A_133 = %scan3A_125) -> (i32)  : i32 {
        %get3A = arith.index_cast %scan3A_132 : i32 to index
        %get3A_134 = tpu.vector_load %arg5[%get3A] {strides = array<i32>} : memref<32xi32, #tpu.memory_space<vmem>>, vector<16xi32>,
        %get3A_135 = vector.shape_cast %get3A_134 : vector<16xi32> to vector<16xi32>
        %slice3A = vector.extract_strided_slice %get3A_135 {offsets = [0], sizes = [1], strides = [1]} : vector<16xi32> to vector<1xi32>
        %squeeze3A = vector.extract %slice3A[0] : i32 from vector<1xi32>
        %convert_element_type3A_136 = arith.sitofp %squeeze3A : i32 to f32
        %broadcast_in_dim3A_137 = vector.broadcast %convert_element_type3A_136 : f32 to vector<16xf32>
        %get3A_138 = arith.index_cast %scan3A_132 : i32 to index
        %get3A_139 = arith.constant 0 : index
        %get3A_140 = tpu.vector_load %arg7[%get3A_138, %get3A_139] {strides = array<i32>} : memref<16x128xf32, #tpu.memory_space<vmem>>, vector<1x16xf32>,
        %get3A_141 = vector.shape_cast %get3A_140 : vector<1x16xf32> to vector<16xf32>
        %div3A_142 = arith.divf %get3A_141, %broadcast_in_dim3A_137 : vector<16xf32>
        %swap3A = arith.index_cast %scan3A_132 : i32 to index
        %swap3A_143 = arith.constant 0 : index
        %swap3A_144 = tpu.vector_load %arg7[%swap3A, %swap3A_143] {strides = array<i32>} : memref<16x128xf32, #tpu.memory_space<vmem>>, vector<1x16xf32>,
        %swap3A_145 = vector.shape_cast %swap3A_144 : vector<1x16xf32> to vector<16xf32>
        %swap3A_146 = vector.shape_cast %div3A_142 : vector<16xf32> to vector<1x16xf32>
        tpu.vector_store %arg7[%swap3A, %swap3A_143], %swap3A_146 {strides = array<i32>} : memref<16x128xf32, #tpu.memory_space<vmem>>, vector<1x16xf32>,
        %get3A_147 = arith.index_cast %scan3A_132 : i32 to index
        %get3A_148 = arith.constant 16 : index
        %get3A_149 = tpu.vector_load %arg7[%get3A_147, %get3A_148] {strides = array<i32>} : memref<16x128xf32, #tpu.memory_space<vmem>>, vector<1x16xf32>,
        %get3A_150 = vector.shape_cast %get3A_149 : vector<1x16xf32> to vector<16xf32>
        %div3A_151 = arith.divf %get3A_150, %broadcast_in_dim3A_137 : vector<16xf32>
        %swap3A_152 = arith.index_cast %scan3A_132 : i32 to index
        %swap3A_153 = arith.constant 16 : index
        %swap3A_154 = tpu.vector_load %arg7[%swap3A_152, %swap3A_153] {strides = array<i32>} : memref<16x128xf32, #tpu.memory_space<vmem>>, vector<1x16xf32>,
        %swap3A_155 = vector.shape_cast %swap3A_154 : vector<1x16xf32> to vector<16xf32>
        %swap3A_156 = vector.shape_cast %div3A_151 : vector<16xf32> to vector<1x16xf32>
        tpu.vector_store %arg7[%swap3A_152, %swap3A_153], %swap3A_156 {strides = array<i32>} : memref<16x128xf32, #tpu.memory_space<vmem>>, vector<1x16xf32>,
        %get3A_157 = arith.index_cast %scan3A_132 : i32 to index
        %get3A_158 = arith.constant 32 : index
        %get3A_159 = tpu.vector_load %arg7[%get3A_157, %get3A_158] {strides = array<i32>} : memref<16x128xf32, #tpu.memory_space<vmem>>, vector<1x16xf32>,
        %get3A_160 = vector.shape_cast %get3A_159 : vector<1x16xf32> to vector<16xf32>
        %div3A_161 = arith.divf %get3A_160, %broadcast_in_dim3A_137 : vector<16xf32>
        %swap3A_162 = arith.index_cast %scan3A_132 : i32 to index
        %swap3A_163 = arith.constant 32 : index
        %swap3A_164 = tpu.vector_load %arg7[%swap3A_162, %swap3A_163] {strides = array<i32>} : memref<16x128xf32, #tpu.memory_space<vmem>>, vector<1x16xf32>,
        %swap3A_165 = vector.shape_cast %swap3A_164 : vector<1x16xf32> to vector<16xf32>
        %swap3A_166 = vector.shape_cast %div3A_161 : vector<16xf32> to vector<1x16xf32>
        tpu.vector_store %arg7[%swap3A_162, %swap3A_163], %swap3A_166 {strides = array<i32>} : memref<16x128xf32, #tpu.memory_space<vmem>>, vector<1x16xf32>,
        %get3A_167 = arith.index_cast %scan3A_132 : i32 to index
        %get3A_168 = arith.constant 48 : index
        %get3A_169 = tpu.vector_load %arg7[%get3A_167, %get3A_168] {strides = array<i32>} : memref<16x128xf32, #tpu.memory_space<vmem>>, vector<1x16xf32>,
        %get3A_170 = vector.shape_cast %get3A_169 : vector<1x16xf32> to vector<16xf32>
        %div3A_171 = arith.divf %get3A_170, %broadcast_in_dim3A_137 : vector<16xf32>
        %swap3A_172 = arith.index_cast %scan3A_132 : i32 to index
        %swap3A_173 = arith.constant 48 : index
        %swap3A_174 = tpu.vector_load %arg7[%swap3A_172, %swap3A_173] {strides = array<i32>} : memref<16x128xf32, #tpu.memory_space<vmem>>, vector<1x16xf32>,
        %swap3A_175 = vector.shape_cast %swap3A_174 : vector<1x16xf32> to vector<16xf32>
        %swap3A_176 = vector.shape_cast %div3A_171 : vector<16xf32> to vector<1x16xf32>
        tpu.vector_store %arg7[%swap3A_172, %swap3A_173], %swap3A_176 {strides = array<i32>} : memref<16x128xf32, #tpu.memory_space<vmem>>, vector<1x16xf32>,
        %get3A_177 = arith.index_cast %scan3A_132 : i32 to index
        %get3A_178 = arith.constant 64 : index
        %get3A_179 = tpu.vector_load %arg7[%get3A_177, %get3A_178] {strides = array<i32>} : memref<16x128xf32, #tpu.memory_space<vmem>>, vector<1x16xf32>,
        %get3A_180 = vector.shape_cast %get3A_179 : vector<1x16xf32> to vector<16xf32>
        %div3A_181 = arith.divf %get3A_180, %broadcast_in_dim3A_137 : vector<16xf32>
        %swap3A_182 = arith.index_cast %scan3A_132 : i32 to index
        %swap3A_183 = arith.constant 64 : index
        %swap3A_184 = tpu.vector_load %arg7[%swap3A_182, %swap3A_183] {strides = array<i32>} : memref<16x128xf32, #tpu.memory_space<vmem>>, vector<1x16xf32>,
        %swap3A_185 = vector.shape_cast %swap3A_184 : vector<1x16xf32> to vector<16xf32>
        %swap3A_186 = vector.shape_cast %div3A_181 : vector<16xf32> to vector<1x16xf32>
        tpu.vector_store %arg7[%swap3A_182, %swap3A_183], %swap3A_186 {strides = array<i32>} : memref<16x128xf32, #tpu.memory_space<vmem>>, vector<1x16xf32>,
        %get3A_187 = arith.index_cast %scan3A_132 : i32 to index
        %get3A_188 = arith.constant 80 : index
        %get3A_189 = tpu.vector_load %arg7[%get3A_187, %get3A_188] {strides = array<i32>} : memref<16x128xf32, #tpu.memory_space<vmem>>, vector<1x16xf32>,
        %get3A_190 = vector.shape_cast %get3A_189 : vector<1x16xf32> to vector<16xf32>
        %div3A_191 = arith.divf %get3A_190, %broadcast_in_dim3A_137 : vector<16xf32>
        %swap3A_192 = arith.index_cast %scan3A_132 : i32 to index
        %swap3A_193 = arith.constant 80 : index
        %swap3A_194 = tpu.vector_load %arg7[%swap3A_192, %swap3A_193] {strides = array<i32>} : memref<16x128xf32, #tpu.memory_space<vmem>>, vector<1x16xf32>,
        %swap3A_195 = vector.shape_cast %swap3A_194 : vector<1x16xf32> to vector<16xf32>
        %swap3A_196 = vector.shape_cast %div3A_191 : vector<16xf32> to vector<1x16xf32>
        tpu.vector_store %arg7[%swap3A_192, %swap3A_193], %swap3A_196 {strides = array<i32>} : memref<16x128xf32, #tpu.memory_space<vmem>>, vector<1x16xf32>,
        %get3A_197 = arith.index_cast %scan3A_132 : i32 to index
        %get3A_198 = arith.constant 96 : index
        %get3A_199 = tpu.vector_load %arg7[%get3A_197, %get3A_198] {strides = array<i32>} : memref<16x128xf32, #tpu.memory_space<vmem>>, vector<1x16xf32>,
        %get3A_200 = vector.shape_cast %get3A_199 : vector<1x16xf32> to vector<16xf32>
        %div3A_201 = arith.divf %get3A_200, %broadcast_in_dim3A_137 : vector<16xf32>
        %swap3A_202 = arith.index_cast %scan3A_132 : i32 to index
        %swap3A_203 = arith.constant 96 : index
        %swap3A_204 = tpu.vector_load %arg7[%swap3A_202, %swap3A_203] {strides = array<i32>} : memref<16x128xf32, #tpu.memory_space<vmem>>, vector<1x16xf32>,
        %swap3A_205 = vector.shape_cast %swap3A_204 : vector<1x16xf32> to vector<16xf32>
        %swap3A_206 = vector.shape_cast %div3A_201 : vector<16xf32> to vector<1x16xf32>
        tpu.vector_store %arg7[%swap3A_202, %swap3A_203], %swap3A_206 {strides = array<i32>} : memref<16x128xf32, #tpu.memory_space<vmem>>, vector<1x16xf32>,
        %get3A_207 = arith.index_cast %scan3A_132 : i32 to index
        %get3A_208 = arith.constant 112 : index
        %get3A_209 = tpu.vector_load %arg7[%get3A_207, %get3A_208] {strides = array<i32>} : memref<16x128xf32, #tpu.memory_space<vmem>>, vector<1x16xf32>,
        %get3A_210 = vector.shape_cast %get3A_209 : vector<1x16xf32> to vector<16xf32>
        %div3A_211 = arith.divf %get3A_210, %broadcast_in_dim3A_137 : vector<16xf32>
        %swap3A_212 = arith.index_cast %scan3A_132 : i32 to index
        %swap3A_213 = arith.constant 112 : index
        %swap3A_214 = tpu.vector_load %arg7[%swap3A_212, %swap3A_213] {strides = array<i32>} : memref<16x128xf32, #tpu.memory_space<vmem>>, vector<1x16xf32>,
        %swap3A_215 = vector.shape_cast %swap3A_214 : vector<1x16xf32> to vector<16xf32>
        %swap3A_216 = vector.shape_cast %div3A_211 : vector<16xf32> to vector<1x16xf32>
        tpu.vector_store %arg7[%swap3A_212, %swap3A_213], %swap3A_216 {strides = array<i32>} : memref<16x128xf32, #tpu.memory_space<vmem>>, vector<1x16xf32>,
        %scan3A_217 = arith.constant 0 : i32
        scf.yield %scan3A_217 : i32
      }
      %scan3A_131 = arith.constant 16 : i32
      "tpu.region"() ({
        %run_scoped3A = tpu.sem_alloc : memref<!tpu.dma_semaphore, #tpu.memory_space<semaphore_mem>>
        %dma_start3A = arith.constant 0 : i32
        %dma_start3A_132 = tpu.memref_slice %arg4[%dma_start3A, %multiple_of3A] : memref<16x512xf32, #tpu.memory_space<hbm>> -> memref<16x128xf32, #tpu.memory_space<hbm>>
        %dma_start3A_133 = arith.constant 0 : i32
        %dma_start3A_134 = tpu.memref_slice %arg4[%dma_start3A_133, %multiple_of3A] : memref<16x512xf32, #tpu.memory_space<hbm>> -> memref<16x128xf32, #tpu.memory_space<hbm>>
        tpu.enqueue_dma source(%arg7 : memref<16x128xf32, #tpu.memory_space<vmem>>) target(%dma_start3A_134 : memref<16x128xf32, #tpu.memory_space<hbm>>) target_semaphore(%run_scoped3A : memref<!tpu.dma_semaphore, #tpu.memory_space<semaphore_mem>>)
        %dma_wait3A = arith.constant 0 : i32
        %dma_wait3A_135 = tpu.memref_slice %arg4[%dma_wait3A, %multiple_of3A] : memref<16x512xf32, #tpu.memory_space<hbm>> -> memref<16x128xf32, #tpu.memory_space<hbm>>
        %dma_wait3A_136 = arith.constant 0 : i32
        %dma_wait3A_137 = tpu.memref_slice %arg4[%dma_wait3A_136, %multiple_of3A] : memref<16x512xf32, #tpu.memory_space<hbm>> -> memref<16x128xf32, #tpu.memory_space<hbm>>
        tpu.wait_dma2 semaphore(%run_scoped3A : memref<!tpu.dma_semaphore, #tpu.memory_space<semaphore_mem>>) src(%arg7 : memref<16x128xf32, #tpu.memory_space<vmem>>) dst(%dma_wait3A_137 : memref<16x128xf32, #tpu.memory_space<hbm>>)
        tpu.yield
      }) : () -> ()
    } else {
    }
    return
  }
}

module attributes {stable_mosaic.version = 14 : i64} {
  func.func @_tc_body(%arg0: i32, %arg1: i32, %arg2: memref<16xi32, #tpu.memory_space<smem>>, %arg3: memref<1x2048x512xf32, #tpu.memory_space<vmem>>, %arg4: memref<1x1x512xf32, #tpu.memory_space<vmem>>) attributes {dimension_semantics = [#tpu.dimension_semantics<arbitrary>, #tpu.dimension_semantics<arbitrary>], iteration_bounds = array<i64: 16, 2>, scalar_prefetch = 1 : i64, scratch_operands = 0 : i64, tpu.core_type = #tpu.core_type<tc>, window_params = [{transform_indices = @transform_0, window_bounds = array<i64: 1, 2048, 512>}, {transform_indices = @transform_1, window_bounds = array<i64: 1, 1, 512>}]} {
    %get3A = arith.index_cast %arg0 : i32 to index
    %get3A_0 = memref.load %arg2[%get3A] : memref<16xi32, #tpu.memory_space<smem>>
    %eq3A = arith.constant 0 : i32
    %eq3A_1 = arith.cmpi eq, %arg1, %eq3A : i32
    %convert_element_type3A = arith.extui %eq3A_1 : i1 to i32
    %cond3A = arith.constant 0 : i32
    %cond3A_2 = arith.cmpi ne, %convert_element_type3A, %cond3A : i32
    scf.if %cond3A_2 {
      %broadcast_in_dim3A = arith.constant 0.000000e+00 : f32
      %broadcast_in_dim3A_12 = vector.broadcast %broadcast_in_dim3A : f32 to vector<1x1x512xf32>
      %swap3A = arith.constant 0 : index
      %swap3A_13 = arith.constant 0 : index
      %swap3A_14 = arith.constant 0 : index
      %swap3A_15 = vector.load %arg4[%swap3A, %swap3A_13, %swap3A_14] : memref<1x1x512xf32, #tpu.memory_space<vmem>>, vector<1x1x512xf32>
      tpu.vector_store %arg4[%swap3A, %swap3A_13, %swap3A_14], %broadcast_in_dim3A_12 {strides = array<i32>} : memref<1x1x512xf32, #tpu.memory_space<vmem>>, vector<1x1x512xf32>,
    } else {
    }
    %mul3A = arith.constant 2048 : i32
    %mul3A_3 = arith.muli %arg1, %mul3A : i32
    %lt3A = arith.cmpi slt, %mul3A_3, %get3A_0 : i32
    %convert_element_type3A_4 = arith.extui %lt3A : i1 to i32
    %cond3A_5 = arith.constant 0 : i32
    %cond3A_6 = arith.cmpi ne, %convert_element_type3A_4, %cond3A_5 : i32
    scf.if %cond3A_6 {
      %mul3A_12 = arith.constant 2048 : i32
      %mul3A_13 = arith.muli %arg1, %mul3A_12 : i32
      %sub3A = arith.subi %get3A_0, %mul3A_13 : i32
      %iota3A = tpu.iota {dimensions = array<i32: 0>} : vector<2048x1xi32>
      %lt3A_14 = vector.broadcast %sub3A : i32 to vector<2048x1xi32>
      %lt3A_15 = arith.cmpi slt, %iota3A, %lt3A_14 : vector<2048x1xi32>
      %convert_element_type3A_16 = arith.extui %lt3A_15 : vector<2048x1xi1> to vector<2048x1xi32>
      %convert_element_type3A_17 = arith.sitofp %convert_element_type3A_16 : vector<2048x1xi32> to vector<2048x1xf32>
      %get3A_18 = arith.constant 0 : index
      %get3A_19 = arith.constant 0 : index
      %get3A_20 = arith.constant 0 : index
      %get3A_21 = vector.load %arg4[%get3A_18, %get3A_19, %get3A_20] : memref<1x1x512xf32, #tpu.memory_space<vmem>>, vector<1x1x512xf32>
      %get3A_22 = arith.constant 0 : index
      %get3A_23 = arith.constant 0 : index
      %get3A_24 = arith.constant 0 : index
      %get3A_25 = vector.load %arg3[%get3A_22, %get3A_23, %get3A_24] : memref<1x2048x512xf32, #tpu.memory_space<vmem>>, vector<1x2048x512xf32>
      %get3A_26 = vector.shape_cast %get3A_25 : vector<1x2048x512xf32> to vector<2048x512xf32>
      %mul3A_27 = vector.broadcast %convert_element_type3A_17 : vector<2048x1xf32> to vector<2048x512xf32>
      %mul3A_28 = arith.mulf %get3A_26, %mul3A_27 : vector<2048x512xf32>
      %reduce_sum3A = arith.constant dense<0.000000e+00> : vector<512xf32>
      %reduce_sum3A_29 = vector.multi_reduction <add>, %mul3A_28, %reduce_sum3A [0] : vector<2048x512xf32> to vector<512xf32>
      %broadcast_in_dim3A = vector.shape_cast %reduce_sum3A_29 : vector<512xf32> to vector<1x1x512xf32>
      %add3A = arith.addf %get3A_21, %broadcast_in_dim3A : vector<1x1x512xf32>
      %swap3A = arith.constant 0 : index
      %swap3A_30 = arith.constant 0 : index
      %swap3A_31 = arith.constant 0 : index
      %swap3A_32 = vector.load %arg4[%swap3A, %swap3A_30, %swap3A_31] : memref<1x1x512xf32, #tpu.memory_space<vmem>>, vector<1x1x512xf32>
      tpu.vector_store %arg4[%swap3A, %swap3A_30, %swap3A_31], %add3A {strides = array<i32>} : memref<1x1x512xf32, #tpu.memory_space<vmem>>, vector<1x1x512xf32>,
    } else {
    }
    %eq3A_7 = arith.constant 1 : i32
    %eq3A_8 = arith.cmpi eq, %arg1, %eq3A_7 : i32
    %convert_element_type3A_9 = arith.extui %eq3A_8 : i1 to i32
    %cond3A_10 = arith.constant 0 : i32
    %cond3A_11 = arith.cmpi ne, %convert_element_type3A_9, %cond3A_10 : i32
    scf.if %cond3A_11 {
      %get3A_12 = arith.constant 0 : index
      %get3A_13 = arith.constant 0 : index
      %get3A_14 = arith.constant 0 : index
      %get3A_15 = vector.load %arg4[%get3A_12, %get3A_13, %get3A_14] : memref<1x1x512xf32, #tpu.memory_space<vmem>>, vector<1x1x512xf32>
      %convert_element_type3A_16 = arith.sitofp %get3A_0 : i32 to f32
      %div3A = vector.broadcast %convert_element_type3A_16 : f32 to vector<1x1x512xf32>
      %div3A_17 = arith.divf %get3A_15, %div3A : vector<1x1x512xf32>
      %swap3A = arith.constant 0 : index
      %swap3A_18 = arith.constant 0 : index
      %swap3A_19 = arith.constant 0 : index
      %swap3A_20 = vector.load %arg4[%swap3A, %swap3A_18, %swap3A_19] : memref<1x1x512xf32, #tpu.memory_space<vmem>>, vector<1x1x512xf32>
      tpu.vector_store %arg4[%swap3A, %swap3A_18, %swap3A_19], %div3A_17 {strides = array<i32>} : memref<1x1x512xf32, #tpu.memory_space<vmem>>, vector<1x1x512xf32>,
    } else {
    }
    return
  }
  func.func @transform_0(%arg0: i32, %arg1: i32, %arg2: memref<16xi32, #tpu.memory_space<smem>>) -> (i32, i32, i32) {
    %get3A = arith.index_cast %arg0 : i32 to index
    %get3A_0 = memref.load %arg2[%get3A] : memref<16xi32, #tpu.memory_space<smem>>
    %add3A = arith.constant 2047 : i32
    %add3A_1 = arith.addi %get3A_0, %add3A : i32
    %jit3A = arith.constant 2048 : i32
    %div3A = arith.divsi %add3A_1, %jit3A : i32
    %sign3A = arith.constant 0 : i32
    %sign3A_2 = arith.cmpi sgt, %add3A_1, %sign3A : i32
    %sign3A_3 = arith.extui %sign3A_2 : i1 to i32
    %sign3A_4 = arith.constant 0 : i32
    %sign3A_5 = arith.cmpi slt, %add3A_1, %sign3A_4 : i32
    %sign3A_6 = arith.extui %sign3A_5 : i1 to i32
    %sign3A_7 = arith.subi %sign3A_3, %sign3A_6 : i32
    %sign3A_8 = arith.constant 0 : i32
    %sign3A_9 = arith.cmpi sgt, %jit3A, %sign3A_8 : i32
    %sign3A_10 = arith.extui %sign3A_9 : i1 to i32
    %sign3A_11 = arith.constant 0 : i32
    %sign3A_12 = arith.cmpi slt, %jit3A, %sign3A_11 : i32
    %sign3A_13 = arith.extui %sign3A_12 : i1 to i32
    %sign3A_14 = arith.subi %sign3A_10, %sign3A_13 : i32
    %ne3A = arith.cmpi ne, %sign3A_7, %sign3A_14 : i32
    %rem3A = arith.remsi %add3A_1, %jit3A : i32
    %ne3A_15 = arith.constant 0 : i32
    %ne3A_16 = arith.cmpi ne, %rem3A, %ne3A_15 : i32
    %and3A = arith.andi %ne3A, %ne3A_16 : i1
    %sub3A = arith.constant 1 : i32
    %sub3A_17 = arith.subi %div3A, %sub3A : i32
    %select_n3A = arith.select %and3A, %sub3A_17, %div3A : i32
    %sub3A_18 = arith.constant 1 : i32
    %sub3A_19 = arith.subi %select_n3A, %sub3A_18 : i32
    %min3A = arith.minsi %arg1, %sub3A_19 : i32
    %c1_i32 = arith.constant 1 : i32
    %c0_i32 = arith.constant 0 : i32
    return %arg0, %min3A, %c1_i32 : i32, i32, i32
  }
  func.func @transform_1(%arg0: i32, %arg1: i32, %arg2: memref<16xi32, #tpu.memory_space<smem>>) -> (i32, i32, i32) {
    %c0_i32 = arith.constant 0 : i32
    %c0_i32_0 = arith.constant 0 : i32
    %c0_i32_1 = arith.constant 0 : i32
    return %arg0, %c0_i32, %c0_i32_0 : i32, i32, i32
  }
}

</mosaic_0001>

<sc_bundles>
// kernel: _pooled.4.cloned.1.call-start
scs
__scs_entry_jumppad:
0x0: {  	(pc) =	sbr.rel $0x88, $3  }
0x1: {  	(tag) =	ssettag $0x0;
	lr =	simm.s32 $0x1  }
0x2: {  	[smem:$0x3F9F] =	sst lr;
	_ =	strace $0xD0000000  }
0x3: {  	_ = 	snop  }
0x4: {  	_ = 	snop  }
0x5: {  	_ = 	snop  }
0x6: {  	_ = 	snop  }
0x7: {  	_ = 	snop  }
__scs_overlays_trampoline_lowered:
0x8: {  	[smem:$0x3FAE] =	sst s0  }
0x9: {  	[smem:$0x3FAF] =	sst s1  }
0xa: {  	[smem:$0x3FB0] =	sst s2  }
0xb: {  	[smem:$0x3FB1] =	sst s3  }
0xc: {  	[smem:$0x3FB2] =	sst s4  }
0xd: {  	[smem:$0x3FB3] =	sst s5  }
0xe: {  	[smem:$0x3FB4] =	sst s6  }
0xf: {  	[smem:$0x3FB5] =	sst s7  }
0x10: {  	[smem:$0x3FB6] =	sst s8  }
0x11: {  	[smem:$0x3FB7] =	sst s9;
	s0 =	simm.s32 @!p0 $0x0  }
0x12: {  	s1 =	sld [smem:$0x3F9D];
	s0 =	simm.s32 @p0 $0x1  }
0x13: {  	[smem:$0x3FB8] =	sst s0;
	s0 =	simm.s32 @!p1 $0x0  }
0x14: {  	s2 =	sld [smem:$0x3F9C];
	s0 =	simm.s32 @p1 $0x1  }
0x15: {  	[smem:$0x3FB9] =	sst s0;
	s0 =	simm.s32 @!p2 $0x0  }
0x16: {  	s3 =	sld [smem:$0x3FDB];
	s0 =	simm.s32 @p2 $0x1  }
0x17: {  	s4 =	simm.s32 $0x1BF5;
	[smem:$0x3FBB] =	sst s0  }
0x18: {  	s0 =	sld [smem:$0x3F9E];
	_ =	swait.ge [sflag:s4], $0x0  }
0x19: {  	s7 =	sld [smem:$0x3F9F]  }
0x1a: {  	s8 =	sadd.s32 $0xFFFFE003, lr  }
0x1b: {  	s9 =	sadd.s32 $0xFFFFFEF7, lr;
	s5 =	simm.s32 $0xFFFFFFFF;
	p2 =	slt.u32 s8, $0xFFFFF086  }
0x1c: {  	p1 =	slt.u32 s9, $0xF7A;
	s5 =	simm.s32 @!p2 $0x0  }
0x1d: {  	s5 =	simm.s32 @p1 $0x1;
	p0 =	seq.s32 s7, s2  }
0x1e: {  	s7 =	smul.u32 @!p0 $0xF7A, s2;
	p2 =	seq.s32 @!p0 s5, $0x0  }
0x1f: {  	s9 =	smul.u32 $0xF7A, s1;
	s8 =	simm.s32 @!p0 $0x1BF5;
	p2 =	por !p2, p0  }
0x20: {  	[sflag:s8] =	ssyncset.s32 @!p0 $0xFFFFF086;
	s6 =	sadd.s32 @!p0 s3, s7;
	s7 =	simm.s32 @!p0 $0x108  }
0x21: {  	s3 =	sadd.s32 s3, s9;
	s6 =	sadd.s32 @!p0 $0x88, s6;
	s7 =	simm.s32 @p2 $0x1082  }
0x22: {  	[simem:s7], [sflag:s8] =	dma.local @!p0 [hbm:s6], $0xF7A  }
0x23: {  	s9 =	sor.u32 $0xD0000000, s2;
	s6 =	simm.s32 $0x108;
	_ =	swait.ge @!p0 [sflag:s8], $0x0  }
0x24: {  	s3 =	sadd.s32 $0x88, s3;
	s6 =	simm.s32 @!p1 $0x1082;
	[sflag:s4] =	ssyncset.s32 $0xFFFFF086  }
0x25: {  	[simem:s6], [sflag:s4] =	dma.local [hbm:s3], $0xF7A  }
0x26: {  	[smem:$0x3F9F] =	sst s1;
	(tag) =	ssettag s2;
	_ =	strace s9  }
0x27: {  	s1 =	sld [smem:$0x3FAF]  }
0x28: {  	s2 =	sld [smem:$0x3FB0]  }
0x29: {  	s4 =	sld [smem:$0x3FB2]  }
0x2a: {  	p0 =	seq.s32 s5, $0x0;
	s5 =	sld [smem:$0x3FB3]  }
0x2b: {  	s6 =	sld [smem:$0x3FB4]  }
0x2c: {  	s7 =	sld [smem:$0x3FB5]  }
0x2d: {  	s3 =	simm.s32 $0x108;
	s8 =	sld [smem:$0x3FB6]  }
0x2e: {  	s3 =	simm.s32 @!p0 $0x1082;
	s9 =	sld [smem:$0x3FB7]  }
0x2f: {  	lr =	sadd.s32 s0, s3;
	s0 =	sld [smem:$0x3FAE]  }
0x30: {  	s3 =	sld [smem:$0x3FB1]  }
0x31: {  	[smem:$0x3FBA] =	sst s10  }
0x32: {  	s10 =	sld [smem:$0x3FB8];
	_ =	sdelay $0x3  }
0x33: {  	p0 =	seq.s32 s10, $0x1;
	s10 =	sld [smem:$0x3FBA];
	_ =	sdelay $0x3  }
0x34: {  	[smem:$0x3FBA] =	sst s10  }
0x35: {  	s10 =	sld [smem:$0x3FB9];
	_ =	sdelay $0x3  }
0x36: {  	p1 =	seq.s32 s10, $0x1;
	s10 =	sld [smem:$0x3FBA];
	_ =	sdelay $0x3  }
0x37: {  	[smem:$0x3FBA] =	sst s10  }
0x38: {  	s10 =	sld [smem:$0x3FBB]  }
0x39: {  	_ = 	snop;
	(pc) =	sbr.ind lr, $3  }
0x3a: {  	_ = 	snop  }
0x3b: {  	_ = 	snop  }
0x3c: {  	p2 =	seq.s32 s10, $0x1;
	s10 =	sld [smem:$0x3FBA]  }
0x3d: {  	_ =	shalt  }
0x3e: {  	_ =	shalt  }
0x3f: {  	_ =	shalt  }
0x40: {  	_ =	shalt  }
0x41: {  	_ =	shalt  }
0x42: {  	_ =	shalt  }
0x43: {  	_ =	shalt  }
0x44: {  	_ =	shalt  }
0x45: {  	_ =	shalt  }
0x46: {  	_ =	shalt  }
0x47: {  	_ =	shalt  }
0x48: {  	_ =	shalt  }
0x49: {  	_ =	shalt  }
0x4a: {  	_ =	shalt  }
0x4b: {  	_ =	shalt  }
0x4c: {  	_ =	shalt  }
0x4d: {  	_ =	shalt  }
0x4e: {  	_ =	shalt  }
0x4f: {  	_ =	shalt  }
0x50: {  	_ =	shalt  }
0x51: {  	_ =	shalt  }
0x52: {  	_ =	shalt  }
0x53: {  	_ =	shalt  }
0x54: {  	_ =	shalt  }
0x55: {  	_ =	shalt  }
0x56: {  	_ =	shalt  }
0x57: {  	_ =	shalt  }
0x58: {  	_ =	shalt  }
0x59: {  	_ =	shalt  }
0x5a: {  	_ =	shalt  }
0x5b: {  	_ =	shalt  }
0x5c: {  	_ =	shalt  }
0x5d: {  	_ =	shalt  }
0x5e: {  	_ =	shalt  }
0x5f: {  	_ =	shalt  }
0x60: {  	_ =	shalt  }
0x61: {  	_ =	shalt  }
0x62: {  	_ =	shalt  }
0x63: {  	_ =	shalt  }
0x64: {  	_ =	shalt  }
0x65: {  	_ =	shalt  }
0x66: {  	_ =	shalt  }
0x67: {  	_ =	shalt  }
0x68: {  	_ =	shalt  }
0x69: {  	_ =	shalt  }
0x6a: {  	_ =	shalt  }
0x6b: {  	_ =	shalt  }
0x6c: {  	_ =	shalt  }
0x6d: {  	_ =	shalt  }
0x6e: {  	_ =	shalt  }
0x6f: {  	_ =	shalt  }
0x70: {  	_ =	shalt  }
0x71: {  	_ =	shalt  }
0x72: {  	_ =	shalt  }
0x73: {  	_ =	shalt  }
0x74: {  	_ =	shalt  }
0x75: {  	_ =	shalt  }
0x76: {  	_ =	shalt  }
0x77: {  	_ =	shalt  }
0x78: {  	_ =	shalt  }
0x79: {  	_ =	shalt  }
0x7a: {  	_ =	shalt  }
0x7b: {  	_ =	shalt  }
0x7c: {  	_ =	shalt  }
0x7d: {  	_ =	shalt  }
0x7e: {  	_ =	shalt  }
0x7f: {  	_ =	shalt  }
0x80: {  	_ =	shalt  }
0x81: {  	_ =	shalt  }
0x82: {  	_ =	shalt  }
0x83: {  	_ =	shalt  }
0x84: {  	_ =	shalt  }
0x85: {  	_ =	shalt  }
0x86: {  	_ =	shalt  }
0x87: {  	_ =	shalt  }
.Lfunc_end0:
.L_simem_size_0:
called_computation_lowered:
.L_overlay_start_0:
0x88: {  	s2 =	sld [smem:$0x3FD9]  }
0x89: {  	s3 =	sld [smem:$0x3FFE];
	_ =	sdelay $0x1  }
0x8a: {  	s1 =	srdreg.scid  }
0x8b: {  	s0 =	sand.u32 $0x1, s1  }
0x8c: {  	s17 =	sshll.u32 s0, $0xA;
	s2 =	sadd.s32 s3, s2  }
0x8d: {  	s2 =	sadd.s32 s2, s17  }
0x8e: {  	[smem:$0x3FC6] =	sst s2  }
0x8f: {  	_ = 	snop  }
0x90: {  	s2 =	sld [smem:$0x3FC9]  }
0x91: {  	s18 =	sld [smem:$0x3FC8];
	(tm) =	ssettm $0x1  }
0x92: {  	s4 =	sld [smem:$0x3FFB];
	_ =	sdelay $0x3  }
0x93: {  	_ =	strace s4  }
0x94: {  	s4 =	sld [smem:$0x3FFC];
	_ =	sdelay $0x3  }
0x95: {  	_ =	strace s4  }
0x96: {  	s4 =	sld [smem:$0x3FFD];
	_ =	sdelay $0x3  }
0x97: {  	_ =	strace s4  }
0x98: {  	_ =	strace $0x8FFFFFFF  }
0x99: {  	s19 =	sld [smem:$0x3FDB];
	_ =	sdelay $0x1  }
0x9a: {  	s5 =	simm.s32 $_scs_section_size  }
0x9b: {  	s6 =	simm.s32 $_size__tile_overlayer_lowered;
	s7 =	simm.s32 $_tile_overlayer_lowered  }
0x9c: {  	s22 =	simm.s32 $0x1BFF;
	s21 =	sshll.u32 s7, $0x1;
	s4 =	sadd.s32 s5, s19  }
0x9d: {  	s8 =	simm.s32 $0x0;
	s20 =	sshll.u32 s6, $0x1;
	s6 =	sadd.s32 s21, s4  }
0x9e: {  	[timem:s8], [sflag:s22] =	dma.local [hbm:s6], s20  }
0x9f: {  	_ =	swait.ge [sflag:s22], s20  }
0xa0: {  	s5 =	ssub.s32 $0x0, s20;
	[sflag:s22] =	ssyncset.done $0x0  }
0xa1: {  	[sflag:s22] =	ssyncadd.s32 s5;
	_ =	sdelay $0x1  }
0xa2: {  	s23 =	simm.s32 $0x1B8B  }
0xa3: {  	_ =	swait.ge [sflag:s23], $0x1  }
0xa4: {  	[sflag:s23] =	ssyncset.done $0x0  }
0xa5: {  	s25 =	simm.s32 $0x1B8E;
	s24 =	sld [smem:$0x3FFE];
	[sflag:s23] =	ssyncadd.s32 $0xFFFFFFFF  }
0xa6: {  	s26 =	simm.s32 $execute0_lowered;
	[smem:$0x3FD2] =	sst s25  }
0xa7: {  	s6 =	sshll.u32 s26, $0x1;
	_ =	strace $0x80000046;
	[dreg:$0x1] =	wrdreg $0xFFFFFFFF  }
0xa8: {  	s28 =	simm.s32 $_size_execute0_lowered;
	s4 =	sadd.s32 s4, s6;
	[dreg:$0x0] =	wrdreg $0x0  }
0xa9: {  	s6 =	sshll.u32 s28, $0x1;
	[dreg:$0x2] =	wrdreg s4  }
0xaa: {  	[dreg:$0x3] =	wrdreg s6  }
0xab: {  	[dreg:$0x4] =	wrdreg $0xC0  }
0xac: {  	_ =	task [dreg:s8], $0x5FFFF  }
0xad: {  	[dreg:$0x1] =	wrdreg $0xFFFFFFFF  }
0xae: {  	[dreg:$0x0] =	wrdreg $0x60  }
0xaf: {  	[dreg:$0x2] =	wrdreg s2  }
0xb0: {  	[dreg:$0x3] =	wrdreg s18  }
0xb1: {  	[dreg:$0x4] =	wrdreg s24  }
0xb2: {  	[dreg:$0x5] =	wrdreg $0x90800  }
0xb3: {  	[dreg:$0x6] =	wrdreg $0x9  }
0xb4: {  	_ =	task.clear_ibuf [dreg:s8], $0x7FFFF;
	_ =	strace $0x90000046  }
0xb5: {  	s29 =	simm.s32 $0x9;
	_ =	strace $0x80000048  }
0xb6: {  	_ =	swait.ge [sflag:s29], $0x1  }
0xb7: {  	[sflag:s29] =	ssyncadd.s32 $0xFFFFFFFF  }
0xb8: {  	_ =	strace $0x90000048  }
0xb9: {  	_ =	sfence  }
0xba: {  	s30 =	sld [smem:$0x0];
	_ =	sdelay $0x2  }
0xbb: {  	s31 =	sshll.u32 s1, $0xD;
	s1 =	sshrl.u32 s1, $0x2  }
0xbc: {  	s3 =	sand.u32 $0x4000, s31;
	s1 =	sadd.s32 s1, s30  }
0xbd: {  	s0 =	sor.u32 s3, s0;
	s1 =	sshll.u32 s1, $0x11  }
0xbe: {  	s0 =	sor.u32 s1, s0  }
0xbf: {  	s0 =	sadd.s32 $0x8F2B, s0  }
0xc0: {  	[sflag:s0] =	ssyncadd.remote.s32 $0x1  }
0xc1: {  	_ =	sfence.sel $0xFFFF  }
0xc2: {  	[dreg:$0x0] =	wrdreg $0xFFFFFFFF;
	(pc) =	sbr.abs _section_cstart, $3  }
0xc3: {  	[dreg:$0x1] =	wrdreg $0xFFFFFFFF  }
0xc4: {  	_ =	task.clear_ibuf [dreg:s8], $0x2FFFF;
	_ =	strace $0x9FFFFFFF  }
0xc5: {  	(tm) =	ssettm $0x7FFFFFFF  }
tec
execute0_lowered:
.L_overlay_start_1:
0x0: {  	(tag) =	ssettag $0x1  }
0x1: {  	s0 =	rddreg [dreg:$0x0]  }
0x2: {  	s1 =	rddreg [dreg:$0x1]  }
0x3: {  	s2 =	rddreg [dreg:$0x2]  }
0x4: {  	s5 =	rddreg [dreg:$0x3]  }
0x5: {  	s4 =	srdreg.scid;
	s10 =	stileid.u32;
	s3 =	simm.s32 $0x0  }
0x6: {  	s18 =	simm.s32 $0x5;
	s19 =	simm.s32 $0x400;
	s22 =	simm.s32 $0x8080  }
0x7: {  	s23 =	simm.s32 $0x8880;
	s25 =	simm.s32 $0x0;
	s4 =	sand.u32 $0x1, s4  }
0x8: {  	s6 =	sshll.u32 s10, $0x4;
	[smem:$0x7FF] =	sst s3;
	s8 =	sshll.u32 s10, $0xB  }
0x9: {  	s7 =	sshll.u32 s4, $0x8;
	s6 =	sand.u32 $0x80, s6;
	_ =	strace $0x80000047  }
0xa: {  	s4 =	ssub.s32 $0x2, s4;
	s5 =	sadd.s32 s8, s5;
	s7 =	sor.u32 s7, s6  }
0xb: {  	s28 =	sshrl.u32 s4, $0x1;
	s29 =	sadd.s32 $0x800, s5;
	s30 =	sadd.s32 $0x1000, s5  }
0xc: {  	s31 =	sadd.s32 $0x1800, s5;
	s11 =	sadd.s32 $0x2000, s5;
	s12 =	sadd.s32 $0x2800, s5  }
.Ltmp0:
0xd: {  	s13 =	sadd.s32 $0x3000, s5;
	s14 =	sadd.s32 $0x3800, s5;
	(pc) =	sbr.rel .LBB2_1-.Ltmp0, $4  }
0xe: {  	s2 =	sadd.s32 s7, s2;
	s9 =	ssub.s32 s4, s28;
	[dreg:$0x5] =	wrdreg s29  }
0xf: {  	s4 =	sand.u32 $0x7, s10;
	s7 =	sadd.s32 s0, s7;
	[dreg:$0x6] =	wrdreg s30  }
0x10: {  	[dreg:$0x7] =	wrdreg s31;
	s6 =	sshll.u32 s4, $0x6;
	s15 =	sadd.s32 $0x600, s2  }
0x11: {  	v0 =	vimm.f32 $0.0e+00;
	s16 =	smax.u32 s9, $0x1;
	p0 =	sne.s32 s4, $0x0;
	s17 =	ssub.s32 $0x0, s6  }
.LBB2_32:
0x12: {  	s25 =	sadd.s32 $0x1, s25  }
0x13: {  	p1 =	sne.s32 s25, s16  }
.Ltmp1:
0x14: {  	_ = 	snop;
	(pc) =	sbr.rel @!p1 .LBB2_33-.Ltmp1, $1  }
0x15: {  	_ =	sdelay $0x3  }
.LBB2_1:
.Ltmp2:
0x16: {  	(pc) =	sbr.rel .LBB2_2-.Ltmp2, $4  }
0x17: {  	[tilespmem:s3], [sflag:$0x5] =	stream.linear.gather [hbm4b:s1+s3], $0x10, $0x38;
	[tilespmem:$0x9880] =	vst v63  }
0x18: {  	_ =	swait.ge [sflag:s18], $0x10  }
0x19: {  	[sflag:s18] =	ssyncset.done $0x0  }
0x1a: {  	s26 =	simm.s32 $0x0;
	s0 =	simm.s32 $0x0;
	[sflag:s18] =	ssyncadd.s32 $0xFFFFFFF0  }
.LBB2_5:
0x1b: {  	s10 =	simm.s32 $0x1  }
0x1c: {  	[smem:s8] =	sst s2;
	s10 =	simm.s32 @!p2 $0x0  }
0x1d: {  	[smem:s9] =	sst s10  }
.LBB2_6:
0x1e: {  	s0 =	sadd.s32 $0x1, s0  }
0x1f: {  	p1 =	sne.s32 s0, $0x10  }
.Ltmp3:
0x20: {  	_ = 	snop;
	(pc) =	sbr.rel @!p1 .LBB2_7-.Ltmp3, $1  }
0x21: {  	_ =	sdelay $0x3  }
.LBB2_2:
0x22: {  	v1 =	vld [tilespmem:s0+$0x0];
	_ =	sdelay $0x4  }
0x23: {  	(v2sf) =	vpush v1, $0x0;
	_ =	sdelay $0xe  }
0x24: {  	s2 =	spop (v2sf)  }
0x25: {  	s8 =	sadd.s32 $0x3F, s2  }
0x26: {  	s9 =	sshra.s32 s8, $0x1F;
	s20 =	sand.u32 $0x3F, s8  }
0x27: {  	p1 =	slt.s32 s8, $0x1;
	s9 =	sshrl.u32 s9, $0x1A;
	p2 =	sne.s32 s20, $0x0  }
0x28: {  	s8 =	sadd.s32 s9, s8;
	p1 =	por !p1, !p2  }
0x29: {  	s9 =	simm.s32 $0x1;
	s8 =	sshra.s32 s8, $0x6;
	p1 =	por !p1, !p1  }
0x2a: {  	s8 =	ssub.s32 s8, s4;
	s9 =	simm.s32 @!p1 $0x0  }
0x2b: {  	s8 =	ssub.s32 s8, s9  }
0x2c: {  	s9 =	sadd.s32 $0x7, s8  }
0x2d: {  	s29 =	sand.u32 $0x7, s9  }
0x2e: {  	p5 =	slt.s32 s8, $0xFFFFFFFA;
	p6 =	sne.s32 s29, $0x0  }
0x2f: {  	s31 =	sshrl.u32 s9, $0x1D;
	p1 =	por !p5, !p6  }
0x30: {  	s8 =	sadd.s32 s31, s9;
	s9 =	simm.s32 $0x1;
	p1 =	por !p1, !p1  }
0x31: {  	s8 =	sshra.s32 s8, $0x3;
	s9 =	simm.s32 @!p1 $0x0  }
0x32: {  	s30 =	ssub.s32 s8, s9  }
0x33: {  	p2 =	slt.s32 s30, $0x1  }
.Ltmp4:
0x34: {  	_ = 	snop;
	(pc) =	sbr.rel @p2 .LBB2_6-.Ltmp4, $1  }
0x35: {  	_ =	sdelay $0x3  }
0x36: {  	s9 =	simm.s32 $0xFFFFFFFF  }
0x37: {  	s21 =	sshll.u32 s26, $0x2;
	s2 =	sadd.s32 s2, s17;
	s8 =	sadd.s32 s8, s26  }
0x38: {  	s20 =	simm.s32 $0x180;
	s9 =	simm.s32 @!p1 $0x0;
	p1 =	sne.s32 s30, $0x1  }
.Ltmp5:
0x39: {  	s24 =	simm.s32 $0x100;
	s28 =	simm.s32 $0x80;
	(pc) =	sbr.rel @!p1 .LBB2_5-.Ltmp5, $4  }
0x3a: {  	s29 =	simm.s32 $0x1;
	p2 =	seq.s32 s30, $0x1;
	s21 =	sshra.s32 s21, $0x2  }
0x3b: {  	s31 =	smov.u32 s6;
	s26 =	sadd.s32 s9, s8;
	s9 =	sadd.s32 $0x0, s21  }
0x3c: {  	s30 =	sadd.s32 $0xFFFFFFFF, s30;
	s10 =	sadd.s32 $0x80, s21;
	[smem:s9] =	sst s0  }
0x3d: {  	s8 =	sadd.s32 $0x100, s21;
	s9 =	sadd.s32 $0x180, s21;
	[smem:s10] =	sst s6  }
.LBB2_4:
0x3e: {  	[smem:s8] =	sst s2;
	s8 =	simm.s32 $0x1  }
0x3f: {  	p1 =	sne.s32 s30, $0x1;
	s8 =	simm.s32 @!p2 $0x0  }
0x40: {  	s10 =	sadd.s32 s21, s29;
	[smem:s9] =	sst s8  }
.Ltmp6:
0x41: {  	[smem:s10] =	sst s0;
	(pc) =	sbr.rel @p1 .LBB2_4-.Ltmp6, $4  }
0x42: {  	s20 =	sadd.s32 $0x1, s20;
	s24 =	sadd.s32 $0x1, s24;
	s28 =	sadd.s32 $0x1, s28  }
0x43: {  	s29 =	sadd.s32 $0x1, s29;
	s31 =	sadd.s32 $0x200, s31;
	s2 =	sadd.s32 $0xFFFFFE00, s2  }
0x44: {  	p2 =	seq.s32 s30, $0x1;
	s9 =	sadd.s32 s21, s28;
	s8 =	sadd.s32 s21, s24  }
0x45: {  	s30 =	sadd.s32 $0xFFFFFFFF, s30;
	[smem:s9] =	sst s31;
	s9 =	sadd.s32 s21, s20  }
.Ltmp7:
0x46: {  	_ = 	snop;
	(pc) =	sbr.rel .LBB2_5-.Ltmp7, $1  }
0x47: {  	_ =	sdelay $0x3  }
.LBB2_7:
0x48: {  	s0 =	simm.s32 $0x0  }
0x49: {  	s2 =	sand.u32 $0x1E00, s0  }
0x4a: {  	s8 =	sand.u32 $0x40, s0;
	s9 =	sshrl.u32 s2, $0x2  }
0x4b: {  	s21 =	simm.s32 $0x0;
	s2 =	simm.s32 $0x0;
	s20 =	sor.u32 s8, s9  }
.LBB2_8:
0x4c: {  	s2 =	sadd.s32 $0x4, s2  }
0x4d: {  	[tilespmem:s20+$0x80B0] =	vst v0;
	s0 =	sadd.s32 $0x40, s0;
	s21 =	sadd.s32 $0x100, s21;
	p1 =	slt.u32 s2, $0x7C  }
.Ltmp8:
0x4e: {  	[tilespmem:s20+$0x80A0] =	vst v0;
	(pc) =	sbr.rel @p1 .LBB2_8-.Ltmp8, $4  }
0x4f: {  	[tilespmem:s20+$0x8080] =	vst v0  }
0x50: {  	s8 =	sand.u32 $0x1E00, s21;
	[tilespmem:s20+$0x8090] =	vst v0  }
0x51: {  	s9 =	sand.u32 $0x40, s0;
	s8 =	sshrl.u32 s8, $0x2  }
0x52: {  	s20 =	sor.u32 s9, s8  }
0x53: {  	p1 =	slt.s32 s26, $0x1  }
.Ltmp9:
0x54: {  	_ = 	snop;
	(pc) =	sbr.rel @p1 .LBB2_14-.Ltmp9, $4  }
0x55: {  	[tilespmem:s20+$0x80B0] =	vst v0  }
0x56: {  	[tilespmem:s20+$0x80A0] =	vst v0  }
0x57: {  	[tilespmem:s20+$0x8080] =	vst v0  }
0x58: {  	[tilespmem:s20+$0x8090] =	vst v0  }
0x59: {  	s0 =	sld [smem:$0x80]  }
0x5a: {  	s2 =	sld [smem:$0x0];
	_ =	sdelay $0x2  }
0x5b: {  	p1 =	seq.s32 s26, $0x1;
	s2 =	sshll.u32 s2, $0x16;
	s0 =	sshll.u32 s0, $0xA  }
0x5c: {  	s8 =	sld @!p1 [smem:$0x1];
	s0 =	sadd.s32 s0, s2  }
0x5d: {  	s9 =	simm.s32 $0x2000;
	s2 =	sld @!p1 [smem:$0x81];
	s0 =	sshrl.u32 s0, $0x3  }
0x5e: {  	s10 =	simm.s32 $0x80;
	p2 =	slt.u32 @!p1 s26, $0x3;
	s0 =	sadd.s32 s0, s7  }
0x5f: {  	[tilespmem:s10], [sflag:$0x1] =	stream.strided.gather [hbm4b:s0+s19], $0x2000, s9, s19, $0x38;
	[tilespmem:$0x9880] =	vst v63  }
0x60: {  	p2 =	por p2, p1;
	s0 =	sshll.u32 @!p1 s8, $0x16;
	s2 =	sshll.u32 @!p1 s2, $0xA  }
0x61: {  	s8 =	sld @!p2 [smem:$0x2];
	s0 =	sadd.s32 @!p1 s2, s0  }
0x62: {  	s20 =	simm.s32 @!p1 $0x2080;
	s2 =	sld @!p2 [smem:$0x82];
	s0 =	sshrl.u32 @!p1 s0, $0x3  }
0x63: {  	s9 =	simm.s32 @!p1 $0x400;
	s10 =	simm.s32 @!p1 $0x2000;
	s0 =	sadd.s32 @!p1 s0, s7  }
0x64: {  	[tilespmem:s20], [sflag:$0x2] =	stream.strided.gather @!p1 [hbm4b:s0+s9], $0x2000, s10, s9, $0x38;
	[tilespmem:$0x9880] =	vst v63  }
0x65: {  	s0 =	sshll.u32 @!p2 s8, $0x16;
	s2 =	sshll.u32 @!p2 s2, $0xA  }
0x66: {  	s28 =	simm.s32 $0x0;
	s0 =	sadd.s32 @!p2 s2, s0  }
0x67: {  	v1 =	vimm.f32 $0.0e+00;
	v2 =	vimm.f32 $0.0e+00;
	s29 =	simm.s32 $0x0;
	s8 =	simm.s32 @!p2 $0x2000;
	s0 =	sshrl.u32 @!p2 s0, $0x3  }
0x68: {  	v3 =	vimm.f32 $0.0e+00;
	v4 =	vimm.f32 $0.0e+00;
	v13 =	vimm.f32 $0.0e+00;
	s9 =	simm.s32 @!p2 $0x4080;
	s2 =	simm.s32 @!p2 $0x400;
	s0 =	sadd.s32 @!p2 s0, s7  }
0x69: {  	v14 =	vimm.f32 $0.0e+00;
	v15 =	vimm.f32 $0.0e+00;
	v16 =	vimm.f32 $0.0e+00;
	[tilespmem:s9], [sflag:$0x3] =	stream.strided.gather @!p2 [hbm4b:s0+s2], $0x2000, s8, s2, $0x38;
	[tilespmem:$0x9880] =	vst v63  }
.LBB2_11:
0x6a: {  	s0 =	sand.u32 $0x3, s29  }
0x6b: {  	s0 =	sadd.s32 $0x1, s0  }
0x6c: {  	_ =	swait.ge [sflag:s0], $0x2000  }
0x6d: {  	s2 =	sadd.s32 $0x3, s29;
	[sflag:s0] =	ssyncset.done $0x0  }
0x6e: {  	p1 =	sge.s32 s2, s26;
	[sflag:s0] =	ssyncadd.s32 $0xFFFFE000  }
0x6f: {  	s0 =	sshra.s32 @!p1 s2, $0x1F;
	s8 =	sld @!p1 [smem:s2+$0x80]  }
0x70: {  	s10 =	sand.u32 $0x3, s28;
	s0 =	sshrl.u32 @!p1 s0, $0x1E;
	s9 =	sld @!p1 [smem:s2+$0x0]  }
0x71: {  	s10 =	sshll.u32 s10, $0xD;
	s0 =	sadd.s32 @!p1 s0, s2  }
0x72: {  	s30 =	sor.u32 $0x180, s10;
	s0 =	sand.u32 @!p1 $0xFFFFFFFC, s0  }
0x73: {  	s0 =	ssub.s32 @!p1 s2, s0;
	s2 =	sshll.u32 @!p1 s9, $0x16;
	s8 =	sshll.u32 @!p1 s8, $0xA  }
0x74: {  	s10 =	simm.s32 @!p1 $0x2000;
	s9 =	sshll.u32 @!p1 s0, $0xF;
	s2 =	sadd.s32 @!p1 s8, s2  }
0x75: {  	s0 =	sadd.s32 @!p1 $0x1, s0;
	s8 =	sshra.s32 @!p1 s9, $0x2;
	s2 =	sshrl.u32 @!p1 s2, $0x3  }
0x76: {  	s9 =	simm.s32 @!p1 $0x400;
	s8 =	sor.u32 @!p1 $0x80, s8;
	s2 =	sadd.s32 @!p1 s2, s7  }
0x77: {  	[tilespmem:s8], [sflag:s0] =	stream.strided.gather @!p1 [hbm4b:s2+s9], $0x2000, s10, s9, $0x38;
	[tilespmem:$0x9880] =	vst v63  }
0x78: {  	v5 =	vld [tilespmem:s30+$0x80]  }
0x79: {  	v6 =	vld [tilespmem:s30+$0x90]  }
0x7a: {  	v7 =	vld [tilespmem:s30+$0xA0]  }
0x7b: {  	v8 =	vld [tilespmem:s30+$0xB0]  }
0x7c: {  	v9 =	vld [tilespmem:s30+$0xC0]  }
0x7d: {  	v17 =	vld [tilespmem:s30+$0xD0]  }
0x7e: {  	v18 =	vld [tilespmem:s30+$0x0]  }
0x7f: {  	v19 =	vld [tilespmem:s30+$0x10]  }
0x80: {  	v20 =	vld [tilespmem:s30+$0x20]  }
0x81: {  	s0 =	sld [smem:s29+$0x100];
	v21 =	vld [tilespmem:s30+$0x30]  }
0x82: {  	v22 =	vld [tilespmem:s30+$0x40]  }
0x83: {  	v23 =	vld [tilespmem:s30+$0x50]  }
0x84: {  	s31 =	simm.f32 $1.000000000e+00;
	v24 =	vld [tilespmem:s30+$0xFFFFFF80];
	p1 =	sgt.s32 s0, $0x3  }
0x85: {  	v25 =	vld [tilespmem:s30+$0xFFFFFF90];
	s31 =	simm.s32 @!p1 $0x0  }
0x86: {  	v26 =	vld [tilespmem:s30+$0xFFFFFF00];
	v10 =	vmul.f32 s31, v5;
	v11 =	vmul.f32 s31, v6  }
0x87: {  	s2 =	simm.f32 $1.000000000e+00;
	v29 =	vld [tilespmem:s30+$0xFFFFFF30];
	p1 =	sgt.s32 s0, $0x2;
	v12 =	vmul.f32 s31, v7;
	v8 =	vmul.f32 s31, v8  }
0x88: {  	v27 =	vld [tilespmem:s30+$0xFFFFFF10];
	s2 =	simm.s32 @!p1 $0x0;
	v6 =	vmul.f32 s31, v9;
	v5 =	vmul.f32 s31, v17  }
0x89: {  	v28 =	vld [tilespmem:s30+$0xFFFFFF20];
	v17 =	vmul.f32 s2, v18;
	v18 =	vmul.f32 s2, v19  }
0x8a: {  	s21 =	simm.f32 $1.000000000e+00;
	v31 =	vld [tilespmem:s30+$0xFFFFFFB0];
	p2 =	sgt.s32 s0, $0x0;
	v19 =	vmul.f32 s2, v20;
	v20 =	vmul.f32 s2, v21  }
0x8b: {  	s20 =	simm.f32 $1.000000000e+00;
	v30 =	vld [tilespmem:s30+$0xFFFFFFA0];
	s21 =	simm.s32 @!p2 $0x0;
	p1 =	sgt.s32 s0, $0x1;
	v9 =	vmul.f32 s2, v22;
	v7 =	vmul.f32 s2, v23  }
0x8c: {  	v34 =	vld [tilespmem:s30+$0xFFFFFFC0];
	s20 =	simm.s32 @!p1 $0x0;
	v23 =	vmul.f32 s21, v26;
	v26 =	vmul.f32 s21, v29  }
0x8d: {  	v21 =	vld [tilespmem:s30+$0xFFFFFFD0];
	v32 =	vmul.f32 s20, v24;
	v24 =	vmul.f32 s21, v27  }
0x8e: {  	v22 =	vld [tilespmem:s30+$0xFFFFFF40];
	v33 =	vmul.f32 s20, v25;
	v25 =	vmul.f32 s21, v28  }
0x8f: {  	v28 =	vmul.f32 s20, v31;
	v27 =	vadd.f32 v23, v16;
	v16 =	vld [tilespmem:s30+$0xFFFFFF50];
	v29 =	vadd.f32 v24, v15  }
0x90: {  	v23 =	vmul.f32 s20, v30;
	v24 =	vadd.f32 v25, v14;
	v25 =	vadd.f32 v26, v13;
	v15 =	vld [tilespmem:s30+$0xFFFFFF60]  }
0x91: {  	s24 =	simm.s32 $0x4;
	v14 =	vld [tilespmem:s30+$0xFFFFFF70];
	v13 =	vmul.f32 s20, v34;
	v26 =	vadd.f32 v32, v27;
	v27 =	vadd.f32 v33, v29  }
.LBB2_12:
0x92: {  	p1 =	slt.u32 s24, $0x3C;
	v23 =	vadd.f32 v23, v24;
	v24 =	vadd.f32 v28, v25;
	v21 =	vmul.f32 s20, v21;
	v25 =	vld [tilespmem:s30+$0xFFFFFFE0]  }
0x93: {  	v22 =	vmul.f32 s21, v22;
	v28 =	vld [tilespmem:s30+$0xFFFFFFF0];
	v17 =	vadd.f32 v17, v26;
	v18 =	vadd.f32 v18, v27  }
0x94: {  	v16 =	vmul.f32 s21, v16;
	v19 =	vadd.f32 v19, v23;
	v20 =	vadd.f32 v20, v24;
	v23 =	vld [tilespmem:s30+$0x60]  }
0x95: {  	v15 =	vmul.f32 s21, v15;
	v24 =	vld [tilespmem:s30+$0x70];
	v26 =	vadd.f32 v10, v17;
	v27 =	vadd.f32 v11, v18  }
0x96: {  	v10 =	vmul.f32 s21, v14;
	v14 =	vadd.f32 v12, v19;
	v29 =	vadd.f32 v8, v20;
	v8 =	vld [tilespmem:s30+$0xE0]  }
0x97: {  	v4 =	vadd.f32 v22, v4;
	v3 =	vadd.f32 v16, v3;
	v11 =	vmul.f32 s20, v25;
	v12 =	vld [tilespmem:s30+$0xF0];
	s30 =	sadd.s32 $0x200, s30  }
0x98: {  	v2 =	vadd.f32 v15, v2;
	v16 =	vld [tilespmem:s30+$0x80];
	v1 =	vadd.f32 v10, v1;
	v10 =	vmul.f32 s20, v28  }
0x99: {  	v4 =	vadd.f32 v13, v4;
	v3 =	vadd.f32 v21, v3;
	v15 =	vld [tilespmem:s30+$0x90];
	v13 =	vmul.f32 s2, v23  }
0x9a: {  	v2 =	vadd.f32 v11, v2;
	v17 =	vld [tilespmem:s30+$0xA0];
	v1 =	vadd.f32 v10, v1;
	v10 =	vmul.f32 s2, v24  }
0x9b: {  	v4 =	vadd.f32 v9, v4;
	v3 =	vadd.f32 v7, v3;
	v18 =	vld [tilespmem:s30+$0xB0];
	v7 =	vmul.f32 s31, v8  }
0x9c: {  	v2 =	vadd.f32 v13, v2;
	v9 =	vld [tilespmem:s30+$0xC0];
	v1 =	vadd.f32 v10, v1;
	v8 =	vmul.f32 s31, v12  }
0x9d: {  	v4 =	vadd.f32 v6, v4;
	v3 =	vadd.f32 v5, v3;
	v13 =	vld [tilespmem:s30+$0xD0]  }
0x9e: {  	v2 =	vadd.f32 v7, v2;
	v19 =	vld [tilespmem:s30+$0x0];
	v1 =	vadd.f32 v8, v1  }
0x9f: {  	v7 =	vld [tilespmem:s30+$0x10]  }
0xa0: {  	v20 =	vld [tilespmem:s30+$0x20]  }
0xa1: {  	v21 =	vld [tilespmem:s30+$0x30]  }
0xa2: {  	v22 =	vld [tilespmem:s30+$0x40]  }
0xa3: {  	s2 =	sadd.s32 $0x3, s24;
	v23 =	vld [tilespmem:s30+$0x50]  }
0xa4: {  	p2 =	slt.s32 s2, s0;
	s31 =	simm.f32 $1.000000000e+00;
	v24 =	vld [tilespmem:s30+$0xFFFFFF80]  }
0xa5: {  	s31 =	simm.s32 @!p2 $0x0;
	v25 =	vld [tilespmem:s30+$0xFFFFFF90]  }
0xa6: {  	s2 =	sadd.s32 $0x2, s24;
	v10 =	vmul.f32 s31, v16;
	v11 =	vmul.f32 s31, v15;
	v28 =	vld [tilespmem:s30+$0xFFFFFF00]  }
0xa7: {  	p2 =	slt.s32 s2, s0;
	s2 =	simm.f32 $1.000000000e+00;
	v12 =	vmul.f32 s31, v17;
	v8 =	vmul.f32 s31, v18;
	v15 =	vld [tilespmem:s30+$0xFFFFFF10]  }
0xa8: {  	s2 =	simm.s32 @!p2 $0x0;
	v6 =	vmul.f32 s31, v9;
	v5 =	vmul.f32 s31, v13;
	v16 =	vld [tilespmem:s30+$0xFFFFFF20]  }
0xa9: {  	s8 =	sadd.s32 $0x1, s24;
	v17 =	vmul.f32 s2, v19;
	v18 =	vmul.f32 s2, v7;
	v13 =	vld [tilespmem:s30+$0xFFFFFF30]  }
0xaa: {  	s20 =	simm.f32 $1.000000000e+00;
	p2 =	slt.s32 s8, s0;
	v19 =	vmul.f32 s2, v20;
	v20 =	vmul.f32 s2, v21;
	v30 =	vld [tilespmem:s30+$0xFFFFFFA0]  }
0xab: {  	p3 =	slt.s32 s24, s0;
	s21 =	simm.f32 $1.000000000e+00;
	s20 =	simm.s32 @!p2 $0x0;
	v9 =	vmul.f32 s2, v22;
	v7 =	vmul.f32 s2, v23;
	v31 =	vld [tilespmem:s30+$0xFFFFFFB0]  }
0xac: {  	s21 =	simm.s32 @!p3 $0x0;
	v32 =	vmul.f32 s20, v24;
	v33 =	vmul.f32 s20, v25;
	v34 =	vld [tilespmem:s30+$0xFFFFFFC0]  }
.Ltmp10:
0xad: {  	v23 =	vmul.f32 s21, v28;
	v15 =	vmul.f32 s21, v15;
	v21 =	vld [tilespmem:s30+$0xFFFFFFD0];
	(pc) =	sbr.rel @p1 .LBB2_12-.Ltmp10, $4  }
0xae: {  	v24 =	vmul.f32 s21, v16;
	v13 =	vmul.f32 s21, v13;
	v22 =	vld [tilespmem:s30+$0xFFFFFF40]  }
0xaf: {  	v26 =	vadd.f32 v23, v26;
	v27 =	vadd.f32 v15, v27;
	v16 =	vld [tilespmem:s30+$0xFFFFFF50];
	v23 =	vmul.f32 s20, v30  }
0xb0: {  	v24 =	vadd.f32 v24, v14;
	v25 =	vadd.f32 v13, v29;
	v15 =	vld [tilespmem:s30+$0xFFFFFF60];
	v28 =	vmul.f32 s20, v31  }
0xb1: {  	s24 =	sadd.s32 $0x4, s24;
	v26 =	vadd.f32 v32, v26;
	v27 =	vadd.f32 v33, v27;
	v14 =	vld [tilespmem:s30+$0xFFFFFF70];
	v13 =	vmul.f32 s20, v34  }
0xb2: {  	s0 =	sld [smem:s29+$0x180]  }
0xb3: {  	v23 =	vadd.f32 v23, v24;
	v58 =	vadd.f32 v28, v25  }
0xb4: {  	v59 =	vld [tilespmem:s30+$0xFFFFFFE0];
	v22 =	vmul.f32 s21, v22;
	v17 =	vadd.f32 v17, v26;
	v18 =	vadd.f32 v18, v27  }
0xb5: {  	v60 =	vld [tilespmem:s30+$0xFFFFFFF0];
	v16 =	vmul.f32 s21, v16;
	v19 =	vadd.f32 v19, v23;
	v20 =	vadd.f32 v20, v58;
	p1 =	sne.s32 s0, $0x1  }
0xb6: {  	v61 =	vld [tilespmem:s30+$0x60];
	v15 =	vmul.f32 s21, v15;
	v10 =	vadd.f32 v10, v17;
	v11 =	vadd.f32 v11, v18;
	s8 =	sld @!p1 [smem:s29+$0x0]  }
0xb7: {  	v17 =	vld [tilespmem:s30+$0x70];
	v4 =	vadd.f32 v22, v4;
	v18 =	vmul.f32 s20, v21;
	v12 =	vadd.f32 v12, v19  }
0xb8: {  	v14 =	vmul.f32 s21, v14;
	v8 =	vadd.f32 v8, v20;
	v19 =	vld [tilespmem:s30+$0xE0];
	v3 =	vadd.f32 v16, v3  }
0xb9: {  	v16 =	vld [tilespmem:s30+$0xF0];
	v62 =	vmul.f32 s20, v59;
	v2 =	vadd.f32 v15, v2;
	v4 =	vadd.f32 v13, v4;
	s8 =	sshll.u32 @!p1 s8, $0x9  }
0xba: {  	v13 =	vmul.f32 s20, v60;
	v1 =	vadd.f32 v14, v1;
	v3 =	vadd.f32 v18, v3;
	s8 =	sshra.s32 @!p1 s8, $0x2  }
0xbb: {  	v14 =	vmul.f32 s2, v61;
	v2 =	vadd.f32 v62, v2;
	v4 =	vadd.f32 v9, v4;
	[tilespmem:s8+$0x8080] =	vst @!p1 v10  }
0xbc: {  	p2 =	seq.s32 s0, $0x0;
	s0 =	simm.f32 $1.000000000e+00;
	s29 =	sadd.s32 $0x1, s29;
	v1 =	vadd.f32 v13, v1;
	v63 =	vmul.f32 s2, v17;
	v3 =	vadd.f32 v7, v3;
	[tilespmem:s8+$0x8090] =	vst @!p1 v11  }
0xbd: {  	s0 =	simm.s32 @!p2 $0x0;
	p2 =	sne.s32 s29, s26;
	v7 =	vmul.f32 s31, v19;
	v2 =	vadd.f32 v14, v2;
	v4 =	vadd.f32 v6, v4;
	[tilespmem:s8+$0x80A0] =	vst @!p1 v12  }
.Ltmp11:
0xbe: {  	v6 =	vmul.f32 s31, v16;
	[tilespmem:s8+$0x80B0] =	vst @!p1 v8;
	v1 =	vadd.f32 v63, v1;
	v3 =	vadd.f32 v5, v3;
	(pc) =	sbr.rel @p2 .LBB2_11-.Ltmp11, $4  }
0xbf: {  	v15 =	vmul.f32 s0, v11;
	v13 =	vmul.f32 s0, v8;
	v2 =	vadd.f32 v7, v2;
	[tilespmem:s8+$0x80C0] =	vst @!p1 v4  }
0xc0: {  	v16 =	vmul.f32 s0, v10;
	v14 =	vmul.f32 s0, v12;
	v1 =	vadd.f32 v6, v1;
	[tilespmem:s8+$0x80D0] =	vst @!p1 v3  }
0xc1: {  	v4 =	vmul.f32 s0, v4;
	v3 =	vmul.f32 s0, v3;
	[tilespmem:s8+$0x80E0] =	vst @!p1 v2  }
0xc2: {  	s28 =	sadd.s32 $0x1, s28;
	v2 =	vmul.f32 s0, v2;
	[tilespmem:s8+$0x80F0] =	vst @!p1 v1;
	v1 =	vmul.f32 s0, v1  }
.LBB2_14:
0xc3: {  	[spmem:s5] =	stream.linear.scatter [tilespmem:s22], [sflag:$0x5], $0x800, $0x38;
	[tilespmem:$0x9880] =	vst v63  }
.Ltmp12:
0xc4: {  	_ =	swait.ge [sflag:s18], $0x800;
	(pc) =	sbr.rel @p0 .LBB2_32-.Ltmp12, $3  }
0xc5: {  	[sflag:s18] =	ssyncset.done $0x0  }
0xc6: {  	[sflag:s18] =	ssyncadd.s32 $0xFFFFF800  }
0xc7: {  	[bflag:$0x0] =	sbarrier.arrive $0xFFFF;
	_ =	sdelay $0x1  }
0xc8: {  	s0 =	rddreg [dreg:$0x5]  }
0xc9: {  	[tilespmem:s23], [sflag:$0x5] =	stream.linear.gather [spmem:s0], $0x800, $0x38;
	[tilespmem:$0x9880] =	vst v63  }
0xca: {  	_ =	swait.ge [sflag:s18], $0x800  }
0xcb: {  	[sflag:s18] =	ssyncset.done $0x0  }
0xcc: {  	s0 =	simm.s32 $0x80A0;
	[sflag:s18] =	ssyncadd.s32 $0xFFFFF800  }
0xcd: {  	s2 =	simm.s32 $0x88A0;
	v1 =	vld [tilespmem:s0+$0xFFFFFFE0]  }
0xce: {  	v2 =	vld [tilespmem:s2+$0xFFFFFFE0];
	_ =	sdelay $0x4  }
0xcf: {  	v1 =	vadd.f32 v2, v1;
	_ =	sdelay $0x1  }
0xd0: {  	[tilespmem:s0+$0xFFFFFFE0] =	vst v1;
	v1 =	vld [tilespmem:s0+$0xFFFFFFF0]  }
0xd1: {  	v2 =	vld [tilespmem:s2+$0xFFFFFFF0];
	_ =	sdelay $0x4  }
0xd2: {  	v1 =	vadd.f32 v2, v1;
	_ =	sdelay $0x1  }
0xd3: {  	[tilespmem:s0+$0xFFFFFFF0] =	vst v1;
	v1 =	vld [tilespmem:s0+$0x0]  }
0xd4: {  	v2 =	vld [tilespmem:s2+$0x0];
	_ =	sdelay $0x4  }
0xd5: {  	v1 =	vadd.f32 v2, v1;
	_ =	sdelay $0x1  }
0xd6: {  	[tilespmem:s0+$0x0] =	vst v1;
	v1 =	vld [tilespmem:s0+$0x10]  }
0xd7: {  	v2 =	vld [tilespmem:s2+$0x10];
	_ =	sdelay $0x4  }
0xd8: {  	v1 =	vadd.f32 v2, v1  }
0xd9: {  	s20 =	simm.s32 $0x0;
	s21 =	simm.s32 $0x80E0  }
.LBB2_16:
0xda: {  	v2 =	vld [tilespmem:s21+$0xFFFFFFE0];
	[tilespmem:s0+$0x10] =	vst v1;
	s2 =	sadd.s32 $0x40, s2;
	s0 =	smov.u32 s21  }
0xdb: {  	s20 =	sadd.s32 $0x4, s20;
	v1 =	vld [tilespmem:s2+$0xFFFFFFE0]  }
0xdc: {  	p1 =	slt.u32 s20, $0x7C;
	_ =	sdelay $0x3  }
0xdd: {  	v1 =	vadd.f32 v1, v2;
	_ =	sdelay $0x1  }
0xde: {  	[tilespmem:s21+$0xFFFFFFE0] =	vst v1;
	v1 =	vld [tilespmem:s21+$0xFFFFFFF0]  }
0xdf: {  	v2 =	vld [tilespmem:s2+$0xFFFFFFF0];
	_ =	sdelay $0x4  }
0xe0: {  	v1 =	vadd.f32 v2, v1;
	_ =	sdelay $0x1  }
0xe1: {  	[tilespmem:s21+$0xFFFFFFF0] =	vst v1;
	v1 =	vld [tilespmem:s21+$0x0]  }
0xe2: {  	v2 =	vld [tilespmem:s2+$0x0];
	_ =	sdelay $0x4  }
0xe3: {  	v1 =	vadd.f32 v2, v1;
	_ =	sdelay $0x1  }
0xe4: {  	[tilespmem:s21+$0x0] =	vst v1;
	v1 =	vld [tilespmem:s21+$0x10]  }
0xe5: {  	v2 =	vld [tilespmem:s2+$0x10];
	_ =	sdelay $0x1  }
.Ltmp13:
0xe6: {  	(pc) =	sbr.rel @p1 .LBB2_16-.Ltmp13, $3  }
0xe7: {  	_ =	sdelay $0x1  }
0xe8: {  	v1 =	vadd.f32 v2, v1  }
0xe9: {  	s21 =	sadd.s32 $0x40, s21  }
0xea: {  	[tilespmem:s0+$0x10] =	vst v1;
	s31 =	rddreg [dreg:$0x6]  }
0xeb: {  	[tilespmem:s23], [sflag:$0x5] =	stream.linear.gather [spmem:s31], $0x800, $0x38;
	[tilespmem:$0x9880] =	vst v63  }
0xec: {  	_ =	swait.ge [sflag:s18], $0x800  }
0xed: {  	[sflag:s18] =	ssyncset.done $0x0  }
0xee: {  	s0 =	simm.s32 $0x80A0;
	[sflag:s18] =	ssyncadd.s32 $0xFFFFF800  }
0xef: {  	s2 =	simm.s32 $0x88A0;
	v1 =	vld [tilespmem:s0+$0xFFFFFFE0]  }
0xf0: {  	v2 =	vld [tilespmem:s2+$0xFFFFFFE0];
	_ =	sdelay $0x4  }
0xf1: {  	v1 =	vadd.f32 v2, v1;
	_ =	sdelay $0x1  }
0xf2: {  	[tilespmem:s0+$0xFFFFFFE0] =	vst v1;
	v1 =	vld [tilespmem:s0+$0xFFFFFFF0]  }
0xf3: {  	v2 =	vld [tilespmem:s2+$0xFFFFFFF0];
	_ =	sdelay $0x4  }
0xf4: {  	v1 =	vadd.f32 v2, v1;
	_ =	sdelay $0x1  }
0xf5: {  	[tilespmem:s0+$0xFFFFFFF0] =	vst v1;
	v1 =	vld [tilespmem:s0+$0x0]  }
0xf6: {  	v2 =	vld [tilespmem:s2+$0x0];
	_ =	sdelay $0x4  }
0xf7: {  	v1 =	vadd.f32 v2, v1;
	_ =	sdelay $0x1  }
0xf8: {  	[tilespmem:s0+$0x0] =	vst v1;
	v1 =	vld [tilespmem:s0+$0x10]  }
0xf9: {  	v2 =	vld [tilespmem:s2+$0x10];
	_ =	sdelay $0x4  }
0xfa: {  	v1 =	vadd.f32 v2, v1  }
0xfb: {  	s20 =	simm.s32 $0x0;
	s21 =	simm.s32 $0x80E0  }
.LBB2_18:
0xfc: {  	v2 =	vld [tilespmem:s21+$0xFFFFFFE0];
	[tilespmem:s0+$0x10] =	vst v1;
	s2 =	sadd.s32 $0x40, s2;
	s0 =	smov.u32 s21  }
0xfd: {  	s20 =	sadd.s32 $0x4, s20;
	v1 =	vld [tilespmem:s2+$0xFFFFFFE0]  }
0xfe: {  	p1 =	slt.u32 s20, $0x7C;
	_ =	sdelay $0x3  }
0xff: {  	v1 =	vadd.f32 v1, v2;
	_ =	sdelay $0x1  }
0x100: {  	[tilespmem:s21+$0xFFFFFFE0] =	vst v1;
	v1 =	vld [tilespmem:s21+$0xFFFFFFF0]  }
0x101: {  	v2 =	vld [tilespmem:s2+$0xFFFFFFF0];
	_ =	sdelay $0x4  }
0x102: {  	v1 =	vadd.f32 v2, v1;
	_ =	sdelay $0x1  }
0x103: {  	[tilespmem:s21+$0xFFFFFFF0] =	vst v1;
	v1 =	vld [tilespmem:s21+$0x0]  }
0x104: {  	v2 =	vld [tilespmem:s2+$0x0];
	_ =	sdelay $0x4  }
0x105: {  	v1 =	vadd.f32 v2, v1;
	_ =	sdelay $0x1  }
0x106: {  	[tilespmem:s21+$0x0] =	vst v1;
	v1 =	vld [tilespmem:s21+$0x10]  }
0x107: {  	v2 =	vld [tilespmem:s2+$0x10];
	_ =	sdelay $0x1  }
.Ltmp14:
0x108: {  	(pc) =	sbr.rel @p1 .LBB2_18-.Ltmp14, $3  }
0x109: {  	_ =	sdelay $0x1  }
0x10a: {  	v1 =	vadd.f32 v2, v1  }
0x10b: {  	s21 =	sadd.s32 $0x40, s21  }
0x10c: {  	[tilespmem:s0+$0x10] =	vst v1;
	s31 =	rddreg [dreg:$0x7]  }
0x10d: {  	[tilespmem:s23], [sflag:$0x5] =	stream.linear.gather [spmem:s31], $0x800, $0x38;
	[tilespmem:$0x9880] =	vst v63  }
0x10e: {  	_ =	swait.ge [sflag:s18], $0x800  }
0x10f: {  	[sflag:s18] =	ssyncset.done $0x0  }
0x110: {  	s0 =	simm.s32 $0x80A0;
	[sflag:s18] =	ssyncadd.s32 $0xFFFFF800  }
0x111: {  	s2 =	simm.s32 $0x88A0;
	v1 =	vld [tilespmem:s0+$0xFFFFFFE0]  }
0x112: {  	v2 =	vld [tilespmem:s2+$0xFFFFFFE0];
	_ =	sdelay $0x4  }
0x113: {  	v1 =	vadd.f32 v2, v1;
	_ =	sdelay $0x1  }
0x114: {  	[tilespmem:s0+$0xFFFFFFE0] =	vst v1;
	v1 =	vld [tilespmem:s0+$0xFFFFFFF0]  }
0x115: {  	v2 =	vld [tilespmem:s2+$0xFFFFFFF0];
	_ =	sdelay $0x4  }
0x116: {  	v1 =	vadd.f32 v2, v1;
	_ =	sdelay $0x1  }
0x117: {  	[tilespmem:s0+$0xFFFFFFF0] =	vst v1;
	v1 =	vld [tilespmem:s0+$0x0]  }
0x118: {  	v2 =	vld [tilespmem:s2+$0x0];
	_ =	sdelay $0x4  }
0x119: {  	v1 =	vadd.f32 v2, v1;
	_ =	sdelay $0x1  }
0x11a: {  	[tilespmem:s0+$0x0] =	vst v1;
	v1 =	vld [tilespmem:s0+$0x10]  }
0x11b: {  	v2 =	vld [tilespmem:s2+$0x10];
	_ =	sdelay $0x4  }
0x11c: {  	v1 =	vadd.f32 v2, v1  }
0x11d: {  	s20 =	simm.s32 $0x0;
	s21 =	simm.s32 $0x80E0  }
.LBB2_20:
0x11e: {  	v2 =	vld [tilespmem:s21+$0xFFFFFFE0];
	[tilespmem:s0+$0x10] =	vst v1;
	s2 =	sadd.s32 $0x40, s2;
	s0 =	smov.u32 s21  }
0x11f: {  	s20 =	sadd.s32 $0x4, s20;
	v1 =	vld [tilespmem:s2+$0xFFFFFFE0]  }
0x120: {  	p1 =	slt.u32 s20, $0x7C;
	_ =	sdelay $0x3  }
0x121: {  	v1 =	vadd.f32 v1, v2;
	_ =	sdelay $0x1  }
0x122: {  	[tilespmem:s21+$0xFFFFFFE0] =	vst v1;
	v1 =	vld [tilespmem:s21+$0xFFFFFFF0]  }
0x123: {  	v2 =	vld [tilespmem:s2+$0xFFFFFFF0];
	_ =	sdelay $0x4  }
0x124: {  	v1 =	vadd.f32 v2, v1;
	_ =	sdelay $0x1  }
0x125: {  	[tilespmem:s21+$0xFFFFFFF0] =	vst v1;
	v1 =	vld [tilespmem:s21+$0x0]  }
0x126: {  	v2 =	vld [tilespmem:s2+$0x0];
	_ =	sdelay $0x4  }
0x127: {  	v1 =	vadd.f32 v2, v1;
	_ =	sdelay $0x1  }
0x128: {  	[tilespmem:s21+$0x0] =	vst v1;
	v1 =	vld [tilespmem:s21+$0x10]  }
0x129: {  	v2 =	vld [tilespmem:s2+$0x10];
	_ =	sdelay $0x1  }
.Ltmp15:
0x12a: {  	(pc) =	sbr.rel @p1 .LBB2_20-.Ltmp15, $3  }
0x12b: {  	_ =	sdelay $0x1  }
0x12c: {  	v1 =	vadd.f32 v2, v1  }
0x12d: {  	s21 =	sadd.s32 $0x40, s21  }
0x12e: {  	[tilespmem:s0+$0x10] =	vst v1  }
0x12f: {  	[tilespmem:s23], [sflag:$0x5] =	stream.linear.gather [spmem:s11], $0x800, $0x38;
	[tilespmem:$0x9880] =	vst v63  }
0x130: {  	_ =	swait.ge [sflag:s18], $0x800  }
0x131: {  	[sflag:s18] =	ssyncset.done $0x0  }
0x132: {  	s0 =	simm.s32 $0x80A0;
	[sflag:s18] =	ssyncadd.s32 $0xFFFFF800  }
0x133: {  	s2 =	simm.s32 $0x88A0;
	v1 =	vld [tilespmem:s0+$0xFFFFFFE0]  }
0x134: {  	v2 =	vld [tilespmem:s2+$0xFFFFFFE0];
	_ =	sdelay $0x4  }
0x135: {  	v1 =	vadd.f32 v2, v1;
	_ =	sdelay $0x1  }
0x136: {  	[tilespmem:s0+$0xFFFFFFE0] =	vst v1;
	v1 =	vld [tilespmem:s0+$0xFFFFFFF0]  }
0x137: {  	v2 =	vld [tilespmem:s2+$0xFFFFFFF0];
	_ =	sdelay $0x4  }
0x138: {  	v1 =	vadd.f32 v2, v1;
	_ =	sdelay $0x1  }
0x139: {  	[tilespmem:s0+$0xFFFFFFF0] =	vst v1;
	v1 =	vld [tilespmem:s0+$0x0]  }
0x13a: {  	v2 =	vld [tilespmem:s2+$0x0];
	_ =	sdelay $0x4  }
0x13b: {  	v1 =	vadd.f32 v2, v1;
	_ =	sdelay $0x1  }
0x13c: {  	[tilespmem:s0+$0x0] =	vst v1;
	v1 =	vld [tilespmem:s0+$0x10]  }
0x13d: {  	v2 =	vld [tilespmem:s2+$0x10];
	_ =	sdelay $0x4  }
0x13e: {  	v1 =	vadd.f32 v2, v1  }
0x13f: {  	s20 =	simm.s32 $0x0;
	s21 =	simm.s32 $0x80E0  }
.LBB2_22:
0x140: {  	v2 =	vld [tilespmem:s21+$0xFFFFFFE0];
	[tilespmem:s0+$0x10] =	vst v1;
	s2 =	sadd.s32 $0x40, s2;
	s0 =	smov.u32 s21  }
0x141: {  	s20 =	sadd.s32 $0x4, s20;
	v1 =	vld [tilespmem:s2+$0xFFFFFFE0]  }
0x142: {  	p1 =	slt.u32 s20, $0x7C;
	_ =	sdelay $0x3  }
0x143: {  	v1 =	vadd.f32 v1, v2;
	_ =	sdelay $0x1  }
0x144: {  	[tilespmem:s21+$0xFFFFFFE0] =	vst v1;
	v1 =	vld [tilespmem:s21+$0xFFFFFFF0]  }
0x145: {  	v2 =	vld [tilespmem:s2+$0xFFFFFFF0];
	_ =	sdelay $0x4  }
0x146: {  	v1 =	vadd.f32 v2, v1;
	_ =	sdelay $0x1  }
0x147: {  	[tilespmem:s21+$0xFFFFFFF0] =	vst v1;
	v1 =	vld [tilespmem:s21+$0x0]  }
0x148: {  	v2 =	vld [tilespmem:s2+$0x0];
	_ =	sdelay $0x4  }
0x149: {  	v1 =	vadd.f32 v2, v1;
	_ =	sdelay $0x1  }
0x14a: {  	[tilespmem:s21+$0x0] =	vst v1;
	v1 =	vld [tilespmem:s21+$0x10]  }
0x14b: {  	v2 =	vld [tilespmem:s2+$0x10];
	_ =	sdelay $0x1  }
.Ltmp16:
0x14c: {  	(pc) =	sbr.rel @p1 .LBB2_22-.Ltmp16, $3  }
0x14d: {  	_ =	sdelay $0x1  }
0x14e: {  	v1 =	vadd.f32 v2, v1  }
0x14f: {  	s21 =	sadd.s32 $0x40, s21  }
0x150: {  	[tilespmem:s0+$0x10] =	vst v1  }
0x151: {  	[tilespmem:s23], [sflag:$0x5] =	stream.linear.gather [spmem:s12], $0x800, $0x38;
	[tilespmem:$0x9880] =	vst v63  }
0x152: {  	_ =	swait.ge [sflag:s18], $0x800  }
0x153: {  	[sflag:s18] =	ssyncset.done $0x0  }
0x154: {  	s0 =	simm.s32 $0x80A0;
	[sflag:s18] =	ssyncadd.s32 $0xFFFFF800  }
0x155: {  	s2 =	simm.s32 $0x88A0;
	v1 =	vld [tilespmem:s0+$0xFFFFFFE0]  }
0x156: {  	v2 =	vld [tilespmem:s2+$0xFFFFFFE0];
	_ =	sdelay $0x4  }
0x157: {  	v1 =	vadd.f32 v2, v1;
	_ =	sdelay $0x1  }
0x158: {  	[tilespmem:s0+$0xFFFFFFE0] =	vst v1;
	v1 =	vld [tilespmem:s0+$0xFFFFFFF0]  }
0x159: {  	v2 =	vld [tilespmem:s2+$0xFFFFFFF0];
	_ =	sdelay $0x4  }
0x15a: {  	v1 =	vadd.f32 v2, v1;
	_ =	sdelay $0x1  }
0x15b: {  	[tilespmem:s0+$0xFFFFFFF0] =	vst v1;
	v1 =	vld [tilespmem:s0+$0x0]  }
0x15c: {  	v2 =	vld [tilespmem:s2+$0x0];
	_ =	sdelay $0x4  }
0x15d: {  	v1 =	vadd.f32 v2, v1;
	_ =	sdelay $0x1  }
0x15e: {  	[tilespmem:s0+$0x0] =	vst v1;
	v1 =	vld [tilespmem:s0+$0x10]  }
0x15f: {  	v2 =	vld [tilespmem:s2+$0x10];
	_ =	sdelay $0x4  }
0x160: {  	v1 =	vadd.f32 v2, v1  }
0x161: {  	s20 =	simm.s32 $0x0;
	s21 =	simm.s32 $0x80E0  }
.LBB2_24:
0x162: {  	v2 =	vld [tilespmem:s21+$0xFFFFFFE0];
	[tilespmem:s0+$0x10] =	vst v1;
	s2 =	sadd.s32 $0x40, s2;
	s0 =	smov.u32 s21  }
0x163: {  	s20 =	sadd.s32 $0x4, s20;
	v1 =	vld [tilespmem:s2+$0xFFFFFFE0]  }
0x164: {  	p1 =	slt.u32 s20, $0x7C;
	_ =	sdelay $0x3  }
0x165: {  	v1 =	vadd.f32 v1, v2;
	_ =	sdelay $0x1  }
0x166: {  	[tilespmem:s21+$0xFFFFFFE0] =	vst v1;
	v1 =	vld [tilespmem:s21+$0xFFFFFFF0]  }
0x167: {  	v2 =	vld [tilespmem:s2+$0xFFFFFFF0];
	_ =	sdelay $0x4  }
0x168: {  	v1 =	vadd.f32 v2, v1;
	_ =	sdelay $0x1  }
0x169: {  	[tilespmem:s21+$0xFFFFFFF0] =	vst v1;
	v1 =	vld [tilespmem:s21+$0x0]  }
0x16a: {  	v2 =	vld [tilespmem:s2+$0x0];
	_ =	sdelay $0x4  }
0x16b: {  	v1 =	vadd.f32 v2, v1;
	_ =	sdelay $0x1  }
0x16c: {  	[tilespmem:s21+$0x0] =	vst v1;
	v1 =	vld [tilespmem:s21+$0x10]  }
0x16d: {  	v2 =	vld [tilespmem:s2+$0x10];
	_ =	sdelay $0x1  }
.Ltmp17:
0x16e: {  	(pc) =	sbr.rel @p1 .LBB2_24-.Ltmp17, $3  }
0x16f: {  	_ =	sdelay $0x1  }
0x170: {  	v1 =	vadd.f32 v2, v1  }
0x171: {  	s21 =	sadd.s32 $0x40, s21  }
0x172: {  	[tilespmem:s0+$0x10] =	vst v1  }
0x173: {  	[tilespmem:s23], [sflag:$0x5] =	stream.linear.gather [spmem:s13], $0x800, $0x38;
	[tilespmem:$0x9880] =	vst v63  }
0x174: {  	_ =	swait.ge [sflag:s18], $0x800  }
0x175: {  	[sflag:s18] =	ssyncset.done $0x0  }
0x176: {  	s0 =	simm.s32 $0x80A0;
	[sflag:s18] =	ssyncadd.s32 $0xFFFFF800  }
0x177: {  	s2 =	simm.s32 $0x88A0;
	v1 =	vld [tilespmem:s0+$0xFFFFFFE0]  }
0x178: {  	v2 =	vld [tilespmem:s2+$0xFFFFFFE0];
	_ =	sdelay $0x4  }
0x179: {  	v1 =	vadd.f32 v2, v1;
	_ =	sdelay $0x1  }
0x17a: {  	[tilespmem:s0+$0xFFFFFFE0] =	vst v1;
	v1 =	vld [tilespmem:s0+$0xFFFFFFF0]  }
0x17b: {  	v2 =	vld [tilespmem:s2+$0xFFFFFFF0];
	_ =	sdelay $0x4  }
0x17c: {  	v1 =	vadd.f32 v2, v1;
	_ =	sdelay $0x1  }
0x17d: {  	[tilespmem:s0+$0xFFFFFFF0] =	vst v1;
	v1 =	vld [tilespmem:s0+$0x0]  }
0x17e: {  	v2 =	vld [tilespmem:s2+$0x0];
	_ =	sdelay $0x4  }
0x17f: {  	v1 =	vadd.f32 v2, v1;
	_ =	sdelay $0x1  }
0x180: {  	[tilespmem:s0+$0x0] =	vst v1;
	v1 =	vld [tilespmem:s0+$0x10]  }
0x181: {  	v2 =	vld [tilespmem:s2+$0x10];
	_ =	sdelay $0x4  }
0x182: {  	v1 =	vadd.f32 v2, v1  }
0x183: {  	s20 =	simm.s32 $0x0;
	s21 =	simm.s32 $0x80E0  }
.LBB2_26:
0x184: {  	v2 =	vld [tilespmem:s21+$0xFFFFFFE0];
	[tilespmem:s0+$0x10] =	vst v1;
	s2 =	sadd.s32 $0x40, s2;
	s0 =	smov.u32 s21  }
0x185: {  	s20 =	sadd.s32 $0x4, s20;
	v1 =	vld [tilespmem:s2+$0xFFFFFFE0]  }
0x186: {  	p1 =	slt.u32 s20, $0x7C;
	_ =	sdelay $0x3  }
0x187: {  	v1 =	vadd.f32 v1, v2;
	_ =	sdelay $0x1  }
0x188: {  	[tilespmem:s21+$0xFFFFFFE0] =	vst v1;
	v1 =	vld [tilespmem:s21+$0xFFFFFFF0]  }
0x189: {  	v2 =	vld [tilespmem:s2+$0xFFFFFFF0];
	_ =	sdelay $0x4  }
0x18a: {  	v1 =	vadd.f32 v2, v1;
	_ =	sdelay $0x1  }
0x18b: {  	[tilespmem:s21+$0xFFFFFFF0] =	vst v1;
	v1 =	vld [tilespmem:s21+$0x0]  }
0x18c: {  	v2 =	vld [tilespmem:s2+$0x0];
	_ =	sdelay $0x4  }
0x18d: {  	v1 =	vadd.f32 v2, v1;
	_ =	sdelay $0x1  }
0x18e: {  	[tilespmem:s21+$0x0] =	vst v1;
	v1 =	vld [tilespmem:s21+$0x10]  }
0x18f: {  	v2 =	vld [tilespmem:s2+$0x10];
	_ =	sdelay $0x1  }
.Ltmp18:
0x190: {  	(pc) =	sbr.rel @p1 .LBB2_26-.Ltmp18, $3  }
0x191: {  	_ =	sdelay $0x1  }
0x192: {  	v1 =	vadd.f32 v2, v1  }
0x193: {  	s21 =	sadd.s32 $0x40, s21  }
0x194: {  	[tilespmem:s0+$0x10] =	vst v1  }
0x195: {  	[tilespmem:s23], [sflag:$0x5] =	stream.linear.gather [spmem:s14], $0x800, $0x38;
	[tilespmem:$0x9880] =	vst v63  }
0x196: {  	_ =	swait.ge [sflag:s18], $0x800  }
0x197: {  	[sflag:s18] =	ssyncset.done $0x0  }
0x198: {  	s20 =	simm.s32 $0x80A0;
	[sflag:s18] =	ssyncadd.s32 $0xFFFFF800  }
0x199: {  	s2 =	simm.s32 $0x88A0;
	v1 =	vld [tilespmem:s20+$0xFFFFFFE0]  }
0x19a: {  	v2 =	vld [tilespmem:s2+$0xFFFFFFE0];
	_ =	sdelay $0x4  }
0x19b: {  	v1 =	vadd.f32 v2, v1;
	_ =	sdelay $0x1  }
0x19c: {  	[tilespmem:s20+$0xFFFFFFE0] =	vst v1;
	v1 =	vld [tilespmem:s20+$0xFFFFFFF0]  }
0x19d: {  	v2 =	vld [tilespmem:s2+$0xFFFFFFF0];
	_ =	sdelay $0x4  }
0x19e: {  	v1 =	vadd.f32 v2, v1;
	_ =	sdelay $0x1  }
0x19f: {  	[tilespmem:s20+$0xFFFFFFF0] =	vst v1;
	v1 =	vld [tilespmem:s20+$0x0]  }
0x1a0: {  	v2 =	vld [tilespmem:s2+$0x0];
	_ =	sdelay $0x4  }
0x1a1: {  	v1 =	vadd.f32 v2, v1;
	_ =	sdelay $0x1  }
0x1a2: {  	[tilespmem:s20+$0x0] =	vst v1;
	v1 =	vld [tilespmem:s20+$0x10]  }
0x1a3: {  	v2 =	vld [tilespmem:s2+$0x10];
	_ =	sdelay $0x4  }
0x1a4: {  	v1 =	vadd.f32 v2, v1  }
0x1a5: {  	s21 =	simm.s32 $0x0;
	s24 =	simm.s32 $0x80E0  }
.LBB2_28:
0x1a6: {  	v2 =	vld [tilespmem:s24+$0xFFFFFFE0];
	[tilespmem:s20+$0x10] =	vst v1;
	s2 =	sadd.s32 $0x40, s2;
	s0 =	simm.s32 $0x80C0  }
0x1a7: {  	s21 =	sadd.s32 $0x4, s21;
	s20 =	smov.u32 s24;
	v1 =	vld [tilespmem:s2+$0xFFFFFFE0]  }
0x1a8: {  	p1 =	slt.u32 s21, $0x7C;
	_ =	sdelay $0x3  }
0x1a9: {  	v1 =	vadd.f32 v1, v2;
	_ =	sdelay $0x1  }
0x1aa: {  	[tilespmem:s24+$0xFFFFFFE0] =	vst v1;
	v1 =	vld [tilespmem:s24+$0xFFFFFFF0]  }
0x1ab: {  	v2 =	vld [tilespmem:s2+$0xFFFFFFF0];
	_ =	sdelay $0x4  }
0x1ac: {  	v1 =	vadd.f32 v2, v1;
	_ =	sdelay $0x1  }
0x1ad: {  	[tilespmem:s24+$0xFFFFFFF0] =	vst v1;
	v1 =	vld [tilespmem:s24+$0x0]  }
0x1ae: {  	v2 =	vld [tilespmem:s2+$0x0];
	_ =	sdelay $0x4  }
0x1af: {  	v1 =	vadd.f32 v2, v1;
	_ =	sdelay $0x1  }
0x1b0: {  	[tilespmem:s24+$0x0] =	vst v1;
	v1 =	vld [tilespmem:s24+$0x10]  }
0x1b1: {  	v2 =	vld [tilespmem:s2+$0x10];
	_ =	sdelay $0x1  }
.Ltmp19:
0x1b2: {  	(pc) =	sbr.rel @p1 .LBB2_28-.Ltmp19, $3  }
0x1b3: {  	_ =	sdelay $0x1  }
0x1b4: {  	v1 =	vadd.f32 v2, v1  }
0x1b5: {  	s24 =	sadd.s32 $0x40, s24  }
0x1b6: {  	[tilespmem:s20+$0x10] =	vst v1;
	s2 =	simm.s32 $0x0  }
0x1b7: {  	v1 =	vld [tilespmem:s2+$0x0];
	_ =	sdelay $0x4  }
0x1b8: {  	(v2sf) =	vpush v1, $0x0;
	_ =	sdelay $0xe  }
0x1b9: {  	s31 =	spop (v2sf)  }
0x1ba: {  	s2 =	scvt.s32.f32 s31;
	_ =	sdelay $0x1  }
0x1bb: {  	v1 =	vmov s2  }
0x1bc: {  	(erf) = vrcp.f32 v1;
	_ =	sdelay $0x4  }
0x1bd: {  	v1 =	vld [tilespmem:s0+$0xFFFFFFC0]  }
0x1be: {  	v2 =	vld [tilespmem:s0+$0xFFFFFFD0]  }
0x1bf: {  	v3 =	vld [tilespmem:s0+$0xFFFFFFE0]  }
0x1c0: {  	v4 =	vld [tilespmem:s0+$0xFFFFFFF0]  }
0x1c1: {  	v5 =	vld [tilespmem:s0+$0x0];
	v6 =	vpop (erf)  }
0x1c2: {  	v7 =	vld [tilespmem:s0+$0x10];
	v1 =	vmul.f32 v6, v1  }
0x1c3: {  	v8 =	vld [tilespmem:s0+$0x20];
	v2 =	vmul.f32 v6, v2  }
0x1c4: {  	v9 =	vld [tilespmem:s0+$0x30];
	v3 =	vmul.f32 v6, v3;
	[tilespmem:s0+$0xFFFFFFC0] =	vst v1  }
0x1c5: {  	v1 =	vmul.f32 v4, v6;
	[tilespmem:s0+$0xFFFFFFD0] =	vst v2  }
0x1c6: {  	v2 =	vmul.f32 v5, v6;
	[tilespmem:s0+$0xFFFFFFE0] =	vst v3  }
0x1c7: {  	v3 =	vmul.f32 v7, v6;
	[tilespmem:s0+$0xFFFFFFF0] =	vst v1  }
0x1c8: {  	v1 =	vmul.f32 v8, v6;
	[tilespmem:s0+$0x0] =	vst v2  }
0x1c9: {  	v2 =	vmul.f32 v9, v6;
	[tilespmem:s0+$0x10] =	vst v3  }
0x1ca: {  	[tilespmem:s0+$0x20] =	vst v1  }
0x1cb: {  	s8 =	simm.s32 $0x1;
	s2 =	simm.s32 $0x8;
	[tilespmem:s0+$0x30] =	vst v2  }
.LBB2_30:
0x1cc: {  	p1 =	sne.s32 s2, $0x3C;
	v1 =	vld [tilespmem:s8+$0x0];
	_ =	sdelay $0x4  }
0x1cd: {  	(v2sf) =	vpush v1, $0x0;
	_ =	sdelay $0xe  }
0x1ce: {  	s8 =	spop (v2sf)  }
0x1cf: {  	s8 =	scvt.s32.f32 s8;
	_ =	sdelay $0x1  }
0x1d0: {  	v1 =	vmov s8  }
0x1d1: {  	s0 =	sadd.s32 $0x80, s0;
	(erf) = vrcp.f32 v1  }
0x1d2: {  	v1 =	vld [tilespmem:s0+$0xFFFFFFF0]  }
0x1d3: {  	v2 =	vld [tilespmem:s0+$0x30]  }
0x1d4: {  	v3 =	vld [tilespmem:s0+$0x10]  }
0x1d5: {  	v4 =	vld [tilespmem:s0+$0xFFFFFFD0]  }
0x1d6: {  	v5 =	vld [tilespmem:s0+$0xFFFFFFC0]  }
0x1d7: {  	v6 =	vld [tilespmem:s0+$0xFFFFFFE0]  }
0x1d8: {  	v7 =	vld [tilespmem:s0+$0x0]  }
0x1d9: {  	v8 =	vld [tilespmem:s0+$0x20]  }
0x1da: {  	v9 =	vpop (erf)  }
0x1db: {  	v5 =	vmul.f32 v9, v5;
	v4 =	vmul.f32 v9, v4  }
0x1dc: {  	v1 =	vmul.f32 v1, v9;
	v6 =	vmul.f32 v9, v6  }
0x1dd: {  	v3 =	vmul.f32 v3, v9;
	[tilespmem:s0+$0xFFFFFFC0] =	vst v5;
	v5 =	vmul.f32 v7, v9  }
0x1de: {  	v2 =	vmul.f32 v2, v9;
	[tilespmem:s0+$0xFFFFFFD0] =	vst v4;
	v4 =	vmul.f32 v8, v9  }
0x1df: {  	[tilespmem:s0+$0xFFFFFFE0] =	vst v6  }
.Ltmp20:
0x1e0: {  	[tilespmem:s0+$0xFFFFFFF0] =	vst v1;
	(pc) =	sbr.rel @p1 .LBB2_30-.Ltmp20, $4  }
0x1e1: {  	[tilespmem:s0+$0x0] =	vst v5  }
0x1e2: {  	[tilespmem:s0+$0x10] =	vst v3  }
0x1e3: {  	[tilespmem:s0+$0x20] =	vst v4  }
0x1e4: {  	s8 =	sshra.s32 s2, $0x2;
	s2 =	sadd.s32 $0x4, s2;
	[tilespmem:s0+$0x30] =	vst v2  }
0x1e5: {  	v1 =	vld [tilespmem:s8+$0x0];
	_ =	sdelay $0x4  }
0x1e6: {  	(v2sf) =	vpush v1, $0x0;
	_ =	sdelay $0xe  }
0x1e7: {  	s2 =	spop (v2sf)  }
0x1e8: {  	s2 =	scvt.s32.f32 s2;
	_ =	sdelay $0x1  }
0x1e9: {  	v1 =	vmov s2  }
0x1ea: {  	(erf) = vrcp.f32 v1;
	_ =	sdelay $0x3  }
0x1eb: {  	s0 =	sadd.s32 $0x80, s0  }
0x1ec: {  	v1 =	vld [tilespmem:s0+$0xFFFFFFC0]  }
0x1ed: {  	v2 =	vld [tilespmem:s0+$0xFFFFFFD0]  }
0x1ee: {  	v3 =	vld [tilespmem:s0+$0xFFFFFFE0]  }
0x1ef: {  	v4 =	vld [tilespmem:s0+$0xFFFFFFF0]  }
0x1f0: {  	v5 =	vld [tilespmem:s0+$0x0];
	v6 =	vpop (erf)  }
0x1f1: {  	v7 =	vld [tilespmem:s0+$0x10];
	v1 =	vmul.f32 v6, v1  }
0x1f2: {  	v8 =	vld [tilespmem:s0+$0x20];
	v2 =	vmul.f32 v6, v2  }
0x1f3: {  	v9 =	vld [tilespmem:s0+$0x30];
	v3 =	vmul.f32 v6, v3;
	[tilespmem:s0+$0xFFFFFFC0] =	vst v1  }
0x1f4: {  	v1 =	vmul.f32 v4, v6;
	[tilespmem:s0+$0xFFFFFFD0] =	vst v2  }
0x1f5: {  	v2 =	vmul.f32 v5, v6;
	[tilespmem:s0+$0xFFFFFFE0] =	vst v3  }
0x1f6: {  	v3 =	vmul.f32 v7, v6;
	[tilespmem:s0+$0xFFFFFFF0] =	vst v1  }
0x1f7: {  	v1 =	vmul.f32 v8, v6;
	[tilespmem:s0+$0x0] =	vst v2  }
0x1f8: {  	v2 =	vmul.f32 v9, v6;
	[tilespmem:s0+$0x10] =	vst v3  }
0x1f9: {  	[tilespmem:s0+$0x20] =	vst v1  }
.Ltmp21:
0x1fa: {  	s31 =	simm.s32 $0x1000;
	[tilespmem:s0+$0x30] =	vst v2;
	(pc) =	sbr.rel .LBB2_32-.Ltmp21, $4  }
0x1fb: {  	[hbm4b:s15+s19] =	stream.strided.scatter [tilespmem:s22], [sflag:$0x5], $0x800, s31, s19, $0x38;
	[tilespmem:$0x9880] =	vst v63  }
0x1fc: {  	_ =	swait.ge [sflag:s18], $0x800  }
0x1fd: {  	[sflag:s18] =	ssyncset.done $0x0  }
0x1fe: {  	[sflag:s18] =	ssyncadd.s32 $0xFFFFF800  }
.LBB2_33:
0x1ff: {  	_ =	sfence.sel $0x180000  }
0x200: {  	[bflag:$0x0] =	sbarrier.arrive $0xFFFF  }
0x201: {  	_ =	strace $0x90000047  }
0x202: {  	s0 =	stileid.u32;
	[bflag:$0x2] =	sbarrier.arrive $0xFFFF  }
0x203: {  	p0 =	sne.s32 s0, $0x0;
	s0 =	rddreg [dreg:$0x4]  }
0x204: {  	s0 =	sadd.s32 @!p0 $0x100000, s0  }
0x205: {  	[sflag:s0] =	ssyncadd.tile.s32 @!p0 $0x1;
	_ =	shalt  }
.Lfunc_end2:
_tile_overlayer_lowered:
.L_overlay_start_2:
0x206: {  	(tag) =	ssettag $0x2  }
0x207: {  	s0 =	rddreg [dreg:$0x0];
	s2 =	stileid.u32  }
0x208: {  	s1 =	rddreg [dreg:$0x1];
	p0 =	sne.s32 s2, $0x0  }
0x209: {  	s3 =	rddreg [dreg:$0x2];
	[bflag:$0x3] =	sbarrier.arrive $0xFFFF;
	s2 =	simm.s32 @!p0 $0x1C05  }
0x20a: {  	[timem:s3], [sflag:s2] =	dma.local @!p0 [hbm:s0], s1  }
0x20b: {  	s0 =	simm.s32 @!p0 $0x5  }
0x20c: {  	_ =	swait.ge @!p0 [sflag:s0], s1  }
0x20d: {  	s1 =	ssub.s32 @!p0 $0x0, s1;
	[sflag:s0] =	ssyncset.done @!p0 $0x0  }
0x20e: {  	[sflag:s0] =	ssyncadd.s32 @!p0 s1  }
0x20f: {  	[bflag:$0x3] =	sbarrier.arrive $0xFFFF  }
0x210: {  	_ =	shalt  }

</sc_bundles>
